<compile_context>
chip_gen: v7x
topology: tpu7x:2x2x1
jax: 0.10.2.dev20260603
libtpu: 0.0.44.dev20260713+nightly
codegen_flags: <defaults>
</compile_context>

<pallas_src>
import functools

import jax
import jax.numpy as jnp
from jax import lax
from jax.experimental import pallas as pl
from jax.experimental.pallas import tpu as pltpu
from jax.experimental.pallas import tpu_sc as plsc

N = 10000
E = 320000
D = 128

NC = 2
NS = 16
NW = NC * NS
K = 128
EPT = 10240
G = EPT // (4 * K)
NPAD = 10112
RPT = NPAD // NS


def _make_agg():
    mesh = plsc.VectorSubcoreMesh(core_axis_name="c", subcore_axis_name="s",
                                  num_cores=NC, num_subcores=NS)
    scratch = [
        pltpu.VMEM_SHARED((NPAD, D), jnp.float32),
        pltpu.VMEM((G // 2, 8, K), jnp.int32),
        pltpu.VMEM((K, D), jnp.float32),
        pltpu.VMEM((K, D), jnp.float32),
        pltpu.SemaphoreType.DMA,
        pltpu.SemaphoreType.DMA,
        pltpu.SemaphoreType.DMA,
        pltpu.SemaphoreType.DMA,
    ]

    def body(h_hbm, idx_hbm, zeros_hbm, out_hbm,
             acc, idxv, rb0, rb1, g0, g1, s0, s1):
        cid = lax.axis_index("c")
        sid = lax.axis_index("s")
        wid = sid * NC + cid
        row0 = sid * RPT

        pltpu.sync_copy(zeros_hbm.at[pl.ds(row0, RPT)],
                        acc.at[pl.ds(row0, RPT)])
        plsc.subcore_barrier()

        rbufs = (rb0, rb1)
        gsems = (g0, g1)
        ssems = (s0, s1)

        for h in range(2):
            pltpu.sync_copy(idx_hbm.at[wid, pl.ds(h * (G // 2), G // 2)],
                            idxv)

            @pl.loop(0, G // 2)
            def _(g):
                gds = [pltpu.async_copy(h_hbm.at[idxv.at[g, b]],
                                        rbufs[b], gsems[b])
                       for b in range(2)]
                sds = [None, None]
                for j in range(4):
                    b = j % 2
                    gds[b].wait()
                    sds[b] = pltpu.async_copy(
                        rbufs[b], acc.at[idxv.at[g, 4 + j]], ssems[b],
                        add=True)
                    if j + 2 < 4:
                        sds[b].wait()
                        gds[b] = pltpu.async_copy(
                            h_hbm.at[idxv.at[g, j + 2]], rbufs[b], gsems[b])
                sds[0].wait()
                sds[1].wait()

        plsc.subcore_barrier()
        pltpu.sync_copy(acc.at[pl.ds(row0, RPT)],
                        out_hbm.at[cid, pl.ds(row0, RPT)])

    return pl.kernel(body,
                     out_type=jax.ShapeDtypeStruct((NC, NPAD, D), jnp.float32),
                     mesh=mesh, scratch_types=scratch)


def _make_deg():
    import dataclasses
    mesh = plsc.VectorSubcoreMesh(core_axis_name="c", subcore_axis_name="s",
                                  num_cores=NC, num_subcores=NS)
    cp = pltpu.CompilerParams()
    if "needs_layout_passes" in pltpu.CompilerParams.__dataclass_fields__:
        cp = dataclasses.replace(cp, needs_layout_passes=False)
    scratch = [
        pltpu.VMEM((NPAD,), jnp.float32),
        pltpu.VMEM((8, K), jnp.int32),
        pltpu.SemaphoreType.DMA,
    ]

    def body(idx_hbm, deg_hbm, hist, iba, isem):
        cid = lax.axis_index("c")
        sid = lax.axis_index("s")
        wid = sid * NC + cid

        @pl.loop(0, NPAD // 16)
        def _(i):
            hist[pl.ds(i * 16, 16)] = jnp.zeros((16,), jnp.float32)

        ones16 = jnp.ones((16,), jnp.float32)

        @pl.loop(0, G)
        def _(g):
            pltpu.async_copy(idx_hbm.at[wid, g], iba, isem).wait()
            for j in range(4):
                for l in range(K // 16):
                    ids = iba[4 + j, pl.ds(l * 16, 16)]
                    plsc.addupdate_scatter(hist, [ids], ones16)

        pltpu.sync_copy(hist, deg_hbm.at[wid])

    return pl.kernel(body,
                     out_type=jax.ShapeDtypeStruct((NW, NPAD), jnp.float32),
                     mesh=mesh, compiler_params=cp, scratch_types=scratch)


_make_agg = functools.cache(_make_agg)
_make_deg = functools.cache(_make_deg)


def _tc_layer(p, pdeg, h, W_l, W_r, b, gamma, beta, W_h=None, b_h=None):
    final = W_h is not None

    def body(*refs):
        if final:
            (p_ref, pd_ref, h_ref, wl_ref, wr_ref, b_ref, g_ref, be_ref,
             wh_ref, bh_ref, o_ref) = refs
        else:
            (p_ref, pd_ref, h_ref, wl_ref, wr_ref, b_ref, g_ref, be_ref,
             o_ref) = refs
        deg = lax.dot_general(pd_ref[...], jnp.ones((NW, 1), jnp.float32),
                              (((0,), (0,)), ((), ())),
                              preferred_element_type=jnp.float32)
        deg = jnp.maximum(deg[:N], 1.0)
        agg = (p_ref[0, :N, :] + p_ref[1, :N, :]) / deg
        z = (jnp.dot(agg, wl_ref[...], preferred_element_type=jnp.float32)
             + jnp.dot(h_ref[...], wr_ref[...], preferred_element_type=jnp.float32)
             + b_ref[...])
        mu = jnp.mean(z, axis=-1, keepdims=True)
        zc = z - mu
        var = jnp.mean(zc * zc, axis=-1, keepdims=True)
        z = g_ref[...] * zc / jnp.sqrt(var + 1e-5) + be_ref[...]
        z = jnp.maximum(z, 0.0)
        if final:
            z = (jnp.dot(z, wh_ref[...], preferred_element_type=jnp.float32)
                 + bh_ref[...])
        o_ref[...] = z

    args = [p, pdeg, h, W_l, W_r, b, gamma, beta]
    if final:
        args += [W_h, b_h]
    return pl.pallas_call(
        body,
        out_shape=jax.ShapeDtypeStruct((N, D), jnp.float32),
    )(*args)


def kernel(x, edge_index, W_l0, W_r0, b0, gamma0, beta0,
           W_l1, W_r1, b1, gamma1, beta1, W_h, b_h):
    src = edge_index[0].astype(jnp.int32).reshape(NW, E // NW)
    dst = edge_index[1].astype(jnp.int32).reshape(NW, E // NW)
    pad = EPT - E // NW
    src_d = jnp.pad(src, ((0, 0), (0, pad)))
    dst_d = jnp.pad(dst, ((0, 0), (0, pad)), constant_values=N)
    packed = jnp.concatenate([src_d.reshape(NW, G, 4, K),
                              dst_d.reshape(NW, G, 4, K)], axis=2)
    zeros = jnp.zeros((NPAD, D), jnp.float32)

    pdeg = _make_deg()(packed)
    p0 = _make_agg()(x, packed, zeros)
    h1 = _tc_layer(p0, pdeg, x, W_l0, W_r0, b0, gamma0, beta0)
    p1 = _make_agg()(h1, packed, zeros)
    out = _tc_layer(p1, pdeg, h1, W_l1, W_r1, b1, gamma1, beta1, W_h, b_h)
    return out

# --- scband reference (transcript-rebuilt; emitter-appended) ---
"""Pipeline reference for scband-universal-homogeneous-sagemodel-87033217286400 (READ-ONLY COPY).

The authoritative reference and input builder live on the scoring server;
editing this copy changes nothing except your own understanding.
"""

import jax, jax.numpy as jnp
import numpy as np

N = 10000
E = 320000
D = 128

def _layer_norm(x, gamma, beta, eps=1e-5):
    mu = jnp.mean(x, axis=-1, keepdims=True)
    var = jnp.var(x, axis=-1, keepdims=True)
    return gamma * (x - mu) / jnp.sqrt(var + eps) + beta

def _sage_conv(x, src, dst, W_l, W_r, b):
    # PyG SAGEConv with mean aggregation:
    # out = lin_l(mean_{j in N(i)} x_j) + lin_r(x_i)
    msg = jnp.take(x, src, axis=0)                                   # gather [E, D]
    agg = jax.ops.segment_sum(msg, dst, num_segments=N)              # scatter-add [N, D]
    deg = jax.ops.segment_sum(jnp.ones((E,), dtype=x.dtype), dst, num_segments=N)
    agg = agg / jnp.clip(deg, 1.0, None)[:, None]
    return agg @ W_l + x @ W_r + b

def setup_inputs(seed: int = 0) -> dict:
    key = jax.random.key(seed)
    ks = jax.random.split(key, 16)
    s = 1.0 / np.sqrt(D)
    inp = {}
    inp["x"] = jax.random.normal(ks[0], (N, D), dtype=jnp.float32)
    inp["edge_index"] = jax.random.randint(ks[1], (2, E), 0, N, dtype=jnp.int64)
    # layer 0 params
    inp["W_l0"] = jax.random.normal(ks[2], (D, D), dtype=jnp.float32) * s
    inp["W_r0"] = jax.random.normal(ks[3], (D, D), dtype=jnp.float32) * s
    inp["b0"] = jnp.zeros((D,), dtype=jnp.float32)
    inp["gamma0"] = jnp.ones((D,), dtype=jnp.float32)
    inp["beta0"] = jnp.zeros((D,), dtype=jnp.float32)
    # layer 1 params
    inp["W_l1"] = jax.random.normal(ks[4], (D, D), dtype=jnp.float32) * s
    inp["W_r1"] = jax.random.normal(ks[5], (D, D), dtype=jnp.float32) * s
    inp["b1"] = jnp.zeros((D,), dtype=jnp.float32)
    inp["gamma1"] = jnp.ones((D,), dtype=jnp.float32)
    inp["beta1"] = jnp.zeros((D,), dtype=jnp.float32)
    # head MLP (num_layers=1 -> single Linear, no norm/act after last layer)
    inp["W_h"] = jax.random.normal(ks[6], (D, D), dtype=jnp.float32) * s
    inp["b_h"] = jnp.zeros((D,), dtype=jnp.float32)
    return inp

def reference(x, edge_index, W_l0, W_r0, b0, gamma0, beta0, W_l1, W_r1, b1, gamma1, beta1, W_h, b_h):
    src = edge_index[0]
    dst = edge_index[1]
    h = _sage_conv(x, src, dst, W_l0, W_r0, b0)
    h = _layer_norm(h, gamma0, beta0)
    h = jax.nn.relu(h)
    h = _sage_conv(h, src, dst, W_l1, W_r1, b1)
    h = _layer_norm(h, gamma1, beta1)
    h = jax.nn.relu(h)
    out = h @ W_h + b_h
    return out

if __name__ == "__main__":
    import jax
    _d = setup_inputs()
    print(jax.jit(kernel)(*tuple(_d.values())))

</pallas_src>

<mosaic_0001>
#map = affine_map<(d0, d1) -> (0, 0)>
#map1 = affine_map<(d0, d1) -> (0, 0, 0, 0)>
#map2 = affine_map<(d0, d1) -> (0, 0, 0)>
module attributes {stable_mosaic.version = 14 : i64} {
  func.func @body(%arg0: i32, %arg1: i32, %arg2: memref<10000x128xf32, #tpu.memory_space<hbm>>, %arg3: memref<32x20x8x128xi32, #tpu.memory_space<hbm>>, %arg4: memref<10112x128xf32, #tpu.memory_space<hbm>>, %arg5: memref<2x10112x128xf32, #tpu.memory_space<hbm>>, %arg6: memref<10112x128xf32, #tpu.memory_space<vmem_shared>>, %arg7: memref<10x8x128xi32, #tpu.memory_space<vmem>>, %arg8: memref<128x128xf32, #tpu.memory_space<vmem>>, %arg9: memref<128x128xf32, #tpu.memory_space<vmem>>, %arg10: memref<!tpu.dma_semaphore, #tpu.memory_space<semaphore_mem>>, %arg11: memref<!tpu.dma_semaphore, #tpu.memory_space<semaphore_mem>>, %arg12: memref<!tpu.dma_semaphore, #tpu.memory_space<semaphore_mem>>, %arg13: memref<!tpu.dma_semaphore, #tpu.memory_space<semaphore_mem>>) attributes {dimension_semantics = [#tpu.dimension_semantics<core_parallel>, #tpu.dimension_semantics<subcore_parallel>], iteration_bounds = array<i64: 2, 16>, scalar_prefetch = 0 : i64, scratch_operands = 8 : i64, tpu.core_type = #tpu.core_type<sc_vector_subcore>, window_params = [{transform_indices = #map}, {transform_indices = #map1}, {transform_indices = #map}, {transform_indices = #map2}]} {
    %mul3A = arith.constant 2 : i32
    %mul3A_0 = arith.muli %arg1, %mul3A : i32
    %add3A = arith.addi %mul3A_0, %arg0 : i32
    %mul3A_1 = arith.constant 632 : i32
    %mul3A_2 = arith.muli %arg1, %mul3A_1 : i32
    "tpu.region"() ({
      %run_scoped3A = tpu.sem_alloc : memref<!tpu.dma_semaphore, #tpu.memory_space<semaphore_mem>>
      %dma_start3A = arith.constant 0 : i32
      %dma_start3A_13 = tpu.memref_slice %arg6[%mul3A_2, %dma_start3A] : memref<10112x128xf32, #tpu.memory_space<vmem_shared>> -> memref<632x128xf32, #tpu.memory_space<vmem_shared>>
      %dma_start3A_14 = arith.constant 0 : i32
      %dma_start3A_15 = tpu.memref_slice %arg4[%mul3A_2, %dma_start3A_14] : memref<10112x128xf32, #tpu.memory_space<hbm>> -> memref<632x128xf32, #tpu.memory_space<hbm>>
      tpu.enqueue_dma source(%dma_start3A_15 : memref<632x128xf32, #tpu.memory_space<hbm>>) target(%dma_start3A_13 : memref<632x128xf32, #tpu.memory_space<vmem_shared>>) target_semaphore(%run_scoped3A : memref<!tpu.dma_semaphore, #tpu.memory_space<semaphore_mem>>)
      %dma_wait3A = arith.constant 0 : i32
      %dma_wait3A_16 = tpu.memref_slice %arg6[%mul3A_2, %dma_wait3A] : memref<10112x128xf32, #tpu.memory_space<vmem_shared>> -> memref<632x128xf32, #tpu.memory_space<vmem_shared>>
      %dma_wait3A_17 = arith.constant 0 : i32
      %dma_wait3A_18 = tpu.memref_slice %arg4[%mul3A_2, %dma_wait3A_17] : memref<10112x128xf32, #tpu.memory_space<hbm>> -> memref<632x128xf32, #tpu.memory_space<hbm>>
      tpu.wait_dma2 semaphore(%run_scoped3A : memref<!tpu.dma_semaphore, #tpu.memory_space<semaphore_mem>>) src(%dma_wait3A_18 : memref<632x128xf32, #tpu.memory_space<hbm>>) dst(%dma_wait3A_16 : memref<632x128xf32, #tpu.memory_space<vmem_shared>>)
      tpu.yield
    }) : () -> ()
    %barrier3A = arith.constant 0 : index
    tpu.barrier barrier_id(%barrier3A)
    "tpu.region"() ({
      %run_scoped3A = tpu.sem_alloc : memref<!tpu.dma_semaphore, #tpu.memory_space<semaphore_mem>>
      %dma_start3A = arith.constant 0 : i32
      %dma_start3A_13 = arith.constant 0 : i32
      %dma_start3A_14 = arith.constant 0 : i32
      %dma_start3A_15 = tpu.memref_slice %arg3[%add3A, %dma_start3A, %dma_start3A_13, %dma_start3A_14] : memref<32x20x8x128xi32, #tpu.memory_space<hbm>> -> memref<1x10x8x128xi32, #tpu.memory_space<hbm>>
      %dma_start3A_16 = tpu.memref_squeeze %dma_start3A_15 : memref<1x10x8x128xi32, #tpu.memory_space<hbm>> -> memref<10x8x128xi32, #tpu.memory_space<hbm>>
      %dma_start3A_17 = arith.constant 0 : i32
      %dma_start3A_18 = arith.constant 0 : i32
      %dma_start3A_19 = arith.constant 0 : i32
      %dma_start3A_20 = tpu.memref_slice %arg3[%add3A, %dma_start3A_17, %dma_start3A_18, %dma_start3A_19] : memref<32x20x8x128xi32, #tpu.memory_space<hbm>> -> memref<1x10x8x128xi32, #tpu.memory_space<hbm>>
      %dma_start3A_21 = tpu.memref_squeeze %dma_start3A_20 : memref<1x10x8x128xi32, #tpu.memory_space<hbm>> -> memref<10x8x128xi32, #tpu.memory_space<hbm>>
      tpu.enqueue_dma source(%dma_start3A_21 : memref<10x8x128xi32, #tpu.memory_space<hbm>>) target(%arg7 : memref<10x8x128xi32, #tpu.memory_space<vmem>>) target_semaphore(%run_scoped3A : memref<!tpu.dma_semaphore, #tpu.memory_space<semaphore_mem>>)
      %dma_wait3A = arith.constant 0 : i32
      %dma_wait3A_22 = arith.constant 0 : i32
      %dma_wait3A_23 = arith.constant 0 : i32
      %dma_wait3A_24 = tpu.memref_slice %arg3[%add3A, %dma_wait3A, %dma_wait3A_22, %dma_wait3A_23] : memref<32x20x8x128xi32, #tpu.memory_space<hbm>> -> memref<1x10x8x128xi32, #tpu.memory_space<hbm>>
      %dma_wait3A_25 = tpu.memref_squeeze %dma_wait3A_24 : memref<1x10x8x128xi32, #tpu.memory_space<hbm>> -> memref<10x8x128xi32, #tpu.memory_space<hbm>>
      %dma_wait3A_26 = arith.constant 0 : i32
      %dma_wait3A_27 = arith.constant 0 : i32
      %dma_wait3A_28 = arith.constant 0 : i32
      %dma_wait3A_29 = tpu.memref_slice %arg3[%add3A, %dma_wait3A_26, %dma_wait3A_27, %dma_wait3A_28] : memref<32x20x8x128xi32, #tpu.memory_space<hbm>> -> memref<1x10x8x128xi32, #tpu.memory_space<hbm>>
      %dma_wait3A_30 = tpu.memref_squeeze %dma_wait3A_29 : memref<1x10x8x128xi32, #tpu.memory_space<hbm>> -> memref<10x8x128xi32, #tpu.memory_space<hbm>>
      tpu.wait_dma2 semaphore(%run_scoped3A : memref<!tpu.dma_semaphore, #tpu.memory_space<semaphore_mem>>) src(%dma_wait3A_30 : memref<10x8x128xi32, #tpu.memory_space<hbm>>) dst(%arg7 : memref<10x8x128xi32, #tpu.memory_space<vmem>>)
      tpu.yield
    }) : () -> ()
    %scan3A = arith.constant 0 : i32
    %scan3A_3 = arith.constant 10 : i32
    %scan3A_4 = arith.addi %scan3A, %scan3A_3 : i32
    %scan3A_5 = arith.constant 1 : i32
    scf.for %scan3A_13 = %scan3A to %scan3A_4 step %scan3A_5  : i32 {
      %mul3A_14 = arith.constant 1 : i32
      %mul3A_15 = arith.muli %scan3A_13, %mul3A_14 : i32
      %add3A_16 = arith.constant 0 : i32
      %add3A_17 = arith.addi %add3A_16, %mul3A_15 : i32
      %dma_start3A = arith.constant 0 : i32
      %dma_start3A_18 = arith.constant 0 : i32
      %dma_start3A_19 = tpu.memref_slice %arg7[%add3A_17, %dma_start3A, %dma_start3A_18] : memref<10x8x128xi32, #tpu.memory_space<vmem>> -> memref<1x1x128xi32, #tpu.memory_space<vmem>>
      %dma_start3A_20 = tpu.memref_squeeze %dma_start3A_19 : memref<1x1x128xi32, #tpu.memory_space<vmem>> -> memref<128xi32, #tpu.memory_space<vmem>>
      %dma_start3A_21 = arith.constant 0 : i32
      %dma_start3A_22 = arith.constant 0 : i32
      %dma_start3A_23 = tpu.memref_slice %arg2[%dma_start3A_21, %dma_start3A_22] : memref<10000x128xf32, #tpu.memory_space<hbm>> -> memref<10000x128xf32, #tpu.memory_space<hbm>>
      tpu.enqueue_indirect_dma source(%dma_start3A_23 : memref<10000x128xf32, #tpu.memory_space<hbm>>) target(%arg8 : memref<128x128xf32, #tpu.memory_space<vmem>>) offsets(%dma_start3A_20 : memref<128xi32, #tpu.memory_space<vmem>>) semaphore(%arg10 : memref<!tpu.dma_semaphore, #tpu.memory_space<semaphore_mem>>)
      %dma_start3A_24 = arith.constant 1 : i32
      %dma_start3A_25 = arith.constant 0 : i32
      %dma_start3A_26 = tpu.memref_slice %arg7[%add3A_17, %dma_start3A_24, %dma_start3A_25] : memref<10x8x128xi32, #tpu.memory_space<vmem>> -> memref<1x1x128xi32, #tpu.memory_space<vmem>>
      %dma_start3A_27 = tpu.memref_squeeze %dma_start3A_26 : memref<1x1x128xi32, #tpu.memory_space<vmem>> -> memref<128xi32, #tpu.memory_space<vmem>>
      %dma_start3A_28 = arith.constant 0 : i32
      %dma_start3A_29 = arith.constant 0 : i32
      %dma_start3A_30 = tpu.memref_slice %arg2[%dma_start3A_28, %dma_start3A_29] : memref<10000x128xf32, #tpu.memory_space<hbm>> -> memref<10000x128xf32, #tpu.memory_space<hbm>>
      tpu.enqueue_indirect_dma source(%dma_start3A_30 : memref<10000x128xf32, #tpu.memory_space<hbm>>) target(%arg9 : memref<128x128xf32, #tpu.memory_space<vmem>>) offsets(%dma_start3A_27 : memref<128xi32, #tpu.memory_space<vmem>>) semaphore(%arg11 : memref<!tpu.dma_semaphore, #tpu.memory_space<semaphore_mem>>)
      %dma_wait3A = arith.constant 0 : i32
      %dma_wait3A_31 = arith.constant 0 : i32
      %dma_wait3A_32 = tpu.memref_slice %arg7[%add3A_17, %dma_wait3A, %dma_wait3A_31] : memref<10x8x128xi32, #tpu.memory_space<vmem>> -> memref<1x1x128xi32, #tpu.memory_space<vmem>>
      %dma_wait3A_33 = tpu.memref_squeeze %dma_wait3A_32 : memref<1x1x128xi32, #tpu.memory_space<vmem>> -> memref<128xi32, #tpu.memory_space<vmem>>
      %dma_wait3A_34 = arith.constant 0 : i32
      %dma_wait3A_35 = arith.constant 0 : i32
      %dma_wait3A_36 = tpu.memref_slice %arg2[%dma_wait3A_34, %dma_wait3A_35] : memref<10000x128xf32, #tpu.memory_space<hbm>> -> memref<10000x128xf32, #tpu.memory_space<hbm>>
      tpu.wait_indirect_dma semaphore(%arg10 : memref<!tpu.dma_semaphore, #tpu.memory_space<semaphore_mem>>) src(%dma_wait3A_36 : memref<10000x128xf32, #tpu.memory_space<hbm>>) dst(%arg8 : memref<128x128xf32, #tpu.memory_space<vmem>>)
      %dma_start3A_37 = arith.constant 4 : i32
      %dma_start3A_38 = arith.constant 0 : i32
      %dma_start3A_39 = tpu.memref_slice %arg7[%add3A_17, %dma_start3A_37, %dma_start3A_38] : memref<10x8x128xi32, #tpu.memory_space<vmem>> -> memref<1x1x128xi32, #tpu.memory_space<vmem>>
      %dma_start3A_40 = tpu.memref_squeeze %dma_start3A_39 : memref<1x1x128xi32, #tpu.memory_space<vmem>> -> memref<128xi32, #tpu.memory_space<vmem>>
      %dma_start3A_41 = arith.constant 0 : i32
      %dma_start3A_42 = arith.constant 0 : i32
      %dma_start3A_43 = tpu.memref_slice %arg6[%dma_start3A_41, %dma_start3A_42] : memref<10112x128xf32, #tpu.memory_space<vmem_shared>> -> memref<10112x128xf32, #tpu.memory_space<vmem_shared>>
      tpu.enqueue_indirect_dma source(%arg8 : memref<128x128xf32, #tpu.memory_space<vmem>>) target(%dma_start3A_43 : memref<10112x128xf32, #tpu.memory_space<vmem_shared>>) offsets(%dma_start3A_40 : memref<128xi32, #tpu.memory_space<vmem>>) semaphore(%arg12 : memref<!tpu.dma_semaphore, #tpu.memory_space<semaphore_mem>>) {add = true}
      %dma_wait3A_44 = arith.constant 4 : i32
      %dma_wait3A_45 = arith.constant 0 : i32
      %dma_wait3A_46 = tpu.memref_slice %arg7[%add3A_17, %dma_wait3A_44, %dma_wait3A_45] : memref<10x8x128xi32, #tpu.memory_space<vmem>> -> memref<1x1x128xi32, #tpu.memory_space<vmem>>
      %dma_wait3A_47 = tpu.memref_squeeze %dma_wait3A_46 : memref<1x1x128xi32, #tpu.memory_space<vmem>> -> memref<128xi32, #tpu.memory_space<vmem>>
      %dma_wait3A_48 = arith.constant 0 : i32
      %dma_wait3A_49 = arith.constant 0 : i32
      %dma_wait3A_50 = tpu.memref_slice %arg6[%dma_wait3A_48, %dma_wait3A_49] : memref<10112x128xf32, #tpu.memory_space<vmem_shared>> -> memref<10112x128xf32, #tpu.memory_space<vmem_shared>>
      tpu.wait_indirect_dma semaphore(%arg12 : memref<!tpu.dma_semaphore, #tpu.memory_space<semaphore_mem>>) src(%arg8 : memref<128x128xf32, #tpu.memory_space<vmem>>) dst(%dma_wait3A_50 : memref<10112x128xf32, #tpu.memory_space<vmem_shared>>)
      %dma_start3A_51 = arith.constant 2 : i32
      %dma_start3A_52 = arith.constant 0 : i32
      %dma_start3A_53 = tpu.memref_slice %arg7[%add3A_17, %dma_start3A_51, %dma_start3A_52] : memref<10x8x128xi32, #tpu.memory_space<vmem>> -> memref<1x1x128xi32, #tpu.memory_space<vmem>>
      %dma_start3A_54 = tpu.memref_squeeze %dma_start3A_53 : memref<1x1x128xi32, #tpu.memory_space<vmem>> -> memref<128xi32, #tpu.memory_space<vmem>>
      %dma_start3A_55 = arith.constant 0 : i32
      %dma_start3A_56 = arith.constant 0 : i32
      %dma_start3A_57 = tpu.memref_slice %arg2[%dma_start3A_55, %dma_start3A_56] : memref<10000x128xf32, #tpu.memory_space<hbm>> -> memref<10000x128xf32, #tpu.memory_space<hbm>>
      tpu.enqueue_indirect_dma source(%dma_start3A_57 : memref<10000x128xf32, #tpu.memory_space<hbm>>) target(%arg8 : memref<128x128xf32, #tpu.memory_space<vmem>>) offsets(%dma_start3A_54 : memref<128xi32, #tpu.memory_space<vmem>>) semaphore(%arg10 : memref<!tpu.dma_semaphore, #tpu.memory_space<semaphore_mem>>)
      %dma_wait3A_58 = arith.constant 1 : i32
      %dma_wait3A_59 = arith.constant 0 : i32
      %dma_wait3A_60 = tpu.memref_slice %arg7[%add3A_17, %dma_wait3A_58, %dma_wait3A_59] : memref<10x8x128xi32, #tpu.memory_space<vmem>> -> memref<1x1x128xi32, #tpu.memory_space<vmem>>
      %dma_wait3A_61 = tpu.memref_squeeze %dma_wait3A_60 : memref<1x1x128xi32, #tpu.memory_space<vmem>> -> memref<128xi32, #tpu.memory_space<vmem>>
      %dma_wait3A_62 = arith.constant 0 : i32
      %dma_wait3A_63 = arith.constant 0 : i32
      %dma_wait3A_64 = tpu.memref_slice %arg2[%dma_wait3A_62, %dma_wait3A_63] : memref<10000x128xf32, #tpu.memory_space<hbm>> -> memref<10000x128xf32, #tpu.memory_space<hbm>>
      tpu.wait_indirect_dma semaphore(%arg11 : memref<!tpu.dma_semaphore, #tpu.memory_space<semaphore_mem>>) src(%dma_wait3A_64 : memref<10000x128xf32, #tpu.memory_space<hbm>>) dst(%arg9 : memref<128x128xf32, #tpu.memory_space<vmem>>)
      %dma_start3A_65 = arith.constant 5 : i32
      %dma_start3A_66 = arith.constant 0 : i32
      %dma_start3A_67 = tpu.memref_slice %arg7[%add3A_17, %dma_start3A_65, %dma_start3A_66] : memref<10x8x128xi32, #tpu.memory_space<vmem>> -> memref<1x1x128xi32, #tpu.memory_space<vmem>>
      %dma_start3A_68 = tpu.memref_squeeze %dma_start3A_67 : memref<1x1x128xi32, #tpu.memory_space<vmem>> -> memref<128xi32, #tpu.memory_space<vmem>>
      %dma_start3A_69 = arith.constant 0 : i32
      %dma_start3A_70 = arith.constant 0 : i32
      %dma_start3A_71 = tpu.memref_slice %arg6[%dma_start3A_69, %dma_start3A_70] : memref<10112x128xf32, #tpu.memory_space<vmem_shared>> -> memref<10112x128xf32, #tpu.memory_space<vmem_shared>>
      tpu.enqueue_indirect_dma source(%arg9 : memref<128x128xf32, #tpu.memory_space<vmem>>) target(%dma_start3A_71 : memref<10112x128xf32, #tpu.memory_space<vmem_shared>>) offsets(%dma_start3A_68 : memref<128xi32, #tpu.memory_space<vmem>>) semaphore(%arg13 : memref<!tpu.dma_semaphore, #tpu.memory_space<semaphore_mem>>) {add = true}
      %dma_wait3A_72 = arith.constant 5 : i32
      %dma_wait3A_73 = arith.constant 0 : i32
      %dma_wait3A_74 = tpu.memref_slice %arg7[%add3A_17, %dma_wait3A_72, %dma_wait3A_73] : memref<10x8x128xi32, #tpu.memory_space<vmem>> -> memref<1x1x128xi32, #tpu.memory_space<vmem>>
      %dma_wait3A_75 = tpu.memref_squeeze %dma_wait3A_74 : memref<1x1x128xi32, #tpu.memory_space<vmem>> -> memref<128xi32, #tpu.memory_space<vmem>>
      %dma_wait3A_76 = arith.constant 0 : i32
      %dma_wait3A_77 = arith.constant 0 : i32
      %dma_wait3A_78 = tpu.memref_slice %arg6[%dma_wait3A_76, %dma_wait3A_77] : memref<10112x128xf32, #tpu.memory_space<vmem_shared>> -> memref<10112x128xf32, #tpu.memory_space<vmem_shared>>
      tpu.wait_indirect_dma semaphore(%arg13 : memref<!tpu.dma_semaphore, #tpu.memory_space<semaphore_mem>>) src(%arg9 : memref<128x128xf32, #tpu.memory_space<vmem>>) dst(%dma_wait3A_78 : memref<10112x128xf32, #tpu.memory_space<vmem_shared>>)
      %dma_start3A_79 = arith.constant 3 : i32
      %dma_start3A_80 = arith.constant 0 : i32
      %dma_start3A_81 = tpu.memref_slice %arg7[%add3A_17, %dma_start3A_79, %dma_start3A_80] : memref<10x8x128xi32, #tpu.memory_space<vmem>> -> memref<1x1x128xi32, #tpu.memory_space<vmem>>
      %dma_start3A_82 = tpu.memref_squeeze %dma_start3A_81 : memref<1x1x128xi32, #tpu.memory_space<vmem>> -> memref<128xi32, #tpu.memory_space<vmem>>
      %dma_start3A_83 = arith.constant 0 : i32
      %dma_start3A_84 = arith.constant 0 : i32
      %dma_start3A_85 = tpu.memref_slice %arg2[%dma_start3A_83, %dma_start3A_84] : memref<10000x128xf32, #tpu.memory_space<hbm>> -> memref<10000x128xf32, #tpu.memory_space<hbm>>
      tpu.enqueue_indirect_dma source(%dma_start3A_85 : memref<10000x128xf32, #tpu.memory_space<hbm>>) target(%arg9 : memref<128x128xf32, #tpu.memory_space<vmem>>) offsets(%dma_start3A_82 : memref<128xi32, #tpu.memory_space<vmem>>) semaphore(%arg11 : memref<!tpu.dma_semaphore, #tpu.memory_space<semaphore_mem>>)
      %dma_wait3A_86 = arith.constant 2 : i32
      %dma_wait3A_87 = arith.constant 0 : i32
      %dma_wait3A_88 = tpu.memref_slice %arg7[%add3A_17, %dma_wait3A_86, %dma_wait3A_87] : memref<10x8x128xi32, #tpu.memory_space<vmem>> -> memref<1x1x128xi32, #tpu.memory_space<vmem>>
      %dma_wait3A_89 = tpu.memref_squeeze %dma_wait3A_88 : memref<1x1x128xi32, #tpu.memory_space<vmem>> -> memref<128xi32, #tpu.memory_space<vmem>>
      %dma_wait3A_90 = arith.constant 0 : i32
      %dma_wait3A_91 = arith.constant 0 : i32
      %dma_wait3A_92 = tpu.memref_slice %arg2[%dma_wait3A_90, %dma_wait3A_91] : memref<10000x128xf32, #tpu.memory_space<hbm>> -> memref<10000x128xf32, #tpu.memory_space<hbm>>
      tpu.wait_indirect_dma semaphore(%arg10 : memref<!tpu.dma_semaphore, #tpu.memory_space<semaphore_mem>>) src(%dma_wait3A_92 : memref<10000x128xf32, #tpu.memory_space<hbm>>) dst(%arg8 : memref<128x128xf32, #tpu.memory_space<vmem>>)
      %dma_start3A_93 = arith.constant 6 : i32
      %dma_start3A_94 = arith.constant 0 : i32
      %dma_start3A_95 = tpu.memref_slice %arg7[%add3A_17, %dma_start3A_93, %dma_start3A_94] : memref<10x8x128xi32, #tpu.memory_space<vmem>> -> memref<1x1x128xi32, #tpu.memory_space<vmem>>
      %dma_start3A_96 = tpu.memref_squeeze %dma_start3A_95 : memref<1x1x128xi32, #tpu.memory_space<vmem>> -> memref<128xi32, #tpu.memory_space<vmem>>
      %dma_start3A_97 = arith.constant 0 : i32
      %dma_start3A_98 = arith.constant 0 : i32
      %dma_start3A_99 = tpu.memref_slice %arg6[%dma_start3A_97, %dma_start3A_98] : memref<10112x128xf32, #tpu.memory_space<vmem_shared>> -> memref<10112x128xf32, #tpu.memory_space<vmem_shared>>
      tpu.enqueue_indirect_dma source(%arg8 : memref<128x128xf32, #tpu.memory_space<vmem>>) target(%dma_start3A_99 : memref<10112x128xf32, #tpu.memory_space<vmem_shared>>) offsets(%dma_start3A_96 : memref<128xi32, #tpu.memory_space<vmem>>) semaphore(%arg12 : memref<!tpu.dma_semaphore, #tpu.memory_space<semaphore_mem>>) {add = true}
      %dma_wait3A_100 = arith.constant 3 : i32
      %dma_wait3A_101 = arith.constant 0 : i32
      %dma_wait3A_102 = tpu.memref_slice %arg7[%add3A_17, %dma_wait3A_100, %dma_wait3A_101] : memref<10x8x128xi32, #tpu.memory_space<vmem>> -> memref<1x1x128xi32, #tpu.memory_space<vmem>>
      %dma_wait3A_103 = tpu.memref_squeeze %dma_wait3A_102 : memref<1x1x128xi32, #tpu.memory_space<vmem>> -> memref<128xi32, #tpu.memory_space<vmem>>
      %dma_wait3A_104 = arith.constant 0 : i32
      %dma_wait3A_105 = arith.constant 0 : i32
      %dma_wait3A_106 = tpu.memref_slice %arg2[%dma_wait3A_104, %dma_wait3A_105] : memref<10000x128xf32, #tpu.memory_space<hbm>> -> memref<10000x128xf32, #tpu.memory_space<hbm>>
      tpu.wait_indirect_dma semaphore(%arg11 : memref<!tpu.dma_semaphore, #tpu.memory_space<semaphore_mem>>) src(%dma_wait3A_106 : memref<10000x128xf32, #tpu.memory_space<hbm>>) dst(%arg9 : memref<128x128xf32, #tpu.memory_space<vmem>>)
      %dma_start3A_107 = arith.constant 7 : i32
      %dma_start3A_108 = arith.constant 0 : i32
      %dma_start3A_109 = tpu.memref_slice %arg7[%add3A_17, %dma_start3A_107, %dma_start3A_108] : memref<10x8x128xi32, #tpu.memory_space<vmem>> -> memref<1x1x128xi32, #tpu.memory_space<vmem>>
      %dma_start3A_110 = tpu.memref_squeeze %dma_start3A_109 : memref<1x1x128xi32, #tpu.memory_space<vmem>> -> memref<128xi32, #tpu.memory_space<vmem>>
      %dma_start3A_111 = arith.constant 0 : i32
      %dma_start3A_112 = arith.constant 0 : i32
      %dma_start3A_113 = tpu.memref_slice %arg6[%dma_start3A_111, %dma_start3A_112] : memref<10112x128xf32, #tpu.memory_space<vmem_shared>> -> memref<10112x128xf32, #tpu.memory_space<vmem_shared>>
      tpu.enqueue_indirect_dma source(%arg9 : memref<128x128xf32, #tpu.memory_space<vmem>>) target(%dma_start3A_113 : memref<10112x128xf32, #tpu.memory_space<vmem_shared>>) offsets(%dma_start3A_110 : memref<128xi32, #tpu.memory_space<vmem>>) semaphore(%arg13 : memref<!tpu.dma_semaphore, #tpu.memory_space<semaphore_mem>>) {add = true}
      %dma_wait3A_114 = arith.constant 6 : i32
      %dma_wait3A_115 = arith.constant 0 : i32
      %dma_wait3A_116 = tpu.memref_slice %arg7[%add3A_17, %dma_wait3A_114, %dma_wait3A_115] : memref<10x8x128xi32, #tpu.memory_space<vmem>> -> memref<1x1x128xi32, #tpu.memory_space<vmem>>
      %dma_wait3A_117 = tpu.memref_squeeze %dma_wait3A_116 : memref<1x1x128xi32, #tpu.memory_space<vmem>> -> memref<128xi32, #tpu.memory_space<vmem>>
      %dma_wait3A_118 = arith.constant 0 : i32
      %dma_wait3A_119 = arith.constant 0 : i32
      %dma_wait3A_120 = tpu.memref_slice %arg6[%dma_wait3A_118, %dma_wait3A_119] : memref<10112x128xf32, #tpu.memory_space<vmem_shared>> -> memref<10112x128xf32, #tpu.memory_space<vmem_shared>>
      tpu.wait_indirect_dma semaphore(%arg12 : memref<!tpu.dma_semaphore, #tpu.memory_space<semaphore_mem>>) src(%arg8 : memref<128x128xf32, #tpu.memory_space<vmem>>) dst(%dma_wait3A_120 : memref<10112x128xf32, #tpu.memory_space<vmem_shared>>)
      %dma_wait3A_121 = arith.constant 7 : i32
      %dma_wait3A_122 = arith.constant 0 : i32
      %dma_wait3A_123 = tpu.memref_slice %arg7[%add3A_17, %dma_wait3A_121, %dma_wait3A_122] : memref<10x8x128xi32, #tpu.memory_space<vmem>> -> memref<1x1x128xi32, #tpu.memory_space<vmem>>
      %dma_wait3A_124 = tpu.memref_squeeze %dma_wait3A_123 : memref<1x1x128xi32, #tpu.memory_space<vmem>> -> memref<128xi32, #tpu.memory_space<vmem>>
      %dma_wait3A_125 = arith.constant 0 : i32
      %dma_wait3A_126 = arith.constant 0 : i32
      %dma_wait3A_127 = tpu.memref_slice %arg6[%dma_wait3A_125, %dma_wait3A_126] : memref<10112x128xf32, #tpu.memory_space<vmem_shared>> -> memref<10112x128xf32, #tpu.memory_space<vmem_shared>>
      tpu.wait_indirect_dma semaphore(%arg13 : memref<!tpu.dma_semaphore, #tpu.memory_space<semaphore_mem>>) src(%arg9 : memref<128x128xf32, #tpu.memory_space<vmem>>) dst(%dma_wait3A_127 : memref<10112x128xf32, #tpu.memory_space<vmem_shared>>)
    }
    %scan3A_6 = arith.constant 10 : i32
    "tpu.region"() ({
      %run_scoped3A = tpu.sem_alloc : memref<!tpu.dma_semaphore, #tpu.memory_space<semaphore_mem>>
      %dma_start3A = arith.constant 10 : i32
      %dma_start3A_13 = arith.constant 0 : i32
      %dma_start3A_14 = arith.constant 0 : i32
      %dma_start3A_15 = tpu.memref_slice %arg3[%add3A, %dma_start3A, %dma_start3A_13, %dma_start3A_14] : memref<32x20x8x128xi32, #tpu.memory_space<hbm>> -> memref<1x10x8x128xi32, #tpu.memory_space<hbm>>
      %dma_start3A_16 = tpu.memref_squeeze %dma_start3A_15 : memref<1x10x8x128xi32, #tpu.memory_space<hbm>> -> memref<10x8x128xi32, #tpu.memory_space<hbm>>
      %dma_start3A_17 = arith.constant 10 : i32
      %dma_start3A_18 = arith.constant 0 : i32
      %dma_start3A_19 = arith.constant 0 : i32
      %dma_start3A_20 = tpu.memref_slice %arg3[%add3A, %dma_start3A_17, %dma_start3A_18, %dma_start3A_19] : memref<32x20x8x128xi32, #tpu.memory_space<hbm>> -> memref<1x10x8x128xi32, #tpu.memory_space<hbm>>
      %dma_start3A_21 = tpu.memref_squeeze %dma_start3A_20 : memref<1x10x8x128xi32, #tpu.memory_space<hbm>> -> memref<10x8x128xi32, #tpu.memory_space<hbm>>
      tpu.enqueue_dma source(%dma_start3A_21 : memref<10x8x128xi32, #tpu.memory_space<hbm>>) target(%arg7 : memref<10x8x128xi32, #tpu.memory_space<vmem>>) target_semaphore(%run_scoped3A : memref<!tpu.dma_semaphore, #tpu.memory_space<semaphore_mem>>)
      %dma_wait3A = arith.constant 10 : i32
      %dma_wait3A_22 = arith.constant 0 : i32
      %dma_wait3A_23 = arith.constant 0 : i32
      %dma_wait3A_24 = tpu.memref_slice %arg3[%add3A, %dma_wait3A, %dma_wait3A_22, %dma_wait3A_23] : memref<32x20x8x128xi32, #tpu.memory_space<hbm>> -> memref<1x10x8x128xi32, #tpu.memory_space<hbm>>
      %dma_wait3A_25 = tpu.memref_squeeze %dma_wait3A_24 : memref<1x10x8x128xi32, #tpu.memory_space<hbm>> -> memref<10x8x128xi32, #tpu.memory_space<hbm>>
      %dma_wait3A_26 = arith.constant 10 : i32
      %dma_wait3A_27 = arith.constant 0 : i32
      %dma_wait3A_28 = arith.constant 0 : i32
      %dma_wait3A_29 = tpu.memref_slice %arg3[%add3A, %dma_wait3A_26, %dma_wait3A_27, %dma_wait3A_28] : memref<32x20x8x128xi32, #tpu.memory_space<hbm>> -> memref<1x10x8x128xi32, #tpu.memory_space<hbm>>
      %dma_wait3A_30 = tpu.memref_squeeze %dma_wait3A_29 : memref<1x10x8x128xi32, #tpu.memory_space<hbm>> -> memref<10x8x128xi32, #tpu.memory_space<hbm>>
      tpu.wait_dma2 semaphore(%run_scoped3A : memref<!tpu.dma_semaphore, #tpu.memory_space<semaphore_mem>>) src(%dma_wait3A_30 : memref<10x8x128xi32, #tpu.memory_space<hbm>>) dst(%arg7 : memref<10x8x128xi32, #tpu.memory_space<vmem>>)
      tpu.yield
    }) : () -> ()
    %scan3A_7 = arith.constant 0 : i32
    %scan3A_8 = arith.constant 10 : i32
    %scan3A_9 = arith.addi %scan3A_7, %scan3A_8 : i32
    %scan3A_10 = arith.constant 1 : i32
    scf.for %scan3A_13 = %scan3A_7 to %scan3A_9 step %scan3A_10  : i32 {
      %mul3A_14 = arith.constant 1 : i32
      %mul3A_15 = arith.muli %scan3A_13, %mul3A_14 : i32
      %add3A_16 = arith.constant 0 : i32
      %add3A_17 = arith.addi %add3A_16, %mul3A_15 : i32
      %dma_start3A = arith.constant 0 : i32
      %dma_start3A_18 = arith.constant 0 : i32
      %dma_start3A_19 = tpu.memref_slice %arg7[%add3A_17, %dma_start3A, %dma_start3A_18] : memref<10x8x128xi32, #tpu.memory_space<vmem>> -> memref<1x1x128xi32, #tpu.memory_space<vmem>>
      %dma_start3A_20 = tpu.memref_squeeze %dma_start3A_19 : memref<1x1x128xi32, #tpu.memory_space<vmem>> -> memref<128xi32, #tpu.memory_space<vmem>>
      %dma_start3A_21 = arith.constant 0 : i32
      %dma_start3A_22 = arith.constant 0 : i32
      %dma_start3A_23 = tpu.memref_slice %arg2[%dma_start3A_21, %dma_start3A_22] : memref<10000x128xf32, #tpu.memory_space<hbm>> -> memref<10000x128xf32, #tpu.memory_space<hbm>>
      tpu.enqueue_indirect_dma source(%dma_start3A_23 : memref<10000x128xf32, #tpu.memory_space<hbm>>) target(%arg8 : memref<128x128xf32, #tpu.memory_space<vmem>>) offsets(%dma_start3A_20 : memref<128xi32, #tpu.memory_space<vmem>>) semaphore(%arg10 : memref<!tpu.dma_semaphore, #tpu.memory_space<semaphore_mem>>)
      %dma_start3A_24 = arith.constant 1 : i32
      %dma_start3A_25 = arith.constant 0 : i32
      %dma_start3A_26 = tpu.memref_slice %arg7[%add3A_17, %dma_start3A_24, %dma_start3A_25] : memref<10x8x128xi32, #tpu.memory_space<vmem>> -> memref<1x1x128xi32, #tpu.memory_space<vmem>>
      %dma_start3A_27 = tpu.memref_squeeze %dma_start3A_26 : memref<1x1x128xi32, #tpu.memory_space<vmem>> -> memref<128xi32, #tpu.memory_space<vmem>>
      %dma_start3A_28 = arith.constant 0 : i32
      %dma_start3A_29 = arith.constant 0 : i32
      %dma_start3A_30 = tpu.memref_slice %arg2[%dma_start3A_28, %dma_start3A_29] : memref<10000x128xf32, #tpu.memory_space<hbm>> -> memref<10000x128xf32, #tpu.memory_space<hbm>>
      tpu.enqueue_indirect_dma source(%dma_start3A_30 : memref<10000x128xf32, #tpu.memory_space<hbm>>) target(%arg9 : memref<128x128xf32, #tpu.memory_space<vmem>>) offsets(%dma_start3A_27 : memref<128xi32, #tpu.memory_space<vmem>>) semaphore(%arg11 : memref<!tpu.dma_semaphore, #tpu.memory_space<semaphore_mem>>)
      %dma_wait3A = arith.constant 0 : i32
      %dma_wait3A_31 = arith.constant 0 : i32
      %dma_wait3A_32 = tpu.memref_slice %arg7[%add3A_17, %dma_wait3A, %dma_wait3A_31] : memref<10x8x128xi32, #tpu.memory_space<vmem>> -> memref<1x1x128xi32, #tpu.memory_space<vmem>>
      %dma_wait3A_33 = tpu.memref_squeeze %dma_wait3A_32 : memref<1x1x128xi32, #tpu.memory_space<vmem>> -> memref<128xi32, #tpu.memory_space<vmem>>
      %dma_wait3A_34 = arith.constant 0 : i32
      %dma_wait3A_35 = arith.constant 0 : i32
      %dma_wait3A_36 = tpu.memref_slice %arg2[%dma_wait3A_34, %dma_wait3A_35] : memref<10000x128xf32, #tpu.memory_space<hbm>> -> memref<10000x128xf32, #tpu.memory_space<hbm>>
      tpu.wait_indirect_dma semaphore(%arg10 : memref<!tpu.dma_semaphore, #tpu.memory_space<semaphore_mem>>) src(%dma_wait3A_36 : memref<10000x128xf32, #tpu.memory_space<hbm>>) dst(%arg8 : memref<128x128xf32, #tpu.memory_space<vmem>>)
      %dma_start3A_37 = arith.constant 4 : i32
      %dma_start3A_38 = arith.constant 0 : i32
      %dma_start3A_39 = tpu.memref_slice %arg7[%add3A_17, %dma_start3A_37, %dma_start3A_38] : memref<10x8x128xi32, #tpu.memory_space<vmem>> -> memref<1x1x128xi32, #tpu.memory_space<vmem>>
      %dma_start3A_40 = tpu.memref_squeeze %dma_start3A_39 : memref<1x1x128xi32, #tpu.memory_space<vmem>> -> memref<128xi32, #tpu.memory_space<vmem>>
      %dma_start3A_41 = arith.constant 0 : i32
      %dma_start3A_42 = arith.constant 0 : i32
      %dma_start3A_43 = tpu.memref_slice %arg6[%dma_start3A_41, %dma_start3A_42] : memref<10112x128xf32, #tpu.memory_space<vmem_shared>> -> memref<10112x128xf32, #tpu.memory_space<vmem_shared>>
      tpu.enqueue_indirect_dma source(%arg8 : memref<128x128xf32, #tpu.memory_space<vmem>>) target(%dma_start3A_43 : memref<10112x128xf32, #tpu.memory_space<vmem_shared>>) offsets(%dma_start3A_40 : memref<128xi32, #tpu.memory_space<vmem>>) semaphore(%arg12 : memref<!tpu.dma_semaphore, #tpu.memory_space<semaphore_mem>>) {add = true}
      %dma_wait3A_44 = arith.constant 4 : i32
      %dma_wait3A_45 = arith.constant 0 : i32
      %dma_wait3A_46 = tpu.memref_slice %arg7[%add3A_17, %dma_wait3A_44, %dma_wait3A_45] : memref<10x8x128xi32, #tpu.memory_space<vmem>> -> memref<1x1x128xi32, #tpu.memory_space<vmem>>
      %dma_wait3A_47 = tpu.memref_squeeze %dma_wait3A_46 : memref<1x1x128xi32, #tpu.memory_space<vmem>> -> memref<128xi32, #tpu.memory_space<vmem>>
      %dma_wait3A_48 = arith.constant 0 : i32
      %dma_wait3A_49 = arith.constant 0 : i32
      %dma_wait3A_50 = tpu.memref_slice %arg6[%dma_wait3A_48, %dma_wait3A_49] : memref<10112x128xf32, #tpu.memory_space<vmem_shared>> -> memref<10112x128xf32, #tpu.memory_space<vmem_shared>>
      tpu.wait_indirect_dma semaphore(%arg12 : memref<!tpu.dma_semaphore, #tpu.memory_space<semaphore_mem>>) src(%arg8 : memref<128x128xf32, #tpu.memory_space<vmem>>) dst(%dma_wait3A_50 : memref<10112x128xf32, #tpu.memory_space<vmem_shared>>)
      %dma_start3A_51 = arith.constant 2 : i32
      %dma_start3A_52 = arith.constant 0 : i32
      %dma_start3A_53 = tpu.memref_slice %arg7[%add3A_17, %dma_start3A_51, %dma_start3A_52] : memref<10x8x128xi32, #tpu.memory_space<vmem>> -> memref<1x1x128xi32, #tpu.memory_space<vmem>>
      %dma_start3A_54 = tpu.memref_squeeze %dma_start3A_53 : memref<1x1x128xi32, #tpu.memory_space<vmem>> -> memref<128xi32, #tpu.memory_space<vmem>>
      %dma_start3A_55 = arith.constant 0 : i32
      %dma_start3A_56 = arith.constant 0 : i32
      %dma_start3A_57 = tpu.memref_slice %arg2[%dma_start3A_55, %dma_start3A_56] : memref<10000x128xf32, #tpu.memory_space<hbm>> -> memref<10000x128xf32, #tpu.memory_space<hbm>>
      tpu.enqueue_indirect_dma source(%dma_start3A_57 : memref<10000x128xf32, #tpu.memory_space<hbm>>) target(%arg8 : memref<128x128xf32, #tpu.memory_space<vmem>>) offsets(%dma_start3A_54 : memref<128xi32, #tpu.memory_space<vmem>>) semaphore(%arg10 : memref<!tpu.dma_semaphore, #tpu.memory_space<semaphore_mem>>)
      %dma_wait3A_58 = arith.constant 1 : i32
      %dma_wait3A_59 = arith.constant 0 : i32
      %dma_wait3A_60 = tpu.memref_slice %arg7[%add3A_17, %dma_wait3A_58, %dma_wait3A_59] : memref<10x8x128xi32, #tpu.memory_space<vmem>> -> memref<1x1x128xi32, #tpu.memory_space<vmem>>
      %dma_wait3A_61 = tpu.memref_squeeze %dma_wait3A_60 : memref<1x1x128xi32, #tpu.memory_space<vmem>> -> memref<128xi32, #tpu.memory_space<vmem>>
      %dma_wait3A_62 = arith.constant 0 : i32
      %dma_wait3A_63 = arith.constant 0 : i32
      %dma_wait3A_64 = tpu.memref_slice %arg2[%dma_wait3A_62, %dma_wait3A_63] : memref<10000x128xf32, #tpu.memory_space<hbm>> -> memref<10000x128xf32, #tpu.memory_space<hbm>>
      tpu.wait_indirect_dma semaphore(%arg11 : memref<!tpu.dma_semaphore, #tpu.memory_space<semaphore_mem>>) src(%dma_wait3A_64 : memref<10000x128xf32, #tpu.memory_space<hbm>>) dst(%arg9 : memref<128x128xf32, #tpu.memory_space<vmem>>)
      %dma_start3A_65 = arith.constant 5 : i32
      %dma_start3A_66 = arith.constant 0 : i32
      %dma_start3A_67 = tpu.memref_slice %arg7[%add3A_17, %dma_start3A_65, %dma_start3A_66] : memref<10x8x128xi32, #tpu.memory_space<vmem>> -> memref<1x1x128xi32, #tpu.memory_space<vmem>>
      %dma_start3A_68 = tpu.memref_squeeze %dma_start3A_67 : memref<1x1x128xi32, #tpu.memory_space<vmem>> -> memref<128xi32, #tpu.memory_space<vmem>>
      %dma_start3A_69 = arith.constant 0 : i32
      %dma_start3A_70 = arith.constant 0 : i32
      %dma_start3A_71 = tpu.memref_slice %arg6[%dma_start3A_69, %dma_start3A_70] : memref<10112x128xf32, #tpu.memory_space<vmem_shared>> -> memref<10112x128xf32, #tpu.memory_space<vmem_shared>>
      tpu.enqueue_indirect_dma source(%arg9 : memref<128x128xf32, #tpu.memory_space<vmem>>) target(%dma_start3A_71 : memref<10112x128xf32, #tpu.memory_space<vmem_shared>>) offsets(%dma_start3A_68 : memref<128xi32, #tpu.memory_space<vmem>>) semaphore(%arg13 : memref<!tpu.dma_semaphore, #tpu.memory_space<semaphore_mem>>) {add = true}
      %dma_wait3A_72 = arith.constant 5 : i32
      %dma_wait3A_73 = arith.constant 0 : i32
      %dma_wait3A_74 = tpu.memref_slice %arg7[%add3A_17, %dma_wait3A_72, %dma_wait3A_73] : memref<10x8x128xi32, #tpu.memory_space<vmem>> -> memref<1x1x128xi32, #tpu.memory_space<vmem>>
      %dma_wait3A_75 = tpu.memref_squeeze %dma_wait3A_74 : memref<1x1x128xi32, #tpu.memory_space<vmem>> -> memref<128xi32, #tpu.memory_space<vmem>>
      %dma_wait3A_76 = arith.constant 0 : i32
      %dma_wait3A_77 = arith.constant 0 : i32
      %dma_wait3A_78 = tpu.memref_slice %arg6[%dma_wait3A_76, %dma_wait3A_77] : memref<10112x128xf32, #tpu.memory_space<vmem_shared>> -> memref<10112x128xf32, #tpu.memory_space<vmem_shared>>
      tpu.wait_indirect_dma semaphore(%arg13 : memref<!tpu.dma_semaphore, #tpu.memory_space<semaphore_mem>>) src(%arg9 : memref<128x128xf32, #tpu.memory_space<vmem>>) dst(%dma_wait3A_78 : memref<10112x128xf32, #tpu.memory_space<vmem_shared>>)
      %dma_start3A_79 = arith.constant 3 : i32
      %dma_start3A_80 = arith.constant 0 : i32
      %dma_start3A_81 = tpu.memref_slice %arg7[%add3A_17, %dma_start3A_79, %dma_start3A_80] : memref<10x8x128xi32, #tpu.memory_space<vmem>> -> memref<1x1x128xi32, #tpu.memory_space<vmem>>
      %dma_start3A_82 = tpu.memref_squeeze %dma_start3A_81 : memref<1x1x128xi32, #tpu.memory_space<vmem>> -> memref<128xi32, #tpu.memory_space<vmem>>
      %dma_start3A_83 = arith.constant 0 : i32
      %dma_start3A_84 = arith.constant 0 : i32
      %dma_start3A_85 = tpu.memref_slice %arg2[%dma_start3A_83, %dma_start3A_84] : memref<10000x128xf32, #tpu.memory_space<hbm>> -> memref<10000x128xf32, #tpu.memory_space<hbm>>
      tpu.enqueue_indirect_dma source(%dma_start3A_85 : memref<10000x128xf32, #tpu.memory_space<hbm>>) target(%arg9 : memref<128x128xf32, #tpu.memory_space<vmem>>) offsets(%dma_start3A_82 : memref<128xi32, #tpu.memory_space<vmem>>) semaphore(%arg11 : memref<!tpu.dma_semaphore, #tpu.memory_space<semaphore_mem>>)
      %dma_wait3A_86 = arith.constant 2 : i32
      %dma_wait3A_87 = arith.constant 0 : i32
      %dma_wait3A_88 = tpu.memref_slice %arg7[%add3A_17, %dma_wait3A_86, %dma_wait3A_87] : memref<10x8x128xi32, #tpu.memory_space<vmem>> -> memref<1x1x128xi32, #tpu.memory_space<vmem>>
      %dma_wait3A_89 = tpu.memref_squeeze %dma_wait3A_88 : memref<1x1x128xi32, #tpu.memory_space<vmem>> -> memref<128xi32, #tpu.memory_space<vmem>>
      %dma_wait3A_90 = arith.constant 0 : i32
      %dma_wait3A_91 = arith.constant 0 : i32
      %dma_wait3A_92 = tpu.memref_slice %arg2[%dma_wait3A_90, %dma_wait3A_91] : memref<10000x128xf32, #tpu.memory_space<hbm>> -> memref<10000x128xf32, #tpu.memory_space<hbm>>
      tpu.wait_indirect_dma semaphore(%arg10 : memref<!tpu.dma_semaphore, #tpu.memory_space<semaphore_mem>>) src(%dma_wait3A_92 : memref<10000x128xf32, #tpu.memory_space<hbm>>) dst(%arg8 : memref<128x128xf32, #tpu.memory_space<vmem>>)
      %dma_start3A_93 = arith.constant 6 : i32
      %dma_start3A_94 = arith.constant 0 : i32
      %dma_start3A_95 = tpu.memref_slice %arg7[%add3A_17, %dma_start3A_93, %dma_start3A_94] : memref<10x8x128xi32, #tpu.memory_space<vmem>> -> memref<1x1x128xi32, #tpu.memory_space<vmem>>
      %dma_start3A_96 = tpu.memref_squeeze %dma_start3A_95 : memref<1x1x128xi32, #tpu.memory_space<vmem>> -> memref<128xi32, #tpu.memory_space<vmem>>
      %dma_start3A_97 = arith.constant 0 : i32
      %dma_start3A_98 = arith.constant 0 : i32
      %dma_start3A_99 = tpu.memref_slice %arg6[%dma_start3A_97, %dma_start3A_98] : memref<10112x128xf32, #tpu.memory_space<vmem_shared>> -> memref<10112x128xf32, #tpu.memory_space<vmem_shared>>
      tpu.enqueue_indirect_dma source(%arg8 : memref<128x128xf32, #tpu.memory_space<vmem>>) target(%dma_start3A_99 : memref<10112x128xf32, #tpu.memory_space<vmem_shared>>) offsets(%dma_start3A_96 : memref<128xi32, #tpu.memory_space<vmem>>) semaphore(%arg12 : memref<!tpu.dma_semaphore, #tpu.memory_space<semaphore_mem>>) {add = true}
      %dma_wait3A_100 = arith.constant 3 : i32
      %dma_wait3A_101 = arith.constant 0 : i32
      %dma_wait3A_102 = tpu.memref_slice %arg7[%add3A_17, %dma_wait3A_100, %dma_wait3A_101] : memref<10x8x128xi32, #tpu.memory_space<vmem>> -> memref<1x1x128xi32, #tpu.memory_space<vmem>>
      %dma_wait3A_103 = tpu.memref_squeeze %dma_wait3A_102 : memref<1x1x128xi32, #tpu.memory_space<vmem>> -> memref<128xi32, #tpu.memory_space<vmem>>
      %dma_wait3A_104 = arith.constant 0 : i32
      %dma_wait3A_105 = arith.constant 0 : i32
      %dma_wait3A_106 = tpu.memref_slice %arg2[%dma_wait3A_104, %dma_wait3A_105] : memref<10000x128xf32, #tpu.memory_space<hbm>> -> memref<10000x128xf32, #tpu.memory_space<hbm>>
      tpu.wait_indirect_dma semaphore(%arg11 : memref<!tpu.dma_semaphore, #tpu.memory_space<semaphore_mem>>) src(%dma_wait3A_106 : memref<10000x128xf32, #tpu.memory_space<hbm>>) dst(%arg9 : memref<128x128xf32, #tpu.memory_space<vmem>>)
      %dma_start3A_107 = arith.constant 7 : i32
      %dma_start3A_108 = arith.constant 0 : i32
      %dma_start3A_109 = tpu.memref_slice %arg7[%add3A_17, %dma_start3A_107, %dma_start3A_108] : memref<10x8x128xi32, #tpu.memory_space<vmem>> -> memref<1x1x128xi32, #tpu.memory_space<vmem>>
      %dma_start3A_110 = tpu.memref_squeeze %dma_start3A_109 : memref<1x1x128xi32, #tpu.memory_space<vmem>> -> memref<128xi32, #tpu.memory_space<vmem>>
      %dma_start3A_111 = arith.constant 0 : i32
      %dma_start3A_112 = arith.constant 0 : i32
      %dma_start3A_113 = tpu.memref_slice %arg6[%dma_start3A_111, %dma_start3A_112] : memref<10112x128xf32, #tpu.memory_space<vmem_shared>> -> memref<10112x128xf32, #tpu.memory_space<vmem_shared>>
      tpu.enqueue_indirect_dma source(%arg9 : memref<128x128xf32, #tpu.memory_space<vmem>>) target(%dma_start3A_113 : memref<10112x128xf32, #tpu.memory_space<vmem_shared>>) offsets(%dma_start3A_110 : memref<128xi32, #tpu.memory_space<vmem>>) semaphore(%arg13 : memref<!tpu.dma_semaphore, #tpu.memory_space<semaphore_mem>>) {add = true}
      %dma_wait3A_114 = arith.constant 6 : i32
      %dma_wait3A_115 = arith.constant 0 : i32
      %dma_wait3A_116 = tpu.memref_slice %arg7[%add3A_17, %dma_wait3A_114, %dma_wait3A_115] : memref<10x8x128xi32, #tpu.memory_space<vmem>> -> memref<1x1x128xi32, #tpu.memory_space<vmem>>
      %dma_wait3A_117 = tpu.memref_squeeze %dma_wait3A_116 : memref<1x1x128xi32, #tpu.memory_space<vmem>> -> memref<128xi32, #tpu.memory_space<vmem>>
      %dma_wait3A_118 = arith.constant 0 : i32
      %dma_wait3A_119 = arith.constant 0 : i32
      %dma_wait3A_120 = tpu.memref_slice %arg6[%dma_wait3A_118, %dma_wait3A_119] : memref<10112x128xf32, #tpu.memory_space<vmem_shared>> -> memref<10112x128xf32, #tpu.memory_space<vmem_shared>>
      tpu.wait_indirect_dma semaphore(%arg12 : memref<!tpu.dma_semaphore, #tpu.memory_space<semaphore_mem>>) src(%arg8 : memref<128x128xf32, #tpu.memory_space<vmem>>) dst(%dma_wait3A_120 : memref<10112x128xf32, #tpu.memory_space<vmem_shared>>)
      %dma_wait3A_121 = arith.constant 7 : i32
      %dma_wait3A_122 = arith.constant 0 : i32
      %dma_wait3A_123 = tpu.memref_slice %arg7[%add3A_17, %dma_wait3A_121, %dma_wait3A_122] : memref<10x8x128xi32, #tpu.memory_space<vmem>> -> memref<1x1x128xi32, #tpu.memory_space<vmem>>
      %dma_wait3A_124 = tpu.memref_squeeze %dma_wait3A_123 : memref<1x1x128xi32, #tpu.memory_space<vmem>> -> memref<128xi32, #tpu.memory_space<vmem>>
      %dma_wait3A_125 = arith.constant 0 : i32
      %dma_wait3A_126 = arith.constant 0 : i32
      %dma_wait3A_127 = tpu.memref_slice %arg6[%dma_wait3A_125, %dma_wait3A_126] : memref<10112x128xf32, #tpu.memory_space<vmem_shared>> -> memref<10112x128xf32, #tpu.memory_space<vmem_shared>>
      tpu.wait_indirect_dma semaphore(%arg13 : memref<!tpu.dma_semaphore, #tpu.memory_space<semaphore_mem>>) src(%arg9 : memref<128x128xf32, #tpu.memory_space<vmem>>) dst(%dma_wait3A_127 : memref<10112x128xf32, #tpu.memory_space<vmem_shared>>)
    }
    %scan3A_11 = arith.constant 10 : i32
    %barrier3A_12 = arith.constant 0 : index
    tpu.barrier barrier_id(%barrier3A_12)
    "tpu.region"() ({
      %run_scoped3A = tpu.sem_alloc : memref<!tpu.dma_semaphore, #tpu.memory_space<semaphore_mem>>
      %dma_start3A = arith.constant 0 : i32
      %dma_start3A_13 = tpu.memref_slice %arg5[%arg0, %mul3A_2, %dma_start3A] : memref<2x10112x128xf32, #tpu.memory_space<hbm>> -> memref<1x632x128xf32, #tpu.memory_space<hbm>>
      %dma_start3A_14 = tpu.memref_squeeze %dma_start3A_13 : memref<1x632x128xf32, #tpu.memory_space<hbm>> -> memref<632x128xf32, #tpu.memory_space<hbm>>
      %dma_start3A_15 = arith.constant 0 : i32
      %dma_start3A_16 = tpu.memref_slice %arg6[%mul3A_2, %dma_start3A_15] : memref<10112x128xf32, #tpu.memory_space<vmem_shared>> -> memref<632x128xf32, #tpu.memory_space<vmem_shared>>
      tpu.enqueue_dma source(%dma_start3A_16 : memref<632x128xf32, #tpu.memory_space<vmem_shared>>) target(%dma_start3A_14 : memref<632x128xf32, #tpu.memory_space<hbm>>) target_semaphore(%run_scoped3A : memref<!tpu.dma_semaphore, #tpu.memory_space<semaphore_mem>>)
      %dma_wait3A = arith.constant 0 : i32
      %dma_wait3A_17 = tpu.memref_slice %arg5[%arg0, %mul3A_2, %dma_wait3A] : memref<2x10112x128xf32, #tpu.memory_space<hbm>> -> memref<1x632x128xf32, #tpu.memory_space<hbm>>
      %dma_wait3A_18 = tpu.memref_squeeze %dma_wait3A_17 : memref<1x632x128xf32, #tpu.memory_space<hbm>> -> memref<632x128xf32, #tpu.memory_space<hbm>>
      %dma_wait3A_19 = arith.constant 0 : i32
      %dma_wait3A_20 = tpu.memref_slice %arg6[%mul3A_2, %dma_wait3A_19] : memref<10112x128xf32, #tpu.memory_space<vmem_shared>> -> memref<632x128xf32, #tpu.memory_space<vmem_shared>>
      tpu.wait_dma2 semaphore(%run_scoped3A : memref<!tpu.dma_semaphore, #tpu.memory_space<semaphore_mem>>) src(%dma_wait3A_20 : memref<632x128xf32, #tpu.memory_space<vmem_shared>>) dst(%dma_wait3A_18 : memref<632x128xf32, #tpu.memory_space<hbm>>)
      tpu.yield
    }) : () -> ()
    return
  }
}

#map = affine_map<(d0, d1) -> (0, 0, 0, 0)>
#map1 = affine_map<(d0, d1) -> (0, 0)>
module attributes {stable_mosaic.version = 14 : i64} {
  func.func @body(%arg0: i32, %arg1: i32, %arg2: memref<32x20x8x128xi32, #tpu.memory_space<hbm>>, %arg3: memref<32x10112xf32, #tpu.memory_space<hbm>>, %arg4: memref<10112xf32, #tpu.memory_space<vmem>>, %arg5: memref<8x128xi32, #tpu.memory_space<vmem>>, %arg6: memref<!tpu.dma_semaphore, #tpu.memory_space<semaphore_mem>>) attributes {dimension_semantics = [#tpu.dimension_semantics<core_parallel>, #tpu.dimension_semantics<subcore_parallel>], iteration_bounds = array<i64: 2, 16>, scalar_prefetch = 0 : i64, scratch_operands = 3 : i64, tpu.core_type = #tpu.core_type<sc_vector_subcore>, window_params = [{transform_indices = #map}, {transform_indices = #map1}]} {
    %mul3A = arith.constant 2 : i32
    %mul3A_0 = arith.muli %arg1, %mul3A : i32
    %add3A = arith.addi %mul3A_0, %arg0 : i32
    %scan3A = arith.constant 0 : i32
    %scan3A_1 = arith.constant 632 : i32
    %scan3A_2 = arith.addi %scan3A, %scan3A_1 : i32
    %scan3A_3 = arith.constant 1 : i32
    scf.for %scan3A_11 = %scan3A to %scan3A_2 step %scan3A_3  : i32 {
      %mul3A_12 = arith.constant 1 : i32
      %mul3A_13 = arith.muli %scan3A_11, %mul3A_12 : i32
      %add3A_14 = arith.constant 0 : i32
      %add3A_15 = arith.addi %add3A_14, %mul3A_13 : i32
      %broadcast_in_dim3A_16 = arith.constant 0.000000e+00 : f32
      %broadcast_in_dim3A_17 = vector.broadcast %broadcast_in_dim3A_16 : f32 to vector<16xf32>
      %mul3A_18 = arith.constant 16 : i32
      %mul3A_19 = arith.muli %add3A_15, %mul3A_18 : i32
      %swap3A = arith.index_cast %mul3A_19 : i32 to index
      %swap3A_20 = tpu.vector_load %arg4[%swap3A] {strides = array<i32>} : memref<10112xf32, #tpu.memory_space<vmem>>, vector<16xf32>,
      tpu.vector_store %arg4[%swap3A], %broadcast_in_dim3A_17 {strides = array<i32>} : memref<10112xf32, #tpu.memory_space<vmem>>, vector<16xf32>,
    }
    %scan3A_4 = arith.constant 632 : i32
    %broadcast_in_dim3A = arith.constant 1.000000e+00 : f32
    %broadcast_in_dim3A_5 = vector.broadcast %broadcast_in_dim3A : f32 to vector<16xf32>
    %scan3A_6 = arith.constant 0 : i32
    %scan3A_7 = arith.constant 20 : i32
    %scan3A_8 = arith.addi %scan3A_6, %scan3A_7 : i32
    %scan3A_9 = arith.constant 1 : i32
    scf.for %scan3A_11 = %scan3A_6 to %scan3A_8 step %scan3A_9  : i32 {
      %mul3A_12 = arith.constant 1 : i32
      %mul3A_13 = arith.muli %scan3A_11, %mul3A_12 : i32
      %add3A_14 = arith.constant 0 : i32
      %add3A_15 = arith.addi %add3A_14, %mul3A_13 : i32
      %dma_start3A = arith.constant 0 : i32
      %dma_start3A_16 = arith.constant 0 : i32
      %dma_start3A_17 = tpu.memref_slice %arg2[%add3A, %add3A_15, %dma_start3A, %dma_start3A_16] : memref<32x20x8x128xi32, #tpu.memory_space<hbm>> -> memref<1x1x8x128xi32, #tpu.memory_space<hbm>>
      %dma_start3A_18 = tpu.memref_squeeze %dma_start3A_17 : memref<1x1x8x128xi32, #tpu.memory_space<hbm>> -> memref<8x128xi32, #tpu.memory_space<hbm>>
      %dma_start3A_19 = arith.constant 0 : i32
      %dma_start3A_20 = arith.constant 0 : i32
      %dma_start3A_21 = tpu.memref_slice %arg2[%add3A, %add3A_15, %dma_start3A_19, %dma_start3A_20] : memref<32x20x8x128xi32, #tpu.memory_space<hbm>> -> memref<1x1x8x128xi32, #tpu.memory_space<hbm>>
      %dma_start3A_22 = tpu.memref_squeeze %dma_start3A_21 : memref<1x1x8x128xi32, #tpu.memory_space<hbm>> -> memref<8x128xi32, #tpu.memory_space<hbm>>
      tpu.enqueue_dma source(%dma_start3A_22 : memref<8x128xi32, #tpu.memory_space<hbm>>) target(%arg5 : memref<8x128xi32, #tpu.memory_space<vmem>>) target_semaphore(%arg6 : memref<!tpu.dma_semaphore, #tpu.memory_space<semaphore_mem>>)
      %dma_wait3A = arith.constant 0 : i32
      %dma_wait3A_23 = arith.constant 0 : i32
      %dma_wait3A_24 = tpu.memref_slice %arg2[%add3A, %add3A_15, %dma_wait3A, %dma_wait3A_23] : memref<32x20x8x128xi32, #tpu.memory_space<hbm>> -> memref<1x1x8x128xi32, #tpu.memory_space<hbm>>
      %dma_wait3A_25 = tpu.memref_squeeze %dma_wait3A_24 : memref<1x1x8x128xi32, #tpu.memory_space<hbm>> -> memref<8x128xi32, #tpu.memory_space<hbm>>
      %dma_wait3A_26 = arith.constant 0 : i32
      %dma_wait3A_27 = arith.constant 0 : i32
      %dma_wait3A_28 = tpu.memref_slice %arg2[%add3A, %add3A_15, %dma_wait3A_26, %dma_wait3A_27] : memref<32x20x8x128xi32, #tpu.memory_space<hbm>> -> memref<1x1x8x128xi32, #tpu.memory_space<hbm>>
      %dma_wait3A_29 = tpu.memref_squeeze %dma_wait3A_28 : memref<1x1x8x128xi32, #tpu.memory_space<hbm>> -> memref<8x128xi32, #tpu.memory_space<hbm>>
      tpu.wait_dma2 semaphore(%arg6 : memref<!tpu.dma_semaphore, #tpu.memory_space<semaphore_mem>>) src(%dma_wait3A_29 : memref<8x128xi32, #tpu.memory_space<hbm>>) dst(%arg5 : memref<8x128xi32, #tpu.memory_space<vmem>>)
      %get3A = arith.constant 4 : i32
      %get3A_30 = arith.index_cast %get3A : i32 to index
      %get3A_31 = arith.constant 0 : index
      %get3A_32 = tpu.vector_load %arg5[%get3A_30, %get3A_31] {strides = array<i32>} : memref<8x128xi32, #tpu.memory_space<vmem>>, vector<16xi32>,
      tpu.vector_store_idx %arg4[%get3A_32], %broadcast_in_dim3A_5 {add = true} : memref<10112xf32, #tpu.memory_space<vmem>>[vector<16xi32>], vector<16xf32>,
      %get3A_33 = arith.constant 4 : i32
      %get3A_34 = arith.index_cast %get3A_33 : i32 to index
      %get3A_35 = arith.constant 16 : index
      %get3A_36 = tpu.vector_load %arg5[%get3A_34, %get3A_35] {strides = array<i32>} : memref<8x128xi32, #tpu.memory_space<vmem>>, vector<16xi32>,
      tpu.vector_store_idx %arg4[%get3A_36], %broadcast_in_dim3A_5 {add = true} : memref<10112xf32, #tpu.memory_space<vmem>>[vector<16xi32>], vector<16xf32>,
      %get3A_37 = arith.constant 4 : i32
      %get3A_38 = arith.index_cast %get3A_37 : i32 to index
      %get3A_39 = arith.constant 32 : index
      %get3A_40 = tpu.vector_load %arg5[%get3A_38, %get3A_39] {strides = array<i32>} : memref<8x128xi32, #tpu.memory_space<vmem>>, vector<16xi32>,
      tpu.vector_store_idx %arg4[%get3A_40], %broadcast_in_dim3A_5 {add = true} : memref<10112xf32, #tpu.memory_space<vmem>>[vector<16xi32>], vector<16xf32>,
      %get3A_41 = arith.constant 4 : i32
      %get3A_42 = arith.index_cast %get3A_41 : i32 to index
      %get3A_43 = arith.constant 48 : index
      %get3A_44 = tpu.vector_load %arg5[%get3A_42, %get3A_43] {strides = array<i32>} : memref<8x128xi32, #tpu.memory_space<vmem>>, vector<16xi32>,
      tpu.vector_store_idx %arg4[%get3A_44], %broadcast_in_dim3A_5 {add = true} : memref<10112xf32, #tpu.memory_space<vmem>>[vector<16xi32>], vector<16xf32>,
      %get3A_45 = arith.constant 4 : i32
      %get3A_46 = arith.index_cast %get3A_45 : i32 to index
      %get3A_47 = arith.constant 64 : index
      %get3A_48 = tpu.vector_load %arg5[%get3A_46, %get3A_47] {strides = array<i32>} : memref<8x128xi32, #tpu.memory_space<vmem>>, vector<16xi32>,
      tpu.vector_store_idx %arg4[%get3A_48], %broadcast_in_dim3A_5 {add = true} : memref<10112xf32, #tpu.memory_space<vmem>>[vector<16xi32>], vector<16xf32>,
      %get3A_49 = arith.constant 4 : i32
      %get3A_50 = arith.index_cast %get3A_49 : i32 to index
      %get3A_51 = arith.constant 80 : index
      %get3A_52 = tpu.vector_load %arg5[%get3A_50, %get3A_51] {strides = array<i32>} : memref<8x128xi32, #tpu.memory_space<vmem>>, vector<16xi32>,
      tpu.vector_store_idx %arg4[%get3A_52], %broadcast_in_dim3A_5 {add = true} : memref<10112xf32, #tpu.memory_space<vmem>>[vector<16xi32>], vector<16xf32>,
      %get3A_53 = arith.constant 4 : i32
      %get3A_54 = arith.index_cast %get3A_53 : i32 to index
      %get3A_55 = arith.constant 96 : index
      %get3A_56 = tpu.vector_load %arg5[%get3A_54, %get3A_55] {strides = array<i32>} : memref<8x128xi32, #tpu.memory_space<vmem>>, vector<16xi32>,
      tpu.vector_store_idx %arg4[%get3A_56], %broadcast_in_dim3A_5 {add = true} : memref<10112xf32, #tpu.memory_space<vmem>>[vector<16xi32>], vector<16xf32>,
      %get3A_57 = arith.constant 4 : i32
      %get3A_58 = arith.index_cast %get3A_57 : i32 to index
      %get3A_59 = arith.constant 112 : index
      %get3A_60 = tpu.vector_load %arg5[%get3A_58, %get3A_59] {strides = array<i32>} : memref<8x128xi32, #tpu.memory_space<vmem>>, vector<16xi32>,
      tpu.vector_store_idx %arg4[%get3A_60], %broadcast_in_dim3A_5 {add = true} : memref<10112xf32, #tpu.memory_space<vmem>>[vector<16xi32>], vector<16xf32>,
      %get3A_61 = arith.constant 5 : i32
      %get3A_62 = arith.index_cast %get3A_61 : i32 to index
      %get3A_63 = arith.constant 0 : index
      %get3A_64 = tpu.vector_load %arg5[%get3A_62, %get3A_63] {strides = array<i32>} : memref<8x128xi32, #tpu.memory_space<vmem>>, vector<16xi32>,
      tpu.vector_store_idx %arg4[%get3A_64], %broadcast_in_dim3A_5 {add = true} : memref<10112xf32, #tpu.memory_space<vmem>>[vector<16xi32>], vector<16xf32>,
      %get3A_65 = arith.constant 5 : i32
      %get3A_66 = arith.index_cast %get3A_65 : i32 to index
      %get3A_67 = arith.constant 16 : index
      %get3A_68 = tpu.vector_load %arg5[%get3A_66, %get3A_67] {strides = array<i32>} : memref<8x128xi32, #tpu.memory_space<vmem>>, vector<16xi32>,
      tpu.vector_store_idx %arg4[%get3A_68], %broadcast_in_dim3A_5 {add = true} : memref<10112xf32, #tpu.memory_space<vmem>>[vector<16xi32>], vector<16xf32>,
      %get3A_69 = arith.constant 5 : i32
      %get3A_70 = arith.index_cast %get3A_69 : i32 to index
      %get3A_71 = arith.constant 32 : index
      %get3A_72 = tpu.vector_load %arg5[%get3A_70, %get3A_71] {strides = array<i32>} : memref<8x128xi32, #tpu.memory_space<vmem>>, vector<16xi32>,
      tpu.vector_store_idx %arg4[%get3A_72], %broadcast_in_dim3A_5 {add = true} : memref<10112xf32, #tpu.memory_space<vmem>>[vector<16xi32>], vector<16xf32>,
      %get3A_73 = arith.constant 5 : i32
      %get3A_74 = arith.index_cast %get3A_73 : i32 to index
      %get3A_75 = arith.constant 48 : index
      %get3A_76 = tpu.vector_load %arg5[%get3A_74, %get3A_75] {strides = array<i32>} : memref<8x128xi32, #tpu.memory_space<vmem>>, vector<16xi32>,
      tpu.vector_store_idx %arg4[%get3A_76], %broadcast_in_dim3A_5 {add = true} : memref<10112xf32, #tpu.memory_space<vmem>>[vector<16xi32>], vector<16xf32>,
      %get3A_77 = arith.constant 5 : i32
      %get3A_78 = arith.index_cast %get3A_77 : i32 to index
      %get3A_79 = arith.constant 64 : index
      %get3A_80 = tpu.vector_load %arg5[%get3A_78, %get3A_79] {strides = array<i32>} : memref<8x128xi32, #tpu.memory_space<vmem>>, vector<16xi32>,
      tpu.vector_store_idx %arg4[%get3A_80], %broadcast_in_dim3A_5 {add = true} : memref<10112xf32, #tpu.memory_space<vmem>>[vector<16xi32>], vector<16xf32>,
      %get3A_81 = arith.constant 5 : i32
      %get3A_82 = arith.index_cast %get3A_81 : i32 to index
      %get3A_83 = arith.constant 80 : index
      %get3A_84 = tpu.vector_load %arg5[%get3A_82, %get3A_83] {strides = array<i32>} : memref<8x128xi32, #tpu.memory_space<vmem>>, vector<16xi32>,
      tpu.vector_store_idx %arg4[%get3A_84], %broadcast_in_dim3A_5 {add = true} : memref<10112xf32, #tpu.memory_space<vmem>>[vector<16xi32>], vector<16xf32>,
      %get3A_85 = arith.constant 5 : i32
      %get3A_86 = arith.index_cast %get3A_85 : i32 to index
      %get3A_87 = arith.constant 96 : index
      %get3A_88 = tpu.vector_load %arg5[%get3A_86, %get3A_87] {strides = array<i32>} : memref<8x128xi32, #tpu.memory_space<vmem>>, vector<16xi32>,
      tpu.vector_store_idx %arg4[%get3A_88], %broadcast_in_dim3A_5 {add = true} : memref<10112xf32, #tpu.memory_space<vmem>>[vector<16xi32>], vector<16xf32>,
      %get3A_89 = arith.constant 5 : i32
      %get3A_90 = arith.index_cast %get3A_89 : i32 to index
      %get3A_91 = arith.constant 112 : index
      %get3A_92 = tpu.vector_load %arg5[%get3A_90, %get3A_91] {strides = array<i32>} : memref<8x128xi32, #tpu.memory_space<vmem>>, vector<16xi32>,
      tpu.vector_store_idx %arg4[%get3A_92], %broadcast_in_dim3A_5 {add = true} : memref<10112xf32, #tpu.memory_space<vmem>>[vector<16xi32>], vector<16xf32>,
      %get3A_93 = arith.constant 6 : i32
      %get3A_94 = arith.index_cast %get3A_93 : i32 to index
      %get3A_95 = arith.constant 0 : index
      %get3A_96 = tpu.vector_load %arg5[%get3A_94, %get3A_95] {strides = array<i32>} : memref<8x128xi32, #tpu.memory_space<vmem>>, vector<16xi32>,
      tpu.vector_store_idx %arg4[%get3A_96], %broadcast_in_dim3A_5 {add = true} : memref<10112xf32, #tpu.memory_space<vmem>>[vector<16xi32>], vector<16xf32>,
      %get3A_97 = arith.constant 6 : i32
      %get3A_98 = arith.index_cast %get3A_97 : i32 to index
      %get3A_99 = arith.constant 16 : index
      %get3A_100 = tpu.vector_load %arg5[%get3A_98, %get3A_99] {strides = array<i32>} : memref<8x128xi32, #tpu.memory_space<vmem>>, vector<16xi32>,
      tpu.vector_store_idx %arg4[%get3A_100], %broadcast_in_dim3A_5 {add = true} : memref<10112xf32, #tpu.memory_space<vmem>>[vector<16xi32>], vector<16xf32>,
      %get3A_101 = arith.constant 6 : i32
      %get3A_102 = arith.index_cast %get3A_101 : i32 to index
      %get3A_103 = arith.constant 32 : index
      %get3A_104 = tpu.vector_load %arg5[%get3A_102, %get3A_103] {strides = array<i32>} : memref<8x128xi32, #tpu.memory_space<vmem>>, vector<16xi32>,
      tpu.vector_store_idx %arg4[%get3A_104], %broadcast_in_dim3A_5 {add = true} : memref<10112xf32, #tpu.memory_space<vmem>>[vector<16xi32>], vector<16xf32>,
      %get3A_105 = arith.constant 6 : i32
      %get3A_106 = arith.index_cast %get3A_105 : i32 to index
      %get3A_107 = arith.constant 48 : index
      %get3A_108 = tpu.vector_load %arg5[%get3A_106, %get3A_107] {strides = array<i32>} : memref<8x128xi32, #tpu.memory_space<vmem>>, vector<16xi32>,
      tpu.vector_store_idx %arg4[%get3A_108], %broadcast_in_dim3A_5 {add = true} : memref<10112xf32, #tpu.memory_space<vmem>>[vector<16xi32>], vector<16xf32>,
      %get3A_109 = arith.constant 6 : i32
      %get3A_110 = arith.index_cast %get3A_109 : i32 to index
      %get3A_111 = arith.constant 64 : index
      %get3A_112 = tpu.vector_load %arg5[%get3A_110, %get3A_111] {strides = array<i32>} : memref<8x128xi32, #tpu.memory_space<vmem>>, vector<16xi32>,
      tpu.vector_store_idx %arg4[%get3A_112], %broadcast_in_dim3A_5 {add = true} : memref<10112xf32, #tpu.memory_space<vmem>>[vector<16xi32>], vector<16xf32>,
      %get3A_113 = arith.constant 6 : i32
      %get3A_114 = arith.index_cast %get3A_113 : i32 to index
      %get3A_115 = arith.constant 80 : index
      %get3A_116 = tpu.vector_load %arg5[%get3A_114, %get3A_115] {strides = array<i32>} : memref<8x128xi32, #tpu.memory_space<vmem>>, vector<16xi32>,
      tpu.vector_store_idx %arg4[%get3A_116], %broadcast_in_dim3A_5 {add = true} : memref<10112xf32, #tpu.memory_space<vmem>>[vector<16xi32>], vector<16xf32>,
      %get3A_117 = arith.constant 6 : i32
      %get3A_118 = arith.index_cast %get3A_117 : i32 to index
      %get3A_119 = arith.constant 96 : index
      %get3A_120 = tpu.vector_load %arg5[%get3A_118, %get3A_119] {strides = array<i32>} : memref<8x128xi32, #tpu.memory_space<vmem>>, vector<16xi32>,
      tpu.vector_store_idx %arg4[%get3A_120], %broadcast_in_dim3A_5 {add = true} : memref<10112xf32, #tpu.memory_space<vmem>>[vector<16xi32>], vector<16xf32>,
      %get3A_121 = arith.constant 6 : i32
      %get3A_122 = arith.index_cast %get3A_121 : i32 to index
      %get3A_123 = arith.constant 112 : index
      %get3A_124 = tpu.vector_load %arg5[%get3A_122, %get3A_123] {strides = array<i32>} : memref<8x128xi32, #tpu.memory_space<vmem>>, vector<16xi32>,
      tpu.vector_store_idx %arg4[%get3A_124], %broadcast_in_dim3A_5 {add = true} : memref<10112xf32, #tpu.memory_space<vmem>>[vector<16xi32>], vector<16xf32>,
      %get3A_125 = arith.constant 7 : i32
      %get3A_126 = arith.index_cast %get3A_125 : i32 to index
      %get3A_127 = arith.constant 0 : index
      %get3A_128 = tpu.vector_load %arg5[%get3A_126, %get3A_127] {strides = array<i32>} : memref<8x128xi32, #tpu.memory_space<vmem>>, vector<16xi32>,
      tpu.vector_store_idx %arg4[%get3A_128], %broadcast_in_dim3A_5 {add = true} : memref<10112xf32, #tpu.memory_space<vmem>>[vector<16xi32>], vector<16xf32>,
      %get3A_129 = arith.constant 7 : i32
      %get3A_130 = arith.index_cast %get3A_129 : i32 to index
      %get3A_131 = arith.constant 16 : index
      %get3A_132 = tpu.vector_load %arg5[%get3A_130, %get3A_131] {strides = array<i32>} : memref<8x128xi32, #tpu.memory_space<vmem>>, vector<16xi32>,
      tpu.vector_store_idx %arg4[%get3A_132], %broadcast_in_dim3A_5 {add = true} : memref<10112xf32, #tpu.memory_space<vmem>>[vector<16xi32>], vector<16xf32>,
      %get3A_133 = arith.constant 7 : i32
      %get3A_134 = arith.index_cast %get3A_133 : i32 to index
      %get3A_135 = arith.constant 32 : index
      %get3A_136 = tpu.vector_load %arg5[%get3A_134, %get3A_135] {strides = array<i32>} : memref<8x128xi32, #tpu.memory_space<vmem>>, vector<16xi32>,
      tpu.vector_store_idx %arg4[%get3A_136], %broadcast_in_dim3A_5 {add = true} : memref<10112xf32, #tpu.memory_space<vmem>>[vector<16xi32>], vector<16xf32>,
      %get3A_137 = arith.constant 7 : i32
      %get3A_138 = arith.index_cast %get3A_137 : i32 to index
      %get3A_139 = arith.constant 48 : index
      %get3A_140 = tpu.vector_load %arg5[%get3A_138, %get3A_139] {strides = array<i32>} : memref<8x128xi32, #tpu.memory_space<vmem>>, vector<16xi32>,
      tpu.vector_store_idx %arg4[%get3A_140], %broadcast_in_dim3A_5 {add = true} : memref<10112xf32, #tpu.memory_space<vmem>>[vector<16xi32>], vector<16xf32>,
      %get3A_141 = arith.constant 7 : i32
      %get3A_142 = arith.index_cast %get3A_141 : i32 to index
      %get3A_143 = arith.constant 64 : index
      %get3A_144 = tpu.vector_load %arg5[%get3A_142, %get3A_143] {strides = array<i32>} : memref<8x128xi32, #tpu.memory_space<vmem>>, vector<16xi32>,
      tpu.vector_store_idx %arg4[%get3A_144], %broadcast_in_dim3A_5 {add = true} : memref<10112xf32, #tpu.memory_space<vmem>>[vector<16xi32>], vector<16xf32>,
      %get3A_145 = arith.constant 7 : i32
      %get3A_146 = arith.index_cast %get3A_145 : i32 to index
      %get3A_147 = arith.constant 80 : index
      %get3A_148 = tpu.vector_load %arg5[%get3A_146, %get3A_147] {strides = array<i32>} : memref<8x128xi32, #tpu.memory_space<vmem>>, vector<16xi32>,
      tpu.vector_store_idx %arg4[%get3A_148], %broadcast_in_dim3A_5 {add = true} : memref<10112xf32, #tpu.memory_space<vmem>>[vector<16xi32>], vector<16xf32>,
      %get3A_149 = arith.constant 7 : i32
      %get3A_150 = arith.index_cast %get3A_149 : i32 to index
      %get3A_151 = arith.constant 96 : index
      %get3A_152 = tpu.vector_load %arg5[%get3A_150, %get3A_151] {strides = array<i32>} : memref<8x128xi32, #tpu.memory_space<vmem>>, vector<16xi32>,
      tpu.vector_store_idx %arg4[%get3A_152], %broadcast_in_dim3A_5 {add = true} : memref<10112xf32, #tpu.memory_space<vmem>>[vector<16xi32>], vector<16xf32>,
      %get3A_153 = arith.constant 7 : i32
      %get3A_154 = arith.index_cast %get3A_153 : i32 to index
      %get3A_155 = arith.constant 112 : index
      %get3A_156 = tpu.vector_load %arg5[%get3A_154, %get3A_155] {strides = array<i32>} : memref<8x128xi32, #tpu.memory_space<vmem>>, vector<16xi32>,
      tpu.vector_store_idx %arg4[%get3A_156], %broadcast_in_dim3A_5 {add = true} : memref<10112xf32, #tpu.memory_space<vmem>>[vector<16xi32>], vector<16xf32>,
    }
    %scan3A_10 = arith.constant 20 : i32
    "tpu.region"() ({
      %run_scoped3A = tpu.sem_alloc : memref<!tpu.dma_semaphore, #tpu.memory_space<semaphore_mem>>
      %dma_start3A = arith.constant 0 : i32
      %dma_start3A_11 = tpu.memref_slice %arg3[%add3A, %dma_start3A] : memref<32x10112xf32, #tpu.memory_space<hbm>> -> memref<1x10112xf32, #tpu.memory_space<hbm>>
      %dma_start3A_12 = tpu.memref_squeeze %dma_start3A_11 : memref<1x10112xf32, #tpu.memory_space<hbm>> -> memref<10112xf32, #tpu.memory_space<hbm>>
      %dma_start3A_13 = arith.constant 0 : i32
      %dma_start3A_14 = tpu.memref_slice %arg3[%add3A, %dma_start3A_13] : memref<32x10112xf32, #tpu.memory_space<hbm>> -> memref<1x10112xf32, #tpu.memory_space<hbm>>
      %dma_start3A_15 = tpu.memref_squeeze %dma_start3A_14 : memref<1x10112xf32, #tpu.memory_space<hbm>> -> memref<10112xf32, #tpu.memory_space<hbm>>
      tpu.enqueue_dma source(%arg4 : memref<10112xf32, #tpu.memory_space<vmem>>) target(%dma_start3A_15 : memref<10112xf32, #tpu.memory_space<hbm>>) target_semaphore(%run_scoped3A : memref<!tpu.dma_semaphore, #tpu.memory_space<semaphore_mem>>)
      %dma_wait3A = arith.constant 0 : i32
      %dma_wait3A_16 = tpu.memref_slice %arg3[%add3A, %dma_wait3A] : memref<32x10112xf32, #tpu.memory_space<hbm>> -> memref<1x10112xf32, #tpu.memory_space<hbm>>
      %dma_wait3A_17 = tpu.memref_squeeze %dma_wait3A_16 : memref<1x10112xf32, #tpu.memory_space<hbm>> -> memref<10112xf32, #tpu.memory_space<hbm>>
      %dma_wait3A_18 = arith.constant 0 : i32
      %dma_wait3A_19 = tpu.memref_slice %arg3[%add3A, %dma_wait3A_18] : memref<32x10112xf32, #tpu.memory_space<hbm>> -> memref<1x10112xf32, #tpu.memory_space<hbm>>
      %dma_wait3A_20 = tpu.memref_squeeze %dma_wait3A_19 : memref<1x10112xf32, #tpu.memory_space<hbm>> -> memref<10112xf32, #tpu.memory_space<hbm>>
      tpu.wait_dma2 semaphore(%run_scoped3A : memref<!tpu.dma_semaphore, #tpu.memory_space<semaphore_mem>>) src(%arg4 : memref<10112xf32, #tpu.memory_space<vmem>>) dst(%dma_wait3A_20 : memref<10112xf32, #tpu.memory_space<hbm>>)
      tpu.yield
    }) : () -> ()
    return
  }
}

#map = affine_map<(d0, d1) -> (0, 0)>
#map1 = affine_map<(d0, d1) -> (0, 0, 0, 0)>
#map2 = affine_map<(d0, d1) -> (0, 0, 0)>
module attributes {stable_mosaic.version = 14 : i64} {
  func.func @body(%arg0: i32, %arg1: i32, %arg2: memref<10000x128xf32, #tpu.memory_space<hbm>>, %arg3: memref<32x20x8x128xi32, #tpu.memory_space<hbm>>, %arg4: memref<10112x128xf32, #tpu.memory_space<hbm>>, %arg5: memref<2x10112x128xf32, #tpu.memory_space<hbm>>, %arg6: memref<10112x128xf32, #tpu.memory_space<vmem_shared>>, %arg7: memref<10x8x128xi32, #tpu.memory_space<vmem>>, %arg8: memref<128x128xf32, #tpu.memory_space<vmem>>, %arg9: memref<128x128xf32, #tpu.memory_space<vmem>>, %arg10: memref<!tpu.dma_semaphore, #tpu.memory_space<semaphore_mem>>, %arg11: memref<!tpu.dma_semaphore, #tpu.memory_space<semaphore_mem>>, %arg12: memref<!tpu.dma_semaphore, #tpu.memory_space<semaphore_mem>>, %arg13: memref<!tpu.dma_semaphore, #tpu.memory_space<semaphore_mem>>) attributes {dimension_semantics = [#tpu.dimension_semantics<core_parallel>, #tpu.dimension_semantics<subcore_parallel>], iteration_bounds = array<i64: 2, 16>, scalar_prefetch = 0 : i64, scratch_operands = 8 : i64, tpu.core_type = #tpu.core_type<sc_vector_subcore>, window_params = [{transform_indices = #map}, {transform_indices = #map1}, {transform_indices = #map}, {transform_indices = #map2}]} {
    %mul3A = arith.constant 2 : i32
    %mul3A_0 = arith.muli %arg1, %mul3A : i32
    %add3A = arith.addi %mul3A_0, %arg0 : i32
    %mul3A_1 = arith.constant 632 : i32
    %mul3A_2 = arith.muli %arg1, %mul3A_1 : i32
    "tpu.region"() ({
      %run_scoped3A = tpu.sem_alloc : memref<!tpu.dma_semaphore, #tpu.memory_space<semaphore_mem>>
      %dma_start3A = arith.constant 0 : i32
      %dma_start3A_13 = tpu.memref_slice %arg6[%mul3A_2, %dma_start3A] : memref<10112x128xf32, #tpu.memory_space<vmem_shared>> -> memref<632x128xf32, #tpu.memory_space<vmem_shared>>
      %dma_start3A_14 = arith.constant 0 : i32
      %dma_start3A_15 = tpu.memref_slice %arg4[%mul3A_2, %dma_start3A_14] : memref<10112x128xf32, #tpu.memory_space<hbm>> -> memref<632x128xf32, #tpu.memory_space<hbm>>
      tpu.enqueue_dma source(%dma_start3A_15 : memref<632x128xf32, #tpu.memory_space<hbm>>) target(%dma_start3A_13 : memref<632x128xf32, #tpu.memory_space<vmem_shared>>) target_semaphore(%run_scoped3A : memref<!tpu.dma_semaphore, #tpu.memory_space<semaphore_mem>>)
      %dma_wait3A = arith.constant 0 : i32
      %dma_wait3A_16 = tpu.memref_slice %arg6[%mul3A_2, %dma_wait3A] : memref<10112x128xf32, #tpu.memory_space<vmem_shared>> -> memref<632x128xf32, #tpu.memory_space<vmem_shared>>
      %dma_wait3A_17 = arith.constant 0 : i32
      %dma_wait3A_18 = tpu.memref_slice %arg4[%mul3A_2, %dma_wait3A_17] : memref<10112x128xf32, #tpu.memory_space<hbm>> -> memref<632x128xf32, #tpu.memory_space<hbm>>
      tpu.wait_dma2 semaphore(%run_scoped3A : memref<!tpu.dma_semaphore, #tpu.memory_space<semaphore_mem>>) src(%dma_wait3A_18 : memref<632x128xf32, #tpu.memory_space<hbm>>) dst(%dma_wait3A_16 : memref<632x128xf32, #tpu.memory_space<vmem_shared>>)
      tpu.yield
    }) : () -> ()
    %barrier3A = arith.constant 0 : index
    tpu.barrier barrier_id(%barrier3A)
    "tpu.region"() ({
      %run_scoped3A = tpu.sem_alloc : memref<!tpu.dma_semaphore, #tpu.memory_space<semaphore_mem>>
      %dma_start3A = arith.constant 0 : i32
      %dma_start3A_13 = arith.constant 0 : i32
      %dma_start3A_14 = arith.constant 0 : i32
      %dma_start3A_15 = tpu.memref_slice %arg3[%add3A, %dma_start3A, %dma_start3A_13, %dma_start3A_14] : memref<32x20x8x128xi32, #tpu.memory_space<hbm>> -> memref<1x10x8x128xi32, #tpu.memory_space<hbm>>
      %dma_start3A_16 = tpu.memref_squeeze %dma_start3A_15 : memref<1x10x8x128xi32, #tpu.memory_space<hbm>> -> memref<10x8x128xi32, #tpu.memory_space<hbm>>
      %dma_start3A_17 = arith.constant 0 : i32
      %dma_start3A_18 = arith.constant 0 : i32
      %dma_start3A_19 = arith.constant 0 : i32
      %dma_start3A_20 = tpu.memref_slice %arg3[%add3A, %dma_start3A_17, %dma_start3A_18, %dma_start3A_19] : memref<32x20x8x128xi32, #tpu.memory_space<hbm>> -> memref<1x10x8x128xi32, #tpu.memory_space<hbm>>
      %dma_start3A_21 = tpu.memref_squeeze %dma_start3A_20 : memref<1x10x8x128xi32, #tpu.memory_space<hbm>> -> memref<10x8x128xi32, #tpu.memory_space<hbm>>
      tpu.enqueue_dma source(%dma_start3A_21 : memref<10x8x128xi32, #tpu.memory_space<hbm>>) target(%arg7 : memref<10x8x128xi32, #tpu.memory_space<vmem>>) target_semaphore(%run_scoped3A : memref<!tpu.dma_semaphore, #tpu.memory_space<semaphore_mem>>)
      %dma_wait3A = arith.constant 0 : i32
      %dma_wait3A_22 = arith.constant 0 : i32
      %dma_wait3A_23 = arith.constant 0 : i32
      %dma_wait3A_24 = tpu.memref_slice %arg3[%add3A, %dma_wait3A, %dma_wait3A_22, %dma_wait3A_23] : memref<32x20x8x128xi32, #tpu.memory_space<hbm>> -> memref<1x10x8x128xi32, #tpu.memory_space<hbm>>
      %dma_wait3A_25 = tpu.memref_squeeze %dma_wait3A_24 : memref<1x10x8x128xi32, #tpu.memory_space<hbm>> -> memref<10x8x128xi32, #tpu.memory_space<hbm>>
      %dma_wait3A_26 = arith.constant 0 : i32
      %dma_wait3A_27 = arith.constant 0 : i32
      %dma_wait3A_28 = arith.constant 0 : i32
      %dma_wait3A_29 = tpu.memref_slice %arg3[%add3A, %dma_wait3A_26, %dma_wait3A_27, %dma_wait3A_28] : memref<32x20x8x128xi32, #tpu.memory_space<hbm>> -> memref<1x10x8x128xi32, #tpu.memory_space<hbm>>
      %dma_wait3A_30 = tpu.memref_squeeze %dma_wait3A_29 : memref<1x10x8x128xi32, #tpu.memory_space<hbm>> -> memref<10x8x128xi32, #tpu.memory_space<hbm>>
      tpu.wait_dma2 semaphore(%run_scoped3A : memref<!tpu.dma_semaphore, #tpu.memory_space<semaphore_mem>>) src(%dma_wait3A_30 : memref<10x8x128xi32, #tpu.memory_space<hbm>>) dst(%arg7 : memref<10x8x128xi32, #tpu.memory_space<vmem>>)
      tpu.yield
    }) : () -> ()
    %scan3A = arith.constant 0 : i32
    %scan3A_3 = arith.constant 10 : i32
    %scan3A_4 = arith.addi %scan3A, %scan3A_3 : i32
    %scan3A_5 = arith.constant 1 : i32
    scf.for %scan3A_13 = %scan3A to %scan3A_4 step %scan3A_5  : i32 {
      %mul3A_14 = arith.constant 1 : i32
      %mul3A_15 = arith.muli %scan3A_13, %mul3A_14 : i32
      %add3A_16 = arith.constant 0 : i32
      %add3A_17 = arith.addi %add3A_16, %mul3A_15 : i32
      %dma_start3A = arith.constant 0 : i32
      %dma_start3A_18 = arith.constant 0 : i32
      %dma_start3A_19 = tpu.memref_slice %arg7[%add3A_17, %dma_start3A, %dma_start3A_18] : memref<10x8x128xi32, #tpu.memory_space<vmem>> -> memref<1x1x128xi32, #tpu.memory_space<vmem>>
      %dma_start3A_20 = tpu.memref_squeeze %dma_start3A_19 : memref<1x1x128xi32, #tpu.memory_space<vmem>> -> memref<128xi32, #tpu.memory_space<vmem>>
      %dma_start3A_21 = arith.constant 0 : i32
      %dma_start3A_22 = arith.constant 0 : i32
      %dma_start3A_23 = tpu.memref_slice %arg2[%dma_start3A_21, %dma_start3A_22] : memref<10000x128xf32, #tpu.memory_space<hbm>> -> memref<10000x128xf32, #tpu.memory_space<hbm>>
      tpu.enqueue_indirect_dma source(%dma_start3A_23 : memref<10000x128xf32, #tpu.memory_space<hbm>>) target(%arg8 : memref<128x128xf32, #tpu.memory_space<vmem>>) offsets(%dma_start3A_20 : memref<128xi32, #tpu.memory_space<vmem>>) semaphore(%arg10 : memref<!tpu.dma_semaphore, #tpu.memory_space<semaphore_mem>>)
      %dma_start3A_24 = arith.constant 1 : i32
      %dma_start3A_25 = arith.constant 0 : i32
      %dma_start3A_26 = tpu.memref_slice %arg7[%add3A_17, %dma_start3A_24, %dma_start3A_25] : memref<10x8x128xi32, #tpu.memory_space<vmem>> -> memref<1x1x128xi32, #tpu.memory_space<vmem>>
      %dma_start3A_27 = tpu.memref_squeeze %dma_start3A_26 : memref<1x1x128xi32, #tpu.memory_space<vmem>> -> memref<128xi32, #tpu.memory_space<vmem>>
      %dma_start3A_28 = arith.constant 0 : i32
      %dma_start3A_29 = arith.constant 0 : i32
      %dma_start3A_30 = tpu.memref_slice %arg2[%dma_start3A_28, %dma_start3A_29] : memref<10000x128xf32, #tpu.memory_space<hbm>> -> memref<10000x128xf32, #tpu.memory_space<hbm>>
      tpu.enqueue_indirect_dma source(%dma_start3A_30 : memref<10000x128xf32, #tpu.memory_space<hbm>>) target(%arg9 : memref<128x128xf32, #tpu.memory_space<vmem>>) offsets(%dma_start3A_27 : memref<128xi32, #tpu.memory_space<vmem>>) semaphore(%arg11 : memref<!tpu.dma_semaphore, #tpu.memory_space<semaphore_mem>>)
      %dma_wait3A = arith.constant 0 : i32
      %dma_wait3A_31 = arith.constant 0 : i32
      %dma_wait3A_32 = tpu.memref_slice %arg7[%add3A_17, %dma_wait3A, %dma_wait3A_31] : memref<10x8x128xi32, #tpu.memory_space<vmem>> -> memref<1x1x128xi32, #tpu.memory_space<vmem>>
      %dma_wait3A_33 = tpu.memref_squeeze %dma_wait3A_32 : memref<1x1x128xi32, #tpu.memory_space<vmem>> -> memref<128xi32, #tpu.memory_space<vmem>>
      %dma_wait3A_34 = arith.constant 0 : i32
      %dma_wait3A_35 = arith.constant 0 : i32
      %dma_wait3A_36 = tpu.memref_slice %arg2[%dma_wait3A_34, %dma_wait3A_35] : memref<10000x128xf32, #tpu.memory_space<hbm>> -> memref<10000x128xf32, #tpu.memory_space<hbm>>
      tpu.wait_indirect_dma semaphore(%arg10 : memref<!tpu.dma_semaphore, #tpu.memory_space<semaphore_mem>>) src(%dma_wait3A_36 : memref<10000x128xf32, #tpu.memory_space<hbm>>) dst(%arg8 : memref<128x128xf32, #tpu.memory_space<vmem>>)
      %dma_start3A_37 = arith.constant 4 : i32
      %dma_start3A_38 = arith.constant 0 : i32
      %dma_start3A_39 = tpu.memref_slice %arg7[%add3A_17, %dma_start3A_37, %dma_start3A_38] : memref<10x8x128xi32, #tpu.memory_space<vmem>> -> memref<1x1x128xi32, #tpu.memory_space<vmem>>
      %dma_start3A_40 = tpu.memref_squeeze %dma_start3A_39 : memref<1x1x128xi32, #tpu.memory_space<vmem>> -> memref<128xi32, #tpu.memory_space<vmem>>
      %dma_start3A_41 = arith.constant 0 : i32
      %dma_start3A_42 = arith.constant 0 : i32
      %dma_start3A_43 = tpu.memref_slice %arg6[%dma_start3A_41, %dma_start3A_42] : memref<10112x128xf32, #tpu.memory_space<vmem_shared>> -> memref<10112x128xf32, #tpu.memory_space<vmem_shared>>
      tpu.enqueue_indirect_dma source(%arg8 : memref<128x128xf32, #tpu.memory_space<vmem>>) target(%dma_start3A_43 : memref<10112x128xf32, #tpu.memory_space<vmem_shared>>) offsets(%dma_start3A_40 : memref<128xi32, #tpu.memory_space<vmem>>) semaphore(%arg12 : memref<!tpu.dma_semaphore, #tpu.memory_space<semaphore_mem>>) {add = true}
      %dma_wait3A_44 = arith.constant 4 : i32
      %dma_wait3A_45 = arith.constant 0 : i32
      %dma_wait3A_46 = tpu.memref_slice %arg7[%add3A_17, %dma_wait3A_44, %dma_wait3A_45] : memref<10x8x128xi32, #tpu.memory_space<vmem>> -> memref<1x1x128xi32, #tpu.memory_space<vmem>>
      %dma_wait3A_47 = tpu.memref_squeeze %dma_wait3A_46 : memref<1x1x128xi32, #tpu.memory_space<vmem>> -> memref<128xi32, #tpu.memory_space<vmem>>
      %dma_wait3A_48 = arith.constant 0 : i32
      %dma_wait3A_49 = arith.constant 0 : i32
      %dma_wait3A_50 = tpu.memref_slice %arg6[%dma_wait3A_48, %dma_wait3A_49] : memref<10112x128xf32, #tpu.memory_space<vmem_shared>> -> memref<10112x128xf32, #tpu.memory_space<vmem_shared>>
      tpu.wait_indirect_dma semaphore(%arg12 : memref<!tpu.dma_semaphore, #tpu.memory_space<semaphore_mem>>) src(%arg8 : memref<128x128xf32, #tpu.memory_space<vmem>>) dst(%dma_wait3A_50 : memref<10112x128xf32, #tpu.memory_space<vmem_shared>>)
      %dma_start3A_51 = arith.constant 2 : i32
      %dma_start3A_52 = arith.constant 0 : i32
      %dma_start3A_53 = tpu.memref_slice %arg7[%add3A_17, %dma_start3A_51, %dma_start3A_52] : memref<10x8x128xi32, #tpu.memory_space<vmem>> -> memref<1x1x128xi32, #tpu.memory_space<vmem>>
      %dma_start3A_54 = tpu.memref_squeeze %dma_start3A_53 : memref<1x1x128xi32, #tpu.memory_space<vmem>> -> memref<128xi32, #tpu.memory_space<vmem>>
      %dma_start3A_55 = arith.constant 0 : i32
      %dma_start3A_56 = arith.constant 0 : i32
      %dma_start3A_57 = tpu.memref_slice %arg2[%dma_start3A_55, %dma_start3A_56] : memref<10000x128xf32, #tpu.memory_space<hbm>> -> memref<10000x128xf32, #tpu.memory_space<hbm>>
      tpu.enqueue_indirect_dma source(%dma_start3A_57 : memref<10000x128xf32, #tpu.memory_space<hbm>>) target(%arg8 : memref<128x128xf32, #tpu.memory_space<vmem>>) offsets(%dma_start3A_54 : memref<128xi32, #tpu.memory_space<vmem>>) semaphore(%arg10 : memref<!tpu.dma_semaphore, #tpu.memory_space<semaphore_mem>>)
      %dma_wait3A_58 = arith.constant 1 : i32
      %dma_wait3A_59 = arith.constant 0 : i32
      %dma_wait3A_60 = tpu.memref_slice %arg7[%add3A_17, %dma_wait3A_58, %dma_wait3A_59] : memref<10x8x128xi32, #tpu.memory_space<vmem>> -> memref<1x1x128xi32, #tpu.memory_space<vmem>>
      %dma_wait3A_61 = tpu.memref_squeeze %dma_wait3A_60 : memref<1x1x128xi32, #tpu.memory_space<vmem>> -> memref<128xi32, #tpu.memory_space<vmem>>
      %dma_wait3A_62 = arith.constant 0 : i32
      %dma_wait3A_63 = arith.constant 0 : i32
      %dma_wait3A_64 = tpu.memref_slice %arg2[%dma_wait3A_62, %dma_wait3A_63] : memref<10000x128xf32, #tpu.memory_space<hbm>> -> memref<10000x128xf32, #tpu.memory_space<hbm>>
      tpu.wait_indirect_dma semaphore(%arg11 : memref<!tpu.dma_semaphore, #tpu.memory_space<semaphore_mem>>) src(%dma_wait3A_64 : memref<10000x128xf32, #tpu.memory_space<hbm>>) dst(%arg9 : memref<128x128xf32, #tpu.memory_space<vmem>>)
      %dma_start3A_65 = arith.constant 5 : i32
      %dma_start3A_66 = arith.constant 0 : i32
      %dma_start3A_67 = tpu.memref_slice %arg7[%add3A_17, %dma_start3A_65, %dma_start3A_66] : memref<10x8x128xi32, #tpu.memory_space<vmem>> -> memref<1x1x128xi32, #tpu.memory_space<vmem>>
      %dma_start3A_68 = tpu.memref_squeeze %dma_start3A_67 : memref<1x1x128xi32, #tpu.memory_space<vmem>> -> memref<128xi32, #tpu.memory_space<vmem>>
      %dma_start3A_69 = arith.constant 0 : i32
      %dma_start3A_70 = arith.constant 0 : i32
      %dma_start3A_71 = tpu.memref_slice %arg6[%dma_start3A_69, %dma_start3A_70] : memref<10112x128xf32, #tpu.memory_space<vmem_shared>> -> memref<10112x128xf32, #tpu.memory_space<vmem_shared>>
      tpu.enqueue_indirect_dma source(%arg9 : memref<128x128xf32, #tpu.memory_space<vmem>>) target(%dma_start3A_71 : memref<10112x128xf32, #tpu.memory_space<vmem_shared>>) offsets(%dma_start3A_68 : memref<128xi32, #tpu.memory_space<vmem>>) semaphore(%arg13 : memref<!tpu.dma_semaphore, #tpu.memory_space<semaphore_mem>>) {add = true}
      %dma_wait3A_72 = arith.constant 5 : i32
      %dma_wait3A_73 = arith.constant 0 : i32
      %dma_wait3A_74 = tpu.memref_slice %arg7[%add3A_17, %dma_wait3A_72, %dma_wait3A_73] : memref<10x8x128xi32, #tpu.memory_space<vmem>> -> memref<1x1x128xi32, #tpu.memory_space<vmem>>
      %dma_wait3A_75 = tpu.memref_squeeze %dma_wait3A_74 : memref<1x1x128xi32, #tpu.memory_space<vmem>> -> memref<128xi32, #tpu.memory_space<vmem>>
      %dma_wait3A_76 = arith.constant 0 : i32
      %dma_wait3A_77 = arith.constant 0 : i32
      %dma_wait3A_78 = tpu.memref_slice %arg6[%dma_wait3A_76, %dma_wait3A_77] : memref<10112x128xf32, #tpu.memory_space<vmem_shared>> -> memref<10112x128xf32, #tpu.memory_space<vmem_shared>>
      tpu.wait_indirect_dma semaphore(%arg13 : memref<!tpu.dma_semaphore, #tpu.memory_space<semaphore_mem>>) src(%arg9 : memref<128x128xf32, #tpu.memory_space<vmem>>) dst(%dma_wait3A_78 : memref<10112x128xf32, #tpu.memory_space<vmem_shared>>)
      %dma_start3A_79 = arith.constant 3 : i32
      %dma_start3A_80 = arith.constant 0 : i32
      %dma_start3A_81 = tpu.memref_slice %arg7[%add3A_17, %dma_start3A_79, %dma_start3A_80] : memref<10x8x128xi32, #tpu.memory_space<vmem>> -> memref<1x1x128xi32, #tpu.memory_space<vmem>>
      %dma_start3A_82 = tpu.memref_squeeze %dma_start3A_81 : memref<1x1x128xi32, #tpu.memory_space<vmem>> -> memref<128xi32, #tpu.memory_space<vmem>>
      %dma_start3A_83 = arith.constant 0 : i32
      %dma_start3A_84 = arith.constant 0 : i32
      %dma_start3A_85 = tpu.memref_slice %arg2[%dma_start3A_83, %dma_start3A_84] : memref<10000x128xf32, #tpu.memory_space<hbm>> -> memref<10000x128xf32, #tpu.memory_space<hbm>>
      tpu.enqueue_indirect_dma source(%dma_start3A_85 : memref<10000x128xf32, #tpu.memory_space<hbm>>) target(%arg9 : memref<128x128xf32, #tpu.memory_space<vmem>>) offsets(%dma_start3A_82 : memref<128xi32, #tpu.memory_space<vmem>>) semaphore(%arg11 : memref<!tpu.dma_semaphore, #tpu.memory_space<semaphore_mem>>)
      %dma_wait3A_86 = arith.constant 2 : i32
      %dma_wait3A_87 = arith.constant 0 : i32
      %dma_wait3A_88 = tpu.memref_slice %arg7[%add3A_17, %dma_wait3A_86, %dma_wait3A_87] : memref<10x8x128xi32, #tpu.memory_space<vmem>> -> memref<1x1x128xi32, #tpu.memory_space<vmem>>
      %dma_wait3A_89 = tpu.memref_squeeze %dma_wait3A_88 : memref<1x1x128xi32, #tpu.memory_space<vmem>> -> memref<128xi32, #tpu.memory_space<vmem>>
      %dma_wait3A_90 = arith.constant 0 : i32
      %dma_wait3A_91 = arith.constant 0 : i32
      %dma_wait3A_92 = tpu.memref_slice %arg2[%dma_wait3A_90, %dma_wait3A_91] : memref<10000x128xf32, #tpu.memory_space<hbm>> -> memref<10000x128xf32, #tpu.memory_space<hbm>>
      tpu.wait_indirect_dma semaphore(%arg10 : memref<!tpu.dma_semaphore, #tpu.memory_space<semaphore_mem>>) src(%dma_wait3A_92 : memref<10000x128xf32, #tpu.memory_space<hbm>>) dst(%arg8 : memref<128x128xf32, #tpu.memory_space<vmem>>)
      %dma_start3A_93 = arith.constant 6 : i32
      %dma_start3A_94 = arith.constant 0 : i32
      %dma_start3A_95 = tpu.memref_slice %arg7[%add3A_17, %dma_start3A_93, %dma_start3A_94] : memref<10x8x128xi32, #tpu.memory_space<vmem>> -> memref<1x1x128xi32, #tpu.memory_space<vmem>>
      %dma_start3A_96 = tpu.memref_squeeze %dma_start3A_95 : memref<1x1x128xi32, #tpu.memory_space<vmem>> -> memref<128xi32, #tpu.memory_space<vmem>>
      %dma_start3A_97 = arith.constant 0 : i32
      %dma_start3A_98 = arith.constant 0 : i32
      %dma_start3A_99 = tpu.memref_slice %arg6[%dma_start3A_97, %dma_start3A_98] : memref<10112x128xf32, #tpu.memory_space<vmem_shared>> -> memref<10112x128xf32, #tpu.memory_space<vmem_shared>>
      tpu.enqueue_indirect_dma source(%arg8 : memref<128x128xf32, #tpu.memory_space<vmem>>) target(%dma_start3A_99 : memref<10112x128xf32, #tpu.memory_space<vmem_shared>>) offsets(%dma_start3A_96 : memref<128xi32, #tpu.memory_space<vmem>>) semaphore(%arg12 : memref<!tpu.dma_semaphore, #tpu.memory_space<semaphore_mem>>) {add = true}
      %dma_wait3A_100 = arith.constant 3 : i32
      %dma_wait3A_101 = arith.constant 0 : i32
      %dma_wait3A_102 = tpu.memref_slice %arg7[%add3A_17, %dma_wait3A_100, %dma_wait3A_101] : memref<10x8x128xi32, #tpu.memory_space<vmem>> -> memref<1x1x128xi32, #tpu.memory_space<vmem>>
      %dma_wait3A_103 = tpu.memref_squeeze %dma_wait3A_102 : memref<1x1x128xi32, #tpu.memory_space<vmem>> -> memref<128xi32, #tpu.memory_space<vmem>>
      %dma_wait3A_104 = arith.constant 0 : i32
      %dma_wait3A_105 = arith.constant 0 : i32
      %dma_wait3A_106 = tpu.memref_slice %arg2[%dma_wait3A_104, %dma_wait3A_105] : memref<10000x128xf32, #tpu.memory_space<hbm>> -> memref<10000x128xf32, #tpu.memory_space<hbm>>
      tpu.wait_indirect_dma semaphore(%arg11 : memref<!tpu.dma_semaphore, #tpu.memory_space<semaphore_mem>>) src(%dma_wait3A_106 : memref<10000x128xf32, #tpu.memory_space<hbm>>) dst(%arg9 : memref<128x128xf32, #tpu.memory_space<vmem>>)
      %dma_start3A_107 = arith.constant 7 : i32
      %dma_start3A_108 = arith.constant 0 : i32
      %dma_start3A_109 = tpu.memref_slice %arg7[%add3A_17, %dma_start3A_107, %dma_start3A_108] : memref<10x8x128xi32, #tpu.memory_space<vmem>> -> memref<1x1x128xi32, #tpu.memory_space<vmem>>
      %dma_start3A_110 = tpu.memref_squeeze %dma_start3A_109 : memref<1x1x128xi32, #tpu.memory_space<vmem>> -> memref<128xi32, #tpu.memory_space<vmem>>
      %dma_start3A_111 = arith.constant 0 : i32
      %dma_start3A_112 = arith.constant 0 : i32
      %dma_start3A_113 = tpu.memref_slice %arg6[%dma_start3A_111, %dma_start3A_112] : memref<10112x128xf32, #tpu.memory_space<vmem_shared>> -> memref<10112x128xf32, #tpu.memory_space<vmem_shared>>
      tpu.enqueue_indirect_dma source(%arg9 : memref<128x128xf32, #tpu.memory_space<vmem>>) target(%dma_start3A_113 : memref<10112x128xf32, #tpu.memory_space<vmem_shared>>) offsets(%dma_start3A_110 : memref<128xi32, #tpu.memory_space<vmem>>) semaphore(%arg13 : memref<!tpu.dma_semaphore, #tpu.memory_space<semaphore_mem>>) {add = true}
      %dma_wait3A_114 = arith.constant 6 : i32
      %dma_wait3A_115 = arith.constant 0 : i32
      %dma_wait3A_116 = tpu.memref_slice %arg7[%add3A_17, %dma_wait3A_114, %dma_wait3A_115] : memref<10x8x128xi32, #tpu.memory_space<vmem>> -> memref<1x1x128xi32, #tpu.memory_space<vmem>>
      %dma_wait3A_117 = tpu.memref_squeeze %dma_wait3A_116 : memref<1x1x128xi32, #tpu.memory_space<vmem>> -> memref<128xi32, #tpu.memory_space<vmem>>
      %dma_wait3A_118 = arith.constant 0 : i32
      %dma_wait3A_119 = arith.constant 0 : i32
      %dma_wait3A_120 = tpu.memref_slice %arg6[%dma_wait3A_118, %dma_wait3A_119] : memref<10112x128xf32, #tpu.memory_space<vmem_shared>> -> memref<10112x128xf32, #tpu.memory_space<vmem_shared>>
      tpu.wait_indirect_dma semaphore(%arg12 : memref<!tpu.dma_semaphore, #tpu.memory_space<semaphore_mem>>) src(%arg8 : memref<128x128xf32, #tpu.memory_space<vmem>>) dst(%dma_wait3A_120 : memref<10112x128xf32, #tpu.memory_space<vmem_shared>>)
      %dma_wait3A_121 = arith.constant 7 : i32
      %dma_wait3A_122 = arith.constant 0 : i32
      %dma_wait3A_123 = tpu.memref_slice %arg7[%add3A_17, %dma_wait3A_121, %dma_wait3A_122] : memref<10x8x128xi32, #tpu.memory_space<vmem>> -> memref<1x1x128xi32, #tpu.memory_space<vmem>>
      %dma_wait3A_124 = tpu.memref_squeeze %dma_wait3A_123 : memref<1x1x128xi32, #tpu.memory_space<vmem>> -> memref<128xi32, #tpu.memory_space<vmem>>
      %dma_wait3A_125 = arith.constant 0 : i32
      %dma_wait3A_126 = arith.constant 0 : i32
      %dma_wait3A_127 = tpu.memref_slice %arg6[%dma_wait3A_125, %dma_wait3A_126] : memref<10112x128xf32, #tpu.memory_space<vmem_shared>> -> memref<10112x128xf32, #tpu.memory_space<vmem_shared>>
      tpu.wait_indirect_dma semaphore(%arg13 : memref<!tpu.dma_semaphore, #tpu.memory_space<semaphore_mem>>) src(%arg9 : memref<128x128xf32, #tpu.memory_space<vmem>>) dst(%dma_wait3A_127 : memref<10112x128xf32, #tpu.memory_space<vmem_shared>>)
    }
    %scan3A_6 = arith.constant 10 : i32
    "tpu.region"() ({
      %run_scoped3A = tpu.sem_alloc : memref<!tpu.dma_semaphore, #tpu.memory_space<semaphore_mem>>
      %dma_start3A = arith.constant 10 : i32
      %dma_start3A_13 = arith.constant 0 : i32
      %dma_start3A_14 = arith.constant 0 : i32
      %dma_start3A_15 = tpu.memref_slice %arg3[%add3A, %dma_start3A, %dma_start3A_13, %dma_start3A_14] : memref<32x20x8x128xi32, #tpu.memory_space<hbm>> -> memref<1x10x8x128xi32, #tpu.memory_space<hbm>>
      %dma_start3A_16 = tpu.memref_squeeze %dma_start3A_15 : memref<1x10x8x128xi32, #tpu.memory_space<hbm>> -> memref<10x8x128xi32, #tpu.memory_space<hbm>>
      %dma_start3A_17 = arith.constant 10 : i32
      %dma_start3A_18 = arith.constant 0 : i32
      %dma_start3A_19 = arith.constant 0 : i32
      %dma_start3A_20 = tpu.memref_slice %arg3[%add3A, %dma_start3A_17, %dma_start3A_18, %dma_start3A_19] : memref<32x20x8x128xi32, #tpu.memory_space<hbm>> -> memref<1x10x8x128xi32, #tpu.memory_space<hbm>>
      %dma_start3A_21 = tpu.memref_squeeze %dma_start3A_20 : memref<1x10x8x128xi32, #tpu.memory_space<hbm>> -> memref<10x8x128xi32, #tpu.memory_space<hbm>>
      tpu.enqueue_dma source(%dma_start3A_21 : memref<10x8x128xi32, #tpu.memory_space<hbm>>) target(%arg7 : memref<10x8x128xi32, #tpu.memory_space<vmem>>) target_semaphore(%run_scoped3A : memref<!tpu.dma_semaphore, #tpu.memory_space<semaphore_mem>>)
      %dma_wait3A = arith.constant 10 : i32
      %dma_wait3A_22 = arith.constant 0 : i32
      %dma_wait3A_23 = arith.constant 0 : i32
      %dma_wait3A_24 = tpu.memref_slice %arg3[%add3A, %dma_wait3A, %dma_wait3A_22, %dma_wait3A_23] : memref<32x20x8x128xi32, #tpu.memory_space<hbm>> -> memref<1x10x8x128xi32, #tpu.memory_space<hbm>>
      %dma_wait3A_25 = tpu.memref_squeeze %dma_wait3A_24 : memref<1x10x8x128xi32, #tpu.memory_space<hbm>> -> memref<10x8x128xi32, #tpu.memory_space<hbm>>
      %dma_wait3A_26 = arith.constant 10 : i32
      %dma_wait3A_27 = arith.constant 0 : i32
      %dma_wait3A_28 = arith.constant 0 : i32
      %dma_wait3A_29 = tpu.memref_slice %arg3[%add3A, %dma_wait3A_26, %dma_wait3A_27, %dma_wait3A_28] : memref<32x20x8x128xi32, #tpu.memory_space<hbm>> -> memref<1x10x8x128xi32, #tpu.memory_space<hbm>>
      %dma_wait3A_30 = tpu.memref_squeeze %dma_wait3A_29 : memref<1x10x8x128xi32, #tpu.memory_space<hbm>> -> memref<10x8x128xi32, #tpu.memory_space<hbm>>
      tpu.wait_dma2 semaphore(%run_scoped3A : memref<!tpu.dma_semaphore, #tpu.memory_space<semaphore_mem>>) src(%dma_wait3A_30 : memref<10x8x128xi32, #tpu.memory_space<hbm>>) dst(%arg7 : memref<10x8x128xi32, #tpu.memory_space<vmem>>)
      tpu.yield
    }) : () -> ()
    %scan3A_7 = arith.constant 0 : i32
    %scan3A_8 = arith.constant 10 : i32
    %scan3A_9 = arith.addi %scan3A_7, %scan3A_8 : i32
    %scan3A_10 = arith.constant 1 : i32
    scf.for %scan3A_13 = %scan3A_7 to %scan3A_9 step %scan3A_10  : i32 {
      %mul3A_14 = arith.constant 1 : i32
      %mul3A_15 = arith.muli %scan3A_13, %mul3A_14 : i32
      %add3A_16 = arith.constant 0 : i32
      %add3A_17 = arith.addi %add3A_16, %mul3A_15 : i32
      %dma_start3A = arith.constant 0 : i32
      %dma_start3A_18 = arith.constant 0 : i32
      %dma_start3A_19 = tpu.memref_slice %arg7[%add3A_17, %dma_start3A, %dma_start3A_18] : memref<10x8x128xi32, #tpu.memory_space<vmem>> -> memref<1x1x128xi32, #tpu.memory_space<vmem>>
      %dma_start3A_20 = tpu.memref_squeeze %dma_start3A_19 : memref<1x1x128xi32, #tpu.memory_space<vmem>> -> memref<128xi32, #tpu.memory_space<vmem>>
      %dma_start3A_21 = arith.constant 0 : i32
      %dma_start3A_22 = arith.constant 0 : i32
      %dma_start3A_23 = tpu.memref_slice %arg2[%dma_start3A_21, %dma_start3A_22] : memref<10000x128xf32, #tpu.memory_space<hbm>> -> memref<10000x128xf32, #tpu.memory_space<hbm>>
      tpu.enqueue_indirect_dma source(%dma_start3A_23 : memref<10000x128xf32, #tpu.memory_space<hbm>>) target(%arg8 : memref<128x128xf32, #tpu.memory_space<vmem>>) offsets(%dma_start3A_20 : memref<128xi32, #tpu.memory_space<vmem>>) semaphore(%arg10 : memref<!tpu.dma_semaphore, #tpu.memory_space<semaphore_mem>>)
      %dma_start3A_24 = arith.constant 1 : i32
      %dma_start3A_25 = arith.constant 0 : i32
      %dma_start3A_26 = tpu.memref_slice %arg7[%add3A_17, %dma_start3A_24, %dma_start3A_25] : memref<10x8x128xi32, #tpu.memory_space<vmem>> -> memref<1x1x128xi32, #tpu.memory_space<vmem>>
      %dma_start3A_27 = tpu.memref_squeeze %dma_start3A_26 : memref<1x1x128xi32, #tpu.memory_space<vmem>> -> memref<128xi32, #tpu.memory_space<vmem>>
      %dma_start3A_28 = arith.constant 0 : i32
      %dma_start3A_29 = arith.constant 0 : i32
      %dma_start3A_30 = tpu.memref_slice %arg2[%dma_start3A_28, %dma_start3A_29] : memref<10000x128xf32, #tpu.memory_space<hbm>> -> memref<10000x128xf32, #tpu.memory_space<hbm>>
      tpu.enqueue_indirect_dma source(%dma_start3A_30 : memref<10000x128xf32, #tpu.memory_space<hbm>>) target(%arg9 : memref<128x128xf32, #tpu.memory_space<vmem>>) offsets(%dma_start3A_27 : memref<128xi32, #tpu.memory_space<vmem>>) semaphore(%arg11 : memref<!tpu.dma_semaphore, #tpu.memory_space<semaphore_mem>>)
      %dma_wait3A = arith.constant 0 : i32
      %dma_wait3A_31 = arith.constant 0 : i32
      %dma_wait3A_32 = tpu.memref_slice %arg7[%add3A_17, %dma_wait3A, %dma_wait3A_31] : memref<10x8x128xi32, #tpu.memory_space<vmem>> -> memref<1x1x128xi32, #tpu.memory_space<vmem>>
      %dma_wait3A_33 = tpu.memref_squeeze %dma_wait3A_32 : memref<1x1x128xi32, #tpu.memory_space<vmem>> -> memref<128xi32, #tpu.memory_space<vmem>>
      %dma_wait3A_34 = arith.constant 0 : i32
      %dma_wait3A_35 = arith.constant 0 : i32
      %dma_wait3A_36 = tpu.memref_slice %arg2[%dma_wait3A_34, %dma_wait3A_35] : memref<10000x128xf32, #tpu.memory_space<hbm>> -> memref<10000x128xf32, #tpu.memory_space<hbm>>
      tpu.wait_indirect_dma semaphore(%arg10 : memref<!tpu.dma_semaphore, #tpu.memory_space<semaphore_mem>>) src(%dma_wait3A_36 : memref<10000x128xf32, #tpu.memory_space<hbm>>) dst(%arg8 : memref<128x128xf32, #tpu.memory_space<vmem>>)
      %dma_start3A_37 = arith.constant 4 : i32
      %dma_start3A_38 = arith.constant 0 : i32
      %dma_start3A_39 = tpu.memref_slice %arg7[%add3A_17, %dma_start3A_37, %dma_start3A_38] : memref<10x8x128xi32, #tpu.memory_space<vmem>> -> memref<1x1x128xi32, #tpu.memory_space<vmem>>
      %dma_start3A_40 = tpu.memref_squeeze %dma_start3A_39 : memref<1x1x128xi32, #tpu.memory_space<vmem>> -> memref<128xi32, #tpu.memory_space<vmem>>
      %dma_start3A_41 = arith.constant 0 : i32
      %dma_start3A_42 = arith.constant 0 : i32
      %dma_start3A_43 = tpu.memref_slice %arg6[%dma_start3A_41, %dma_start3A_42] : memref<10112x128xf32, #tpu.memory_space<vmem_shared>> -> memref<10112x128xf32, #tpu.memory_space<vmem_shared>>
      tpu.enqueue_indirect_dma source(%arg8 : memref<128x128xf32, #tpu.memory_space<vmem>>) target(%dma_start3A_43 : memref<10112x128xf32, #tpu.memory_space<vmem_shared>>) offsets(%dma_start3A_40 : memref<128xi32, #tpu.memory_space<vmem>>) semaphore(%arg12 : memref<!tpu.dma_semaphore, #tpu.memory_space<semaphore_mem>>) {add = true}
      %dma_wait3A_44 = arith.constant 4 : i32
      %dma_wait3A_45 = arith.constant 0 : i32
      %dma_wait3A_46 = tpu.memref_slice %arg7[%add3A_17, %dma_wait3A_44, %dma_wait3A_45] : memref<10x8x128xi32, #tpu.memory_space<vmem>> -> memref<1x1x128xi32, #tpu.memory_space<vmem>>
      %dma_wait3A_47 = tpu.memref_squeeze %dma_wait3A_46 : memref<1x1x128xi32, #tpu.memory_space<vmem>> -> memref<128xi32, #tpu.memory_space<vmem>>
      %dma_wait3A_48 = arith.constant 0 : i32
      %dma_wait3A_49 = arith.constant 0 : i32
      %dma_wait3A_50 = tpu.memref_slice %arg6[%dma_wait3A_48, %dma_wait3A_49] : memref<10112x128xf32, #tpu.memory_space<vmem_shared>> -> memref<10112x128xf32, #tpu.memory_space<vmem_shared>>
      tpu.wait_indirect_dma semaphore(%arg12 : memref<!tpu.dma_semaphore, #tpu.memory_space<semaphore_mem>>) src(%arg8 : memref<128x128xf32, #tpu.memory_space<vmem>>) dst(%dma_wait3A_50 : memref<10112x128xf32, #tpu.memory_space<vmem_shared>>)
      %dma_start3A_51 = arith.constant 2 : i32
      %dma_start3A_52 = arith.constant 0 : i32
      %dma_start3A_53 = tpu.memref_slice %arg7[%add3A_17, %dma_start3A_51, %dma_start3A_52] : memref<10x8x128xi32, #tpu.memory_space<vmem>> -> memref<1x1x128xi32, #tpu.memory_space<vmem>>
      %dma_start3A_54 = tpu.memref_squeeze %dma_start3A_53 : memref<1x1x128xi32, #tpu.memory_space<vmem>> -> memref<128xi32, #tpu.memory_space<vmem>>
      %dma_start3A_55 = arith.constant 0 : i32
      %dma_start3A_56 = arith.constant 0 : i32
      %dma_start3A_57 = tpu.memref_slice %arg2[%dma_start3A_55, %dma_start3A_56] : memref<10000x128xf32, #tpu.memory_space<hbm>> -> memref<10000x128xf32, #tpu.memory_space<hbm>>
      tpu.enqueue_indirect_dma source(%dma_start3A_57 : memref<10000x128xf32, #tpu.memory_space<hbm>>) target(%arg8 : memref<128x128xf32, #tpu.memory_space<vmem>>) offsets(%dma_start3A_54 : memref<128xi32, #tpu.memory_space<vmem>>) semaphore(%arg10 : memref<!tpu.dma_semaphore, #tpu.memory_space<semaphore_mem>>)
      %dma_wait3A_58 = arith.constant 1 : i32
      %dma_wait3A_59 = arith.constant 0 : i32
      %dma_wait3A_60 = tpu.memref_slice %arg7[%add3A_17, %dma_wait3A_58, %dma_wait3A_59] : memref<10x8x128xi32, #tpu.memory_space<vmem>> -> memref<1x1x128xi32, #tpu.memory_space<vmem>>
      %dma_wait3A_61 = tpu.memref_squeeze %dma_wait3A_60 : memref<1x1x128xi32, #tpu.memory_space<vmem>> -> memref<128xi32, #tpu.memory_space<vmem>>
      %dma_wait3A_62 = arith.constant 0 : i32
      %dma_wait3A_63 = arith.constant 0 : i32
      %dma_wait3A_64 = tpu.memref_slice %arg2[%dma_wait3A_62, %dma_wait3A_63] : memref<10000x128xf32, #tpu.memory_space<hbm>> -> memref<10000x128xf32, #tpu.memory_space<hbm>>
      tpu.wait_indirect_dma semaphore(%arg11 : memref<!tpu.dma_semaphore, #tpu.memory_space<semaphore_mem>>) src(%dma_wait3A_64 : memref<10000x128xf32, #tpu.memory_space<hbm>>) dst(%arg9 : memref<128x128xf32, #tpu.memory_space<vmem>>)
      %dma_start3A_65 = arith.constant 5 : i32
      %dma_start3A_66 = arith.constant 0 : i32
      %dma_start3A_67 = tpu.memref_slice %arg7[%add3A_17, %dma_start3A_65, %dma_start3A_66] : memref<10x8x128xi32, #tpu.memory_space<vmem>> -> memref<1x1x128xi32, #tpu.memory_space<vmem>>
      %dma_start3A_68 = tpu.memref_squeeze %dma_start3A_67 : memref<1x1x128xi32, #tpu.memory_space<vmem>> -> memref<128xi32, #tpu.memory_space<vmem>>
      %dma_start3A_69 = arith.constant 0 : i32
      %dma_start3A_70 = arith.constant 0 : i32
      %dma_start3A_71 = tpu.memref_slice %arg6[%dma_start3A_69, %dma_start3A_70] : memref<10112x128xf32, #tpu.memory_space<vmem_shared>> -> memref<10112x128xf32, #tpu.memory_space<vmem_shared>>
      tpu.enqueue_indirect_dma source(%arg9 : memref<128x128xf32, #tpu.memory_space<vmem>>) target(%dma_start3A_71 : memref<10112x128xf32, #tpu.memory_space<vmem_shared>>) offsets(%dma_start3A_68 : memref<128xi32, #tpu.memory_space<vmem>>) semaphore(%arg13 : memref<!tpu.dma_semaphore, #tpu.memory_space<semaphore_mem>>) {add = true}
      %dma_wait3A_72 = arith.constant 5 : i32
      %dma_wait3A_73 = arith.constant 0 : i32
      %dma_wait3A_74 = tpu.memref_slice %arg7[%add3A_17, %dma_wait3A_72, %dma_wait3A_73] : memref<10x8x128xi32, #tpu.memory_space<vmem>> -> memref<1x1x128xi32, #tpu.memory_space<vmem>>
      %dma_wait3A_75 = tpu.memref_squeeze %dma_wait3A_74 : memref<1x1x128xi32, #tpu.memory_space<vmem>> -> memref<128xi32, #tpu.memory_space<vmem>>
      %dma_wait3A_76 = arith.constant 0 : i32
      %dma_wait3A_77 = arith.constant 0 : i32
      %dma_wait3A_78 = tpu.memref_slice %arg6[%dma_wait3A_76, %dma_wait3A_77] : memref<10112x128xf32, #tpu.memory_space<vmem_shared>> -> memref<10112x128xf32, #tpu.memory_space<vmem_shared>>
      tpu.wait_indirect_dma semaphore(%arg13 : memref<!tpu.dma_semaphore, #tpu.memory_space<semaphore_mem>>) src(%arg9 : memref<128x128xf32, #tpu.memory_space<vmem>>) dst(%dma_wait3A_78 : memref<10112x128xf32, #tpu.memory_space<vmem_shared>>)
      %dma_start3A_79 = arith.constant 3 : i32
      %dma_start3A_80 = arith.constant 0 : i32
      %dma_start3A_81 = tpu.memref_slice %arg7[%add3A_17, %dma_start3A_79, %dma_start3A_80] : memref<10x8x128xi32, #tpu.memory_space<vmem>> -> memref<1x1x128xi32, #tpu.memory_space<vmem>>
      %dma_start3A_82 = tpu.memref_squeeze %dma_start3A_81 : memref<1x1x128xi32, #tpu.memory_space<vmem>> -> memref<128xi32, #tpu.memory_space<vmem>>
      %dma_start3A_83 = arith.constant 0 : i32
      %dma_start3A_84 = arith.constant 0 : i32
      %dma_start3A_85 = tpu.memref_slice %arg2[%dma_start3A_83, %dma_start3A_84] : memref<10000x128xf32, #tpu.memory_space<hbm>> -> memref<10000x128xf32, #tpu.memory_space<hbm>>
      tpu.enqueue_indirect_dma source(%dma_start3A_85 : memref<10000x128xf32, #tpu.memory_space<hbm>>) target(%arg9 : memref<128x128xf32, #tpu.memory_space<vmem>>) offsets(%dma_start3A_82 : memref<128xi32, #tpu.memory_space<vmem>>) semaphore(%arg11 : memref<!tpu.dma_semaphore, #tpu.memory_space<semaphore_mem>>)
      %dma_wait3A_86 = arith.constant 2 : i32
      %dma_wait3A_87 = arith.constant 0 : i32
      %dma_wait3A_88 = tpu.memref_slice %arg7[%add3A_17, %dma_wait3A_86, %dma_wait3A_87] : memref<10x8x128xi32, #tpu.memory_space<vmem>> -> memref<1x1x128xi32, #tpu.memory_space<vmem>>
      %dma_wait3A_89 = tpu.memref_squeeze %dma_wait3A_88 : memref<1x1x128xi32, #tpu.memory_space<vmem>> -> memref<128xi32, #tpu.memory_space<vmem>>
      %dma_wait3A_90 = arith.constant 0 : i32
      %dma_wait3A_91 = arith.constant 0 : i32
      %dma_wait3A_92 = tpu.memref_slice %arg2[%dma_wait3A_90, %dma_wait3A_91] : memref<10000x128xf32, #tpu.memory_space<hbm>> -> memref<10000x128xf32, #tpu.memory_space<hbm>>
      tpu.wait_indirect_dma semaphore(%arg10 : memref<!tpu.dma_semaphore, #tpu.memory_space<semaphore_mem>>) src(%dma_wait3A_92 : memref<10000x128xf32, #tpu.memory_space<hbm>>) dst(%arg8 : memref<128x128xf32, #tpu.memory_space<vmem>>)
      %dma_start3A_93 = arith.constant 6 : i32
      %dma_start3A_94 = arith.constant 0 : i32
      %dma_start3A_95 = tpu.memref_slice %arg7[%add3A_17, %dma_start3A_93, %dma_start3A_94] : memref<10x8x128xi32, #tpu.memory_space<vmem>> -> memref<1x1x128xi32, #tpu.memory_space<vmem>>
      %dma_start3A_96 = tpu.memref_squeeze %dma_start3A_95 : memref<1x1x128xi32, #tpu.memory_space<vmem>> -> memref<128xi32, #tpu.memory_space<vmem>>
      %dma_start3A_97 = arith.constant 0 : i32
      %dma_start3A_98 = arith.constant 0 : i32
      %dma_start3A_99 = tpu.memref_slice %arg6[%dma_start3A_97, %dma_start3A_98] : memref<10112x128xf32, #tpu.memory_space<vmem_shared>> -> memref<10112x128xf32, #tpu.memory_space<vmem_shared>>
      tpu.enqueue_indirect_dma source(%arg8 : memref<128x128xf32, #tpu.memory_space<vmem>>) target(%dma_start3A_99 : memref<10112x128xf32, #tpu.memory_space<vmem_shared>>) offsets(%dma_start3A_96 : memref<128xi32, #tpu.memory_space<vmem>>) semaphore(%arg12 : memref<!tpu.dma_semaphore, #tpu.memory_space<semaphore_mem>>) {add = true}
      %dma_wait3A_100 = arith.constant 3 : i32
      %dma_wait3A_101 = arith.constant 0 : i32
      %dma_wait3A_102 = tpu.memref_slice %arg7[%add3A_17, %dma_wait3A_100, %dma_wait3A_101] : memref<10x8x128xi32, #tpu.memory_space<vmem>> -> memref<1x1x128xi32, #tpu.memory_space<vmem>>
      %dma_wait3A_103 = tpu.memref_squeeze %dma_wait3A_102 : memref<1x1x128xi32, #tpu.memory_space<vmem>> -> memref<128xi32, #tpu.memory_space<vmem>>
      %dma_wait3A_104 = arith.constant 0 : i32
      %dma_wait3A_105 = arith.constant 0 : i32
      %dma_wait3A_106 = tpu.memref_slice %arg2[%dma_wait3A_104, %dma_wait3A_105] : memref<10000x128xf32, #tpu.memory_space<hbm>> -> memref<10000x128xf32, #tpu.memory_space<hbm>>
      tpu.wait_indirect_dma semaphore(%arg11 : memref<!tpu.dma_semaphore, #tpu.memory_space<semaphore_mem>>) src(%dma_wait3A_106 : memref<10000x128xf32, #tpu.memory_space<hbm>>) dst(%arg9 : memref<128x128xf32, #tpu.memory_space<vmem>>)
      %dma_start3A_107 = arith.constant 7 : i32
      %dma_start3A_108 = arith.constant 0 : i32
      %dma_start3A_109 = tpu.memref_slice %arg7[%add3A_17, %dma_start3A_107, %dma_start3A_108] : memref<10x8x128xi32, #tpu.memory_space<vmem>> -> memref<1x1x128xi32, #tpu.memory_space<vmem>>
      %dma_start3A_110 = tpu.memref_squeeze %dma_start3A_109 : memref<1x1x128xi32, #tpu.memory_space<vmem>> -> memref<128xi32, #tpu.memory_space<vmem>>
      %dma_start3A_111 = arith.constant 0 : i32
      %dma_start3A_112 = arith.constant 0 : i32
      %dma_start3A_113 = tpu.memref_slice %arg6[%dma_start3A_111, %dma_start3A_112] : memref<10112x128xf32, #tpu.memory_space<vmem_shared>> -> memref<10112x128xf32, #tpu.memory_space<vmem_shared>>
      tpu.enqueue_indirect_dma source(%arg9 : memref<128x128xf32, #tpu.memory_space<vmem>>) target(%dma_start3A_113 : memref<10112x128xf32, #tpu.memory_space<vmem_shared>>) offsets(%dma_start3A_110 : memref<128xi32, #tpu.memory_space<vmem>>) semaphore(%arg13 : memref<!tpu.dma_semaphore, #tpu.memory_space<semaphore_mem>>) {add = true}
      %dma_wait3A_114 = arith.constant 6 : i32
      %dma_wait3A_115 = arith.constant 0 : i32
      %dma_wait3A_116 = tpu.memref_slice %arg7[%add3A_17, %dma_wait3A_114, %dma_wait3A_115] : memref<10x8x128xi32, #tpu.memory_space<vmem>> -> memref<1x1x128xi32, #tpu.memory_space<vmem>>
      %dma_wait3A_117 = tpu.memref_squeeze %dma_wait3A_116 : memref<1x1x128xi32, #tpu.memory_space<vmem>> -> memref<128xi32, #tpu.memory_space<vmem>>
      %dma_wait3A_118 = arith.constant 0 : i32
      %dma_wait3A_119 = arith.constant 0 : i32
      %dma_wait3A_120 = tpu.memref_slice %arg6[%dma_wait3A_118, %dma_wait3A_119] : memref<10112x128xf32, #tpu.memory_space<vmem_shared>> -> memref<10112x128xf32, #tpu.memory_space<vmem_shared>>
      tpu.wait_indirect_dma semaphore(%arg12 : memref<!tpu.dma_semaphore, #tpu.memory_space<semaphore_mem>>) src(%arg8 : memref<128x128xf32, #tpu.memory_space<vmem>>) dst(%dma_wait3A_120 : memref<10112x128xf32, #tpu.memory_space<vmem_shared>>)
      %dma_wait3A_121 = arith.constant 7 : i32
      %dma_wait3A_122 = arith.constant 0 : i32
      %dma_wait3A_123 = tpu.memref_slice %arg7[%add3A_17, %dma_wait3A_121, %dma_wait3A_122] : memref<10x8x128xi32, #tpu.memory_space<vmem>> -> memref<1x1x128xi32, #tpu.memory_space<vmem>>
      %dma_wait3A_124 = tpu.memref_squeeze %dma_wait3A_123 : memref<1x1x128xi32, #tpu.memory_space<vmem>> -> memref<128xi32, #tpu.memory_space<vmem>>
      %dma_wait3A_125 = arith.constant 0 : i32
      %dma_wait3A_126 = arith.constant 0 : i32
      %dma_wait3A_127 = tpu.memref_slice %arg6[%dma_wait3A_125, %dma_wait3A_126] : memref<10112x128xf32, #tpu.memory_space<vmem_shared>> -> memref<10112x128xf32, #tpu.memory_space<vmem_shared>>
      tpu.wait_indirect_dma semaphore(%arg13 : memref<!tpu.dma_semaphore, #tpu.memory_space<semaphore_mem>>) src(%arg9 : memref<128x128xf32, #tpu.memory_space<vmem>>) dst(%dma_wait3A_127 : memref<10112x128xf32, #tpu.memory_space<vmem_shared>>)
    }
    %scan3A_11 = arith.constant 10 : i32
    %barrier3A_12 = arith.constant 0 : index
    tpu.barrier barrier_id(%barrier3A_12)
    "tpu.region"() ({
      %run_scoped3A = tpu.sem_alloc : memref<!tpu.dma_semaphore, #tpu.memory_space<semaphore_mem>>
      %dma_start3A = arith.constant 0 : i32
      %dma_start3A_13 = tpu.memref_slice %arg5[%arg0, %mul3A_2, %dma_start3A] : memref<2x10112x128xf32, #tpu.memory_space<hbm>> -> memref<1x632x128xf32, #tpu.memory_space<hbm>>
      %dma_start3A_14 = tpu.memref_squeeze %dma_start3A_13 : memref<1x632x128xf32, #tpu.memory_space<hbm>> -> memref<632x128xf32, #tpu.memory_space<hbm>>
      %dma_start3A_15 = arith.constant 0 : i32
      %dma_start3A_16 = tpu.memref_slice %arg6[%mul3A_2, %dma_start3A_15] : memref<10112x128xf32, #tpu.memory_space<vmem_shared>> -> memref<632x128xf32, #tpu.memory_space<vmem_shared>>
      tpu.enqueue_dma source(%dma_start3A_16 : memref<632x128xf32, #tpu.memory_space<vmem_shared>>) target(%dma_start3A_14 : memref<632x128xf32, #tpu.memory_space<hbm>>) target_semaphore(%run_scoped3A : memref<!tpu.dma_semaphore, #tpu.memory_space<semaphore_mem>>)
      %dma_wait3A = arith.constant 0 : i32
      %dma_wait3A_17 = tpu.memref_slice %arg5[%arg0, %mul3A_2, %dma_wait3A] : memref<2x10112x128xf32, #tpu.memory_space<hbm>> -> memref<1x632x128xf32, #tpu.memory_space<hbm>>
      %dma_wait3A_18 = tpu.memref_squeeze %dma_wait3A_17 : memref<1x632x128xf32, #tpu.memory_space<hbm>> -> memref<632x128xf32, #tpu.memory_space<hbm>>
      %dma_wait3A_19 = arith.constant 0 : i32
      %dma_wait3A_20 = tpu.memref_slice %arg6[%mul3A_2, %dma_wait3A_19] : memref<10112x128xf32, #tpu.memory_space<vmem_shared>> -> memref<632x128xf32, #tpu.memory_space<vmem_shared>>
      tpu.wait_dma2 semaphore(%run_scoped3A : memref<!tpu.dma_semaphore, #tpu.memory_space<semaphore_mem>>) src(%dma_wait3A_20 : memref<632x128xf32, #tpu.memory_space<vmem_shared>>) dst(%dma_wait3A_18 : memref<632x128xf32, #tpu.memory_space<hbm>>)
      tpu.yield
    }) : () -> ()
    return
  }
}

module attributes {stable_mosaic.version = 14 : i64} {
  func.func @body(%arg0: memref<2x10112x128xf32, #tpu.memory_space<vmem>>, %arg1: memref<32x10112xf32, #tpu.memory_space<vmem>>, %arg2: memref<10000x128xf32, #tpu.memory_space<vmem>>, %arg3: memref<128x128xf32, #tpu.memory_space<vmem>>, %arg4: memref<128x128xf32, #tpu.memory_space<vmem>>, %arg5: memref<128xf32, #tpu.memory_space<vmem>>, %arg6: memref<128xf32, #tpu.memory_space<vmem>>, %arg7: memref<128xf32, #tpu.memory_space<vmem>>, %arg8: memref<10000x128xf32, #tpu.memory_space<vmem>>) attributes {dimension_semantics = [], scalar_prefetch = 0 : i64, scratch_operands = 0 : i64, tpu.core_type = #tpu.core_type<tc>} {
    %get3A = arith.constant 0 : index
    %get3A_0 = arith.constant 0 : index
    %get3A_1 = vector.load %arg1[%get3A, %get3A_0] : memref<32x10112xf32, #tpu.memory_space<vmem>>, vector<32x10112xf32>
    %broadcast_in_dim3A = arith.constant 1.000000e+00 : f32
    %broadcast_in_dim3A_2 = vector.broadcast %broadcast_in_dim3A : f32 to vector<32x1xf32>
    %dot_general3A = arith.constant dense<0.000000e+00> : vector<10112x1xf32>
    %dot_general3A_3 = tpu.matmul %get3A_1, %broadcast_in_dim3A_2, %dot_general3A {dimension_numbers = #tpu.dot_dimension_numbers<[0], [0], [1], [1], [0, 1, 1, 1], [], []>, transpose_lhs_hint = false} : vector<32x10112xf32>, vector<32x1xf32>, vector<10112x1xf32> -> vector<10112x1xf32>
    %slice3A = vector.extract_strided_slice %dot_general3A_3 {offsets = [0, 0], sizes = [10000, 1], strides = [1, 1]} : vector<10112x1xf32> to vector<10000x1xf32>
    %max3A = arith.constant 1.000000e+00 : f32
    %max3A_4 = vector.broadcast %max3A : f32 to vector<10000x1xf32>
    %max3A_5 = arith.maximumf %slice3A, %max3A_4 : vector<10000x1xf32>
    %get3A_6 = arith.constant 0 : index
    %get3A_7 = arith.constant 0 : index
    %get3A_8 = arith.constant 0 : index
    %get3A_9 = vector.load %arg0[%get3A_6, %get3A_7, %get3A_8] : memref<2x10112x128xf32, #tpu.memory_space<vmem>>, vector<1x10000x128xf32>
    %get3A_10 = vector.shape_cast %get3A_9 : vector<1x10000x128xf32> to vector<10000x128xf32>
    %get3A_11 = arith.constant 1 : index
    %get3A_12 = arith.constant 0 : index
    %get3A_13 = arith.constant 0 : index
    %get3A_14 = vector.load %arg0[%get3A_11, %get3A_12, %get3A_13] : memref<2x10112x128xf32, #tpu.memory_space<vmem>>, vector<1x10000x128xf32>
    %get3A_15 = vector.shape_cast %get3A_14 : vector<1x10000x128xf32> to vector<10000x128xf32>
    %add3A = arith.addf %get3A_10, %get3A_15 : vector<10000x128xf32>
    %div3A = vector.broadcast %max3A_5 : vector<10000x1xf32> to vector<10000x128xf32>
    %div3A_16 = arith.divf %add3A, %div3A : vector<10000x128xf32>
    %get3A_17 = arith.constant 0 : index
    %get3A_18 = arith.constant 0 : index
    %get3A_19 = vector.load %arg3[%get3A_17, %get3A_18] : memref<128x128xf32, #tpu.memory_space<vmem>>, vector<128x128xf32>
    %dot_general3A_20 = arith.constant dense<0.000000e+00> : vector<10000x128xf32>
    %dot_general3A_21 = tpu.matmul %div3A_16, %get3A_19, %dot_general3A_20 {dimension_numbers = #tpu.dot_dimension_numbers<[1], [0], [0], [1], [0, 0, 1, 1], [], []>, transpose_lhs_hint = false} : vector<10000x128xf32>, vector<128x128xf32>, vector<10000x128xf32> -> vector<10000x128xf32>
    %get3A_22 = arith.constant 0 : index
    %get3A_23 = arith.constant 0 : index
    %get3A_24 = vector.load %arg2[%get3A_22, %get3A_23] : memref<10000x128xf32, #tpu.memory_space<vmem>>, vector<10000x128xf32>
    %get3A_25 = arith.constant 0 : index
    %get3A_26 = arith.constant 0 : index
    %get3A_27 = vector.load %arg4[%get3A_25, %get3A_26] : memref<128x128xf32, #tpu.memory_space<vmem>>, vector<128x128xf32>
    %dot_general3A_28 = arith.constant dense<0.000000e+00> : vector<10000x128xf32>
    %dot_general3A_29 = tpu.matmul %get3A_24, %get3A_27, %dot_general3A_28 {dimension_numbers = #tpu.dot_dimension_numbers<[1], [0], [0], [1], [0, 0, 1, 1], [], []>, transpose_lhs_hint = false} : vector<10000x128xf32>, vector<128x128xf32>, vector<10000x128xf32> -> vector<10000x128xf32>
    %add3A_30 = arith.addf %dot_general3A_21, %dot_general3A_29 : vector<10000x128xf32>
    %get3A_31 = arith.constant 0 : index
    %get3A_32 = vector.load %arg5[%get3A_31] : memref<128xf32, #tpu.memory_space<vmem>>, vector<128xf32>
    %broadcast_in_dim3A_33 = vector.shape_cast %get3A_32 : vector<128xf32> to vector<1x128xf32>
    %add3A_34 = vector.broadcast %broadcast_in_dim3A_33 : vector<1x128xf32> to vector<10000x128xf32>
    %add3A_35 = arith.addf %add3A_30, %add3A_34 : vector<10000x128xf32>
    %reduce_sum3A = arith.constant dense<0.000000e+00> : vector<10000xf32>
    %reduce_sum3A_36 = vector.multi_reduction <add>, %add3A_35, %reduce_sum3A [1] : vector<10000x128xf32> to vector<10000xf32>
    %broadcast_in_dim3A_37 = vector.shape_cast %reduce_sum3A_36 : vector<10000xf32> to vector<10000x1xf32>
    %div3A_38 = arith.constant 1.280000e+02 : f32
    %div3A_39 = vector.broadcast %div3A_38 : f32 to vector<10000x1xf32>
    %div3A_40 = arith.divf %broadcast_in_dim3A_37, %div3A_39 : vector<10000x1xf32>
    %sub3A = vector.broadcast %div3A_40 : vector<10000x1xf32> to vector<10000x128xf32>
    %sub3A_41 = arith.subf %add3A_35, %sub3A : vector<10000x128xf32>
    %mul3A = arith.mulf %sub3A_41, %sub3A_41 : vector<10000x128xf32>
    %reduce_sum3A_42 = arith.constant dense<0.000000e+00> : vector<10000xf32>
    %reduce_sum3A_43 = vector.multi_reduction <add>, %mul3A, %reduce_sum3A_42 [1] : vector<10000x128xf32> to vector<10000xf32>
    %broadcast_in_dim3A_44 = vector.shape_cast %reduce_sum3A_43 : vector<10000xf32> to vector<10000x1xf32>
    %div3A_45 = arith.constant 1.280000e+02 : f32
    %div3A_46 = vector.broadcast %div3A_45 : f32 to vector<10000x1xf32>
    %div3A_47 = arith.divf %broadcast_in_dim3A_44, %div3A_46 : vector<10000x1xf32>
    %get3A_48 = arith.constant 0 : index
    %get3A_49 = vector.load %arg6[%get3A_48] : memref<128xf32, #tpu.memory_space<vmem>>, vector<128xf32>
    %broadcast_in_dim3A_50 = vector.shape_cast %get3A_49 : vector<128xf32> to vector<1x128xf32>
    %mul3A_51 = vector.broadcast %broadcast_in_dim3A_50 : vector<1x128xf32> to vector<10000x128xf32>
    %mul3A_52 = arith.mulf %mul3A_51, %sub3A_41 : vector<10000x128xf32>
    %add3A_53 = arith.constant 9.99999974E-6 : f32
    %add3A_54 = vector.broadcast %add3A_53 : f32 to vector<10000x1xf32>
    %add3A_55 = arith.addf %div3A_47, %add3A_54 : vector<10000x1xf32>
    %sqrt3A = math.sqrt %add3A_55 : vector<10000x1xf32>
    %div3A_56 = vector.broadcast %sqrt3A : vector<10000x1xf32> to vector<10000x128xf32>
    %div3A_57 = arith.divf %mul3A_52, %div3A_56 : vector<10000x128xf32>
    %get3A_58 = arith.constant 0 : index
    %get3A_59 = vector.load %arg7[%get3A_58] : memref<128xf32, #tpu.memory_space<vmem>>, vector<128xf32>
    %broadcast_in_dim3A_60 = vector.shape_cast %get3A_59 : vector<128xf32> to vector<1x128xf32>
    %add3A_61 = vector.broadcast %broadcast_in_dim3A_60 : vector<1x128xf32> to vector<10000x128xf32>
    %add3A_62 = arith.addf %div3A_57, %add3A_61 : vector<10000x128xf32>
    %max3A_63 = arith.constant 0.000000e+00 : f32
    %max3A_64 = vector.broadcast %max3A_63 : f32 to vector<10000x128xf32>
    %max3A_65 = arith.maximumf %add3A_62, %max3A_64 : vector<10000x128xf32>
    %swap3A = arith.constant 0 : index
    %swap3A_66 = arith.constant 0 : index
    %swap3A_67 = vector.load %arg8[%swap3A, %swap3A_66] : memref<10000x128xf32, #tpu.memory_space<vmem>>, vector<10000x128xf32>
    tpu.vector_store %arg8[%swap3A, %swap3A_66], %max3A_65 {strides = array<i32>} : memref<10000x128xf32, #tpu.memory_space<vmem>>, vector<10000x128xf32>,
    return
  }
}

module attributes {stable_mosaic.version = 14 : i64} {
  func.func @body(%arg0: memref<2x10112x128xf32, #tpu.memory_space<vmem>>, %arg1: memref<32x10112xf32, #tpu.memory_space<vmem>>, %arg2: memref<10000x128xf32, #tpu.memory_space<vmem>>, %arg3: memref<128x128xf32, #tpu.memory_space<vmem>>, %arg4: memref<128x128xf32, #tpu.memory_space<vmem>>, %arg5: memref<128xf32, #tpu.memory_space<vmem>>, %arg6: memref<128xf32, #tpu.memory_space<vmem>>, %arg7: memref<128xf32, #tpu.memory_space<vmem>>, %arg8: memref<128x128xf32, #tpu.memory_space<vmem>>, %arg9: memref<128xf32, #tpu.memory_space<vmem>>, %arg10: memref<10000x128xf32, #tpu.memory_space<vmem>>) attributes {dimension_semantics = [], scalar_prefetch = 0 : i64, scratch_operands = 0 : i64, tpu.core_type = #tpu.core_type<tc>} {
    %get3A = arith.constant 0 : index
    %get3A_0 = arith.constant 0 : index
    %get3A_1 = vector.load %arg1[%get3A, %get3A_0] : memref<32x10112xf32, #tpu.memory_space<vmem>>, vector<32x10112xf32>
    %broadcast_in_dim3A = arith.constant 1.000000e+00 : f32
    %broadcast_in_dim3A_2 = vector.broadcast %broadcast_in_dim3A : f32 to vector<32x1xf32>
    %dot_general3A = arith.constant dense<0.000000e+00> : vector<10112x1xf32>
    %dot_general3A_3 = tpu.matmul %get3A_1, %broadcast_in_dim3A_2, %dot_general3A {dimension_numbers = #tpu.dot_dimension_numbers<[0], [0], [1], [1], [0, 1, 1, 1], [], []>, transpose_lhs_hint = false} : vector<32x10112xf32>, vector<32x1xf32>, vector<10112x1xf32> -> vector<10112x1xf32>
    %slice3A = vector.extract_strided_slice %dot_general3A_3 {offsets = [0, 0], sizes = [10000, 1], strides = [1, 1]} : vector<10112x1xf32> to vector<10000x1xf32>
    %max3A = arith.constant 1.000000e+00 : f32
    %max3A_4 = vector.broadcast %max3A : f32 to vector<10000x1xf32>
    %max3A_5 = arith.maximumf %slice3A, %max3A_4 : vector<10000x1xf32>
    %get3A_6 = arith.constant 0 : index
    %get3A_7 = arith.constant 0 : index
    %get3A_8 = arith.constant 0 : index
    %get3A_9 = vector.load %arg0[%get3A_6, %get3A_7, %get3A_8] : memref<2x10112x128xf32, #tpu.memory_space<vmem>>, vector<1x10000x128xf32>
    %get3A_10 = vector.shape_cast %get3A_9 : vector<1x10000x128xf32> to vector<10000x128xf32>
    %get3A_11 = arith.constant 1 : index
    %get3A_12 = arith.constant 0 : index
    %get3A_13 = arith.constant 0 : index
    %get3A_14 = vector.load %arg0[%get3A_11, %get3A_12, %get3A_13] : memref<2x10112x128xf32, #tpu.memory_space<vmem>>, vector<1x10000x128xf32>
    %get3A_15 = vector.shape_cast %get3A_14 : vector<1x10000x128xf32> to vector<10000x128xf32>
    %add3A = arith.addf %get3A_10, %get3A_15 : vector<10000x128xf32>
    %div3A = vector.broadcast %max3A_5 : vector<10000x1xf32> to vector<10000x128xf32>
    %div3A_16 = arith.divf %add3A, %div3A : vector<10000x128xf32>
    %get3A_17 = arith.constant 0 : index
    %get3A_18 = arith.constant 0 : index
    %get3A_19 = vector.load %arg3[%get3A_17, %get3A_18] : memref<128x128xf32, #tpu.memory_space<vmem>>, vector<128x128xf32>
    %dot_general3A_20 = arith.constant dense<0.000000e+00> : vector<10000x128xf32>
    %dot_general3A_21 = tpu.matmul %div3A_16, %get3A_19, %dot_general3A_20 {dimension_numbers = #tpu.dot_dimension_numbers<[1], [0], [0], [1], [0, 0, 1, 1], [], []>, transpose_lhs_hint = false} : vector<10000x128xf32>, vector<128x128xf32>, vector<10000x128xf32> -> vector<10000x128xf32>
    %get3A_22 = arith.constant 0 : index
    %get3A_23 = arith.constant 0 : index
    %get3A_24 = vector.load %arg2[%get3A_22, %get3A_23] : memref<10000x128xf32, #tpu.memory_space<vmem>>, vector<10000x128xf32>
    %get3A_25 = arith.constant 0 : index
    %get3A_26 = arith.constant 0 : index
    %get3A_27 = vector.load %arg4[%get3A_25, %get3A_26] : memref<128x128xf32, #tpu.memory_space<vmem>>, vector<128x128xf32>
    %dot_general3A_28 = arith.constant dense<0.000000e+00> : vector<10000x128xf32>
    %dot_general3A_29 = tpu.matmul %get3A_24, %get3A_27, %dot_general3A_28 {dimension_numbers = #tpu.dot_dimension_numbers<[1], [0], [0], [1], [0, 0, 1, 1], [], []>, transpose_lhs_hint = false} : vector<10000x128xf32>, vector<128x128xf32>, vector<10000x128xf32> -> vector<10000x128xf32>
    %add3A_30 = arith.addf %dot_general3A_21, %dot_general3A_29 : vector<10000x128xf32>
    %get3A_31 = arith.constant 0 : index
    %get3A_32 = vector.load %arg5[%get3A_31] : memref<128xf32, #tpu.memory_space<vmem>>, vector<128xf32>
    %broadcast_in_dim3A_33 = vector.shape_cast %get3A_32 : vector<128xf32> to vector<1x128xf32>
    %add3A_34 = vector.broadcast %broadcast_in_dim3A_33 : vector<1x128xf32> to vector<10000x128xf32>
    %add3A_35 = arith.addf %add3A_30, %add3A_34 : vector<10000x128xf32>
    %reduce_sum3A = arith.constant dense<0.000000e+00> : vector<10000xf32>
    %reduce_sum3A_36 = vector.multi_reduction <add>, %add3A_35, %reduce_sum3A [1] : vector<10000x128xf32> to vector<10000xf32>
    %broadcast_in_dim3A_37 = vector.shape_cast %reduce_sum3A_36 : vector<10000xf32> to vector<10000x1xf32>
    %div3A_38 = arith.constant 1.280000e+02 : f32
    %div3A_39 = vector.broadcast %div3A_38 : f32 to vector<10000x1xf32>
    %div3A_40 = arith.divf %broadcast_in_dim3A_37, %div3A_39 : vector<10000x1xf32>
    %sub3A = vector.broadcast %div3A_40 : vector<10000x1xf32> to vector<10000x128xf32>
    %sub3A_41 = arith.subf %add3A_35, %sub3A : vector<10000x128xf32>
    %mul3A = arith.mulf %sub3A_41, %sub3A_41 : vector<10000x128xf32>
    %reduce_sum3A_42 = arith.constant dense<0.000000e+00> : vector<10000xf32>
    %reduce_sum3A_43 = vector.multi_reduction <add>, %mul3A, %reduce_sum3A_42 [1] : vector<10000x128xf32> to vector<10000xf32>
    %broadcast_in_dim3A_44 = vector.shape_cast %reduce_sum3A_43 : vector<10000xf32> to vector<10000x1xf32>
    %div3A_45 = arith.constant 1.280000e+02 : f32
    %div3A_46 = vector.broadcast %div3A_45 : f32 to vector<10000x1xf32>
    %div3A_47 = arith.divf %broadcast_in_dim3A_44, %div3A_46 : vector<10000x1xf32>
    %get3A_48 = arith.constant 0 : index
    %get3A_49 = vector.load %arg6[%get3A_48] : memref<128xf32, #tpu.memory_space<vmem>>, vector<128xf32>
    %broadcast_in_dim3A_50 = vector.shape_cast %get3A_49 : vector<128xf32> to vector<1x128xf32>
    %mul3A_51 = vector.broadcast %broadcast_in_dim3A_50 : vector<1x128xf32> to vector<10000x128xf32>
    %mul3A_52 = arith.mulf %mul3A_51, %sub3A_41 : vector<10000x128xf32>
    %add3A_53 = arith.constant 9.99999974E-6 : f32
    %add3A_54 = vector.broadcast %add3A_53 : f32 to vector<10000x1xf32>
    %add3A_55 = arith.addf %div3A_47, %add3A_54 : vector<10000x1xf32>
    %sqrt3A = math.sqrt %add3A_55 : vector<10000x1xf32>
    %div3A_56 = vector.broadcast %sqrt3A : vector<10000x1xf32> to vector<10000x128xf32>
    %div3A_57 = arith.divf %mul3A_52, %div3A_56 : vector<10000x128xf32>
    %get3A_58 = arith.constant 0 : index
    %get3A_59 = vector.load %arg7[%get3A_58] : memref<128xf32, #tpu.memory_space<vmem>>, vector<128xf32>
    %broadcast_in_dim3A_60 = vector.shape_cast %get3A_59 : vector<128xf32> to vector<1x128xf32>
    %add3A_61 = vector.broadcast %broadcast_in_dim3A_60 : vector<1x128xf32> to vector<10000x128xf32>
    %add3A_62 = arith.addf %div3A_57, %add3A_61 : vector<10000x128xf32>
    %max3A_63 = arith.constant 0.000000e+00 : f32
    %max3A_64 = vector.broadcast %max3A_63 : f32 to vector<10000x128xf32>
    %max3A_65 = arith.maximumf %add3A_62, %max3A_64 : vector<10000x128xf32>
    %get3A_66 = arith.constant 0 : index
    %get3A_67 = arith.constant 0 : index
    %get3A_68 = vector.load %arg8[%get3A_66, %get3A_67] : memref<128x128xf32, #tpu.memory_space<vmem>>, vector<128x128xf32>
    %dot_general3A_69 = arith.constant dense<0.000000e+00> : vector<10000x128xf32>
    %dot_general3A_70 = tpu.matmul %max3A_65, %get3A_68, %dot_general3A_69 {dimension_numbers = #tpu.dot_dimension_numbers<[1], [0], [0], [1], [0, 0, 1, 1], [], []>, transpose_lhs_hint = false} : vector<10000x128xf32>, vector<128x128xf32>, vector<10000x128xf32> -> vector<10000x128xf32>
    %get3A_71 = arith.constant 0 : index
    %get3A_72 = vector.load %arg9[%get3A_71] : memref<128xf32, #tpu.memory_space<vmem>>, vector<128xf32>
    %broadcast_in_dim3A_73 = vector.shape_cast %get3A_72 : vector<128xf32> to vector<1x128xf32>
    %add3A_74 = vector.broadcast %broadcast_in_dim3A_73 : vector<1x128xf32> to vector<10000x128xf32>
    %add3A_75 = arith.addf %dot_general3A_70, %add3A_74 : vector<10000x128xf32>
    %swap3A = arith.constant 0 : index
    %swap3A_76 = arith.constant 0 : index
    %swap3A_77 = vector.load %arg10[%swap3A, %swap3A_76] : memref<10000x128xf32, #tpu.memory_space<vmem>>, vector<10000x128xf32>
    tpu.vector_store %arg10[%swap3A, %swap3A_76], %add3A_75 {strides = array<i32>} : memref<10000x128xf32, #tpu.memory_space<vmem>>, vector<10000x128xf32>,
    return
  }
}

</mosaic_0001>

<sc_bundles>
// kernel: kernel.10.cloned.1.call-start
scs
__scs_entry_jumppad:
0x0: {  	(pc) =	sbr.rel $0x88, $3  }
0x1: {  	(tag) =	ssettag $0x0;
	lr =	simm.s32 $0x1  }
0x2: {  	[smem:$0x3F93] =	sst lr;
	_ =	strace $0xD0000000  }
0x3: {  	_ = 	snop  }
0x4: {  	_ = 	snop  }
0x5: {  	_ = 	snop  }
0x6: {  	_ = 	snop  }
0x7: {  	_ = 	snop  }
__scs_overlays_trampoline_lowered:
0x8: {  	[smem:$0x3FA2] =	sst s0  }
0x9: {  	[smem:$0x3FA3] =	sst s1  }
0xa: {  	[smem:$0x3FA4] =	sst s2  }
0xb: {  	[smem:$0x3FA5] =	sst s3  }
0xc: {  	[smem:$0x3FA6] =	sst s4  }
0xd: {  	[smem:$0x3FA7] =	sst s5  }
0xe: {  	[smem:$0x3FA8] =	sst s6  }
0xf: {  	[smem:$0x3FA9] =	sst s7  }
0x10: {  	[smem:$0x3FAA] =	sst s8  }
0x11: {  	[smem:$0x3FAB] =	sst s9;
	s0 =	simm.s32 @!p0 $0x0  }
0x12: {  	s1 =	sld [smem:$0x3F91];
	s0 =	simm.s32 @p0 $0x1  }
0x13: {  	[smem:$0x3FAC] =	sst s0;
	s0 =	simm.s32 @!p1 $0x0  }
0x14: {  	s2 =	sld [smem:$0x3F90];
	s0 =	simm.s32 @p1 $0x1  }
0x15: {  	[smem:$0x3FAD] =	sst s0;
	s0 =	simm.s32 @!p2 $0x0  }
0x16: {  	s3 =	sld [smem:$0x3FDB];
	s0 =	simm.s32 @p2 $0x1  }
0x17: {  	s4 =	simm.s32 $0x1BF5;
	[smem:$0x3FAF] =	sst s0  }
0x18: {  	s0 =	sld [smem:$0x3F92];
	_ =	swait.ge [sflag:s4], $0x0  }
0x19: {  	s7 =	sld [smem:$0x3F93]  }
0x1a: {  	s8 =	sadd.s32 $0xFFFFE003, lr  }
0x1b: {  	s9 =	sadd.s32 $0xFFFFFEF7, lr;
	s5 =	simm.s32 $0xFFFFFFFF;
	p2 =	slt.u32 s8, $0xFFFFF086  }
0x1c: {  	p1 =	slt.u32 s9, $0xF7A;
	s5 =	simm.s32 @!p2 $0x0  }
0x1d: {  	s5 =	simm.s32 @p1 $0x1;
	p0 =	seq.s32 s7, s2  }
0x1e: {  	s7 =	smul.u32 @!p0 $0xF7A, s2;
	p2 =	seq.s32 @!p0 s5, $0x0  }
0x1f: {  	s9 =	smul.u32 $0xF7A, s1;
	s8 =	simm.s32 @!p0 $0x1BF5;
	p2 =	por !p2, p0  }
0x20: {  	[sflag:s8] =	ssyncset.s32 @!p0 $0xFFFFF086;
	s6 =	sadd.s32 @!p0 s3, s7;
	s7 =	simm.s32 @!p0 $0x108  }
0x21: {  	s3 =	sadd.s32 s3, s9;
	s6 =	sadd.s32 @!p0 $0x88, s6;
	s7 =	simm.s32 @p2 $0x1082  }
0x22: {  	[simem:s7], [sflag:s8] =	dma.local @!p0 [hbm:s6], $0xF7A  }
0x23: {  	s9 =	sor.u32 $0xD0000000, s2;
	s6 =	simm.s32 $0x108;
	_ =	swait.ge @!p0 [sflag:s8], $0x0  }
0x24: {  	s3 =	sadd.s32 $0x88, s3;
	s6 =	simm.s32 @!p1 $0x1082;
	[sflag:s4] =	ssyncset.s32 $0xFFFFF086  }
0x25: {  	[simem:s6], [sflag:s4] =	dma.local [hbm:s3], $0xF7A  }
0x26: {  	[smem:$0x3F93] =	sst s1;
	(tag) =	ssettag s2;
	_ =	strace s9  }
0x27: {  	s1 =	sld [smem:$0x3FA3]  }
0x28: {  	s2 =	sld [smem:$0x3FA4]  }
0x29: {  	s4 =	sld [smem:$0x3FA6]  }
0x2a: {  	p0 =	seq.s32 s5, $0x0;
	s5 =	sld [smem:$0x3FA7]  }
0x2b: {  	s6 =	sld [smem:$0x3FA8]  }
0x2c: {  	s7 =	sld [smem:$0x3FA9]  }
0x2d: {  	s3 =	simm.s32 $0x108;
	s8 =	sld [smem:$0x3FAA]  }
0x2e: {  	s3 =	simm.s32 @!p0 $0x1082;
	s9 =	sld [smem:$0x3FAB]  }
0x2f: {  	lr =	sadd.s32 s0, s3;
	s0 =	sld [smem:$0x3FA2]  }
0x30: {  	s3 =	sld [smem:$0x3FA5]  }
0x31: {  	[smem:$0x3FAE] =	sst s10  }
0x32: {  	s10 =	sld [smem:$0x3FAC];
	_ =	sdelay $0x3  }
0x33: {  	p0 =	seq.s32 s10, $0x1;
	s10 =	sld [smem:$0x3FAE];
	_ =	sdelay $0x3  }
0x34: {  	[smem:$0x3FAE] =	sst s10  }
0x35: {  	s10 =	sld [smem:$0x3FAD];
	_ =	sdelay $0x3  }
0x36: {  	p1 =	seq.s32 s10, $0x1;
	s10 =	sld [smem:$0x3FAE];
	_ =	sdelay $0x3  }
0x37: {  	[smem:$0x3FAE] =	sst s10  }
0x38: {  	s10 =	sld [smem:$0x3FAF]  }
0x39: {  	_ = 	snop;
	(pc) =	sbr.ind lr, $3  }
0x3a: {  	_ = 	snop  }
0x3b: {  	_ = 	snop  }
0x3c: {  	p2 =	seq.s32 s10, $0x1;
	s10 =	sld [smem:$0x3FAE]  }
0x3d: {  	_ =	shalt  }
0x3e: {  	_ =	shalt  }
0x3f: {  	_ =	shalt  }
0x40: {  	_ =	shalt  }
0x41: {  	_ =	shalt  }
0x42: {  	_ =	shalt  }
0x43: {  	_ =	shalt  }
0x44: {  	_ =	shalt  }
0x45: {  	_ =	shalt  }
0x46: {  	_ =	shalt  }
0x47: {  	_ =	shalt  }
0x48: {  	_ =	shalt  }
0x49: {  	_ =	shalt  }
0x4a: {  	_ =	shalt  }
0x4b: {  	_ =	shalt  }
0x4c: {  	_ =	shalt  }
0x4d: {  	_ =	shalt  }
0x4e: {  	_ =	shalt  }
0x4f: {  	_ =	shalt  }
0x50: {  	_ =	shalt  }
0x51: {  	_ =	shalt  }
0x52: {  	_ =	shalt  }
0x53: {  	_ =	shalt  }
0x54: {  	_ =	shalt  }
0x55: {  	_ =	shalt  }
0x56: {  	_ =	shalt  }
0x57: {  	_ =	shalt  }
0x58: {  	_ =	shalt  }
0x59: {  	_ =	shalt  }
0x5a: {  	_ =	shalt  }
0x5b: {  	_ =	shalt  }
0x5c: {  	_ =	shalt  }
0x5d: {  	_ =	shalt  }
0x5e: {  	_ =	shalt  }
0x5f: {  	_ =	shalt  }
0x60: {  	_ =	shalt  }
0x61: {  	_ =	shalt  }
0x62: {  	_ =	shalt  }
0x63: {  	_ =	shalt  }
0x64: {  	_ =	shalt  }
0x65: {  	_ =	shalt  }
0x66: {  	_ =	shalt  }
0x67: {  	_ =	shalt  }
0x68: {  	_ =	shalt  }
0x69: {  	_ =	shalt  }
0x6a: {  	_ =	shalt  }
0x6b: {  	_ =	shalt  }
0x6c: {  	_ =	shalt  }
0x6d: {  	_ =	shalt  }
0x6e: {  	_ =	shalt  }
0x6f: {  	_ =	shalt  }
0x70: {  	_ =	shalt  }
0x71: {  	_ =	shalt  }
0x72: {  	_ =	shalt  }
0x73: {  	_ =	shalt  }
0x74: {  	_ =	shalt  }
0x75: {  	_ =	shalt  }
0x76: {  	_ =	shalt  }
0x77: {  	_ =	shalt  }
0x78: {  	_ =	shalt  }
0x79: {  	_ =	shalt  }
0x7a: {  	_ =	shalt  }
0x7b: {  	_ =	shalt  }
0x7c: {  	_ =	shalt  }
0x7d: {  	_ =	shalt  }
0x7e: {  	_ =	shalt  }
0x7f: {  	_ =	shalt  }
0x80: {  	_ =	shalt  }
0x81: {  	_ =	shalt  }
0x82: {  	_ =	shalt  }
0x83: {  	_ =	shalt  }
0x84: {  	_ =	shalt  }
0x85: {  	_ =	shalt  }
0x86: {  	_ =	shalt  }
0x87: {  	_ =	shalt  }
.Lfunc_end0:
.L_simem_size_0:
called_computation.1_lowered:
.L_overlay_start_0:
0x88: {  	s2 =	sld [smem:$0x3FD9]  }
0x89: {  	s3 =	sld [smem:$0x3FFE];
	_ =	sdelay $0x1  }
0x8a: {  	s1 =	srdreg.scid  }
0x8b: {  	s0 =	sand.u32 $0x1, s1  }
0x8c: {  	s17 =	sshll.u32 s0, $0xA;
	s2 =	sadd.s32 s3, s2  }
0x8d: {  	s2 =	sadd.s32 s2, s17  }
0x8e: {  	[smem:$0x3FBA] =	sst s2  }
0x8f: {  	_ = 	snop  }
0x90: {  	s18 =	sld [smem:$0x3FC9];
	(tm) =	ssettm $0x1  }
0x91: {  	s19 =	sld [smem:$0x3FFB];
	_ =	sdelay $0x3  }
0x92: {  	_ =	strace s19  }
0x93: {  	s2 =	sld [smem:$0x3FFC];
	_ =	sdelay $0x3  }
0x94: {  	_ =	strace s2  }
0x95: {  	s2 =	sld [smem:$0x3FFD];
	_ =	sdelay $0x3  }
0x96: {  	_ =	strace s2  }
0x97: {  	_ =	strace $0x8FFFFFFF  }
0x98: {  	s20 =	sld [smem:$0x3FDB];
	_ =	sdelay $0x1  }
0x99: {  	s4 =	simm.s32 $_scs_section_size  }
0x9a: {  	s5 =	simm.s32 $_size__tile_overlayer_lowered;
	s6 =	simm.s32 $_tile_overlayer_lowered  }
0x9b: {  	s7 =	simm.s32 $0x1BFF;
	s21 =	sshll.u32 s6, $0x1;
	s4 =	sadd.s32 s4, s20  }
0x9c: {  	s22 =	simm.s32 $0x0;
	s5 =	sshll.u32 s5, $0x1;
	s6 =	sadd.s32 s21, s4  }
0x9d: {  	[timem:s22], [sflag:s7] =	dma.local [hbm:s6], s5  }
0x9e: {  	_ =	swait.ge [sflag:s7], s5  }
0x9f: {  	s5 =	ssub.s32 $0x0, s5;
	[sflag:s7] =	ssyncset.done $0x0  }
0xa0: {  	[sflag:s7] =	ssyncadd.s32 s5;
	_ =	sdelay $0x1  }
0xa1: {  	s23 =	simm.s32 $0x1B8B  }
0xa2: {  	_ =	swait.ge [sflag:s23], $0x1  }
0xa3: {  	[sflag:s23] =	ssyncset.done $0x0  }
0xa4: {  	[sflag:s23] =	ssyncadd.s32 $0xFFFFFFFF  }
0xa5: {  	s5 =	sld [smem:$0x0]  }
0xa6: {  	s6 =	sand.u32 $0xFFFFFFFE, s1  }
0xa7: {  	p0 =	sne.s32 s1, s6  }
0xa8: {  	s6 =	sshll.u32 @p0 s6, $0xE  }
0xa9: {  	s6 =	sadd.s32 @p0 $0x11B8D, s6;
	s7 =	sshll.u32 @p0 s5, $0x11  }
0xaa: {  	s6 =	sor.u32 @p0 s7, s6  }
0xab: {  	[sflag:s6] =	ssyncadd.remote.s32 @p0 $0x1;
	_ =	sdelay $0x1  }
0xac: {  	s6 =	simm.s32 @p0 $0x1B8D  }
0xad: {  	_ =	swait.eq @p0 [sflag:s6], $0x1  }
0xae: {  	[sflag:s6] =	ssyncadd.s32 @p0 $0xFFFFFFFF  }
0xaf: {  	s7 =	sshll.u32 @!p0 s1, $0xE  }
0xb0: {  	s7 =	sor.u32 @!p0 $0x4000, s7;
	s6 =	simm.s32 @!p0 $0x1B8D  }
0xb1: {  	s5 =	sshll.u32 @!p0 s5, $0x11;
	s7 =	sadd.s32 @!p0 $0x11B8D, s7;
	_ =	swait.eq @!p0 [sflag:s6], $0x1  }
0xb2: {  	s5 =	sor.u32 @!p0 s5, s7;
	[sflag:s6] =	ssyncadd.s32 @!p0 $0xFFFFFFFF  }
0xb3: {  	s25 =	simm.s32 $0x1B8E;
	s24 =	sld [smem:$0x3FFE];
	[sflag:s5] =	ssyncadd.remote.s32 @!p0 $0x1  }
0xb4: {  	s26 =	simm.s32 $execute0_lowered;
	[smem:$0x3FD2] =	sst s25  }
0xb5: {  	s6 =	sshll.u32 s26, $0x1;
	_ =	strace $0x80000049;
	[dreg:$0x1] =	wrdreg $0xFFFFFFFF  }
0xb6: {  	s28 =	simm.s32 $_size_execute0_lowered;
	s4 =	sadd.s32 s4, s6;
	[dreg:$0x0] =	wrdreg $0x0  }
0xb7: {  	s6 =	sshll.u32 s28, $0x1;
	[dreg:$0x2] =	wrdreg s4  }
0xb8: {  	[dreg:$0x3] =	wrdreg s6  }
0xb9: {  	[dreg:$0x4] =	wrdreg $0xC0  }
0xba: {  	_ =	task [dreg:s22], $0x5FFFF  }
0xbb: {  	[dreg:$0x1] =	wrdreg $0xFFFFFFFF  }
0xbc: {  	[dreg:$0x0] =	wrdreg $0x60  }
0xbd: {  	[dreg:$0x2] =	wrdreg s18  }
0xbe: {  	[dreg:$0x3] =	wrdreg s24  }
0xbf: {  	[dreg:$0x4] =	wrdreg $0x0  }
0xc0: {  	[dreg:$0x5] =	wrdreg $0xA  }
0xc1: {  	_ =	task.clear_ibuf [dreg:s22], $0x6FFFF;
	_ =	strace $0x90000049  }
0xc2: {  	s29 =	simm.s32 $0xA;
	_ =	strace $0x8000004B  }
0xc3: {  	_ =	swait.ge [sflag:s29], $0x1  }
0xc4: {  	[sflag:s29] =	ssyncadd.s32 $0xFFFFFFFF  }
0xc5: {  	_ =	strace $0x9000004B  }
0xc6: {  	_ =	sfence  }
0xc7: {  	s30 =	sld [smem:$0x0];
	_ =	sdelay $0x2  }
0xc8: {  	s31 =	sshll.u32 s1, $0xD;
	s1 =	sshrl.u32 s1, $0x2  }
0xc9: {  	s4 =	sand.u32 $0x4000, s31;
	s1 =	sadd.s32 s1, s30  }
0xca: {  	s0 =	sor.u32 s4, s0;
	s1 =	sshll.u32 s1, $0x11  }
0xcb: {  	s0 =	sor.u32 s1, s0  }
0xcc: {  	s0 =	sadd.s32 $0x8F2B, s0  }
0xcd: {  	[sflag:s0] =	ssyncadd.remote.s32 $0x1  }
0xce: {  	_ =	sfence.sel $0xFFFF  }
0xcf: {  	[dreg:$0x0] =	wrdreg $0xFFFFFFFF;
	(pc) =	sbr.abs _section_cstart, $3  }
0xd0: {  	[dreg:$0x1] =	wrdreg $0xFFFFFFFF  }
0xd1: {  	_ =	task.clear_ibuf [dreg:s22], $0x2FFFF;
	_ =	strace $0x9FFFFFFF  }
0xd2: {  	(tm) =	ssettm $0x7FFFFFFF  }
0xd3: {  	_ =	shalt  }
tec
execute0_lowered:
.L_overlay_start_1:
0x0: {  	(tag) =	ssettag $0x1  }
0x1: {  	s2 =	srdreg.scid;
	s1 =	rddreg [dreg:$0x0]  }
0x2: {  	s0 =	stileid.u32;
	s6 =	rddreg [dreg:$0x1]  }
0x3: {  	s3 =	rddreg [dreg:$0x2];
	s4 =	simm.s32 $0x0;
	s14 =	simm.s32 $0x80  }
0x4: {  	s15 =	simm.s32 $0x16400;
	s16 =	simm.s32 $0x1A400;
	s17 =	simm.s32 $0x1  }
0x5: {  	s18 =	simm.s32 $0x3;
	s19 =	simm.s32 $0x2;
	s20 =	simm.s32 $0x4  }
0x6: {  	s21 =	simm.s32 $0x0;
	s5 =	sand.u32 $0x1, s2;
	s8 =	smul.u32 $0x13C00, s0  }
0x7: {  	s25 =	sshll.u32 s0, $0x1;
	[smem:$0x7FF] =	sst s4;
	s28 =	smul.u32 $0x4F000, s0  }
0x8: {  	s31 =	sshll.u32 s0, $0x6;
	s2 =	sor.u32 s5, s25;
	s9 =	smul.u32 $0x13C000, s5  }
0x9: {  	s5 =	ssub.s32 $0x2, s5;
	s7 =	smul.u32 $0x5000, s2;
	s2 =	rddreg [dreg:$0x3]  }
0xa: {  	_ =	strace $0x8000004A;
	s26 =	sshrl.u32 s8, $0x3;
	s29 =	sshrl.u32 s5, $0x1  }
0xb: {  	s30 =	sshrl.u32 s28, $0x2;
	s8 =	sadd.s32 s8, s9;
	s12 =	ssub.s32 s5, s29  }
0xc: {  	s13 =	sadd.s32 s30, s3;
	s7 =	sshrl.u32 s7, $0x3;
	s8 =	sshrl.u32 s8, $0x3  }
0xd: {  	s10 =	sadd.s32 s7, s6;
	s7 =	sadd.s32 s26, s6;
	s11 =	sadd.s32 s8, s6  }
0xe: {  	s6 =	sor.u32 $0x1C05, s31;
	s5 =	sadd.s32 $0x16E00, s7;
	s7 =	sadd.s32 $0x2E00, s10  }
0xf: {  	s8 =	sadd.s32 $0x3300, s10;
	s9 =	sadd.s32 $0x3E600, s11;
	s10 =	smax.u32 s12, $0x1  }
0x10: {  	s11 =	sshrl.u32 s13, $0x3;
	s12 =	simm.s32 $0x5;
	s13 =	simm.s32 $0x13C00  }
.LBB2_1:
0x11: {  	[spmem:s11], [sflag:s6] =	dma.local [hbm:s5], $0x2780  }
0x12: {  	_ =	swait.ge [sflag:s12], $0x2780  }
0x13: {  	[sflag:s12] =	ssyncset.done $0x0  }
0x14: {  	[sflag:s12] =	ssyncadd.s32 $0xFFFFD880  }
0x15: {  	[bflag:$0x0] =	sbarrier.arrive $0xFFFF  }
0x16: {  	[tilespmem:s13], [sflag:$0x5] =	stream.linear.gather [hbm4b:s7+s4], $0x2800, $0x38;
	[tilespmem:$0x1E400] =	vst v63  }
0x17: {  	_ =	swait.ge [sflag:s12], $0x2800  }
0x18: {  	[sflag:s12] =	ssyncset.done $0x0  }
0x19: {  	s22 =	simm.s32 $0x13C00;
	[sflag:s12] =	ssyncadd.s32 $0xFFFFD800  }
0x1a: {  	[tilespmem:s15], [sflag:$0x1] =	stream.indirect.gather [hbm4b:s1+s14], $0x80, s22, s14, $0xb8;
	[tilespmem:$0x1E400] =	vst v63  }
0x1b: {  	s24 =	simm.s32 $0x13C80  }
0x1c: {  	[tilespmem:s16], [sflag:$0x2] =	stream.indirect.gather [hbm4b:s1+s14], $0x80, s24, s14, $0xb8;
	[tilespmem:$0x1E400] =	vst v63  }
0x1d: {  	_ =	swait.ge [sflag:s17], $0x4000  }
0x1e: {  	[sflag:s17] =	ssyncset.done $0x0  }
0x1f: {  	s25 =	simm.s32 $0x13E00;
	[sflag:s17] =	ssyncadd.s32 $0xFFFFC000  }
0x20: {  	[spmem:s3] =	stream.indirect.scatter.add.f32 [tilespmem:s15], [sflag:$0x3], $0x80, s25, s14, $0xb8;
	[tilespmem:$0x1E400] =	vst v63  }
0x21: {  	_ =	swait.ge [sflag:s18], $0x4000  }
0x22: {  	[sflag:s18] =	ssyncset.done $0x0  }
0x23: {  	s26 =	simm.s32 $0x13D00;
	[sflag:s18] =	ssyncadd.s32 $0xFFFFC000  }
0x24: {  	[tilespmem:s15], [sflag:$0x1] =	stream.indirect.gather [hbm4b:s1+s14], $0x80, s26, s14, $0xb8;
	[tilespmem:$0x1E400] =	vst v63  }
0x25: {  	_ =	swait.ge [sflag:s19], $0x4000  }
0x26: {  	[sflag:s19] =	ssyncset.done $0x0  }
0x27: {  	s28 =	simm.s32 $0x13E80;
	[sflag:s19] =	ssyncadd.s32 $0xFFFFC000  }
0x28: {  	[spmem:s3] =	stream.indirect.scatter.add.f32 [tilespmem:s16], [sflag:$0x4], $0x80, s28, s14, $0xb8;
	[tilespmem:$0x1E400] =	vst v63  }
0x29: {  	_ =	swait.ge [sflag:s20], $0x4000  }
0x2a: {  	[sflag:s20] =	ssyncset.done $0x0  }
0x2b: {  	s29 =	simm.s32 $0x13D80;
	[sflag:s20] =	ssyncadd.s32 $0xFFFFC000  }
0x2c: {  	[tilespmem:s16], [sflag:$0x2] =	stream.indirect.gather [hbm4b:s1+s14], $0x80, s29, s14, $0xb8;
	[tilespmem:$0x1E400] =	vst v63  }
0x2d: {  	_ =	swait.ge [sflag:s17], $0x4000  }
0x2e: {  	[sflag:s17] =	ssyncset.done $0x0  }
0x2f: {  	s30 =	simm.s32 $0x13F00;
	[sflag:s17] =	ssyncadd.s32 $0xFFFFC000  }
0x30: {  	[spmem:s3] =	stream.indirect.scatter.add.f32 [tilespmem:s15], [sflag:$0x3], $0x80, s30, s14, $0xb8;
	[tilespmem:$0x1E400] =	vst v63  }
0x31: {  	_ =	swait.ge [sflag:s19], $0x4000  }
0x32: {  	[sflag:s19] =	ssyncset.done $0x0  }
0x33: {  	s31 =	simm.s32 $0x13F80;
	[sflag:s19] =	ssyncadd.s32 $0xFFFFC000  }
0x34: {  	[spmem:s3] =	stream.indirect.scatter.add.f32 [tilespmem:s16], [sflag:$0x4], $0x80, s31, s14, $0xb8;
	[tilespmem:$0x1E400] =	vst v63  }
0x35: {  	_ =	swait.ge [sflag:s18], $0x4000  }
0x36: {  	[sflag:s18] =	ssyncset.done $0x0  }
0x37: {  	[sflag:s18] =	ssyncadd.s32 $0xFFFFC000  }
0x38: {  	_ =	swait.ge [sflag:s20], $0x4000  }
0x39: {  	s22 =	simm.s32 $0x400;
	s25 =	simm.s32 $0x2000;
	[sflag:s20] =	ssyncset.done $0x0  }
.LBB2_2:
0x3a: {  	s26 =	sadd.s32 $0x13C00, s22  }
0x3b: {  	[sflag:s20] =	ssyncadd.s32 $0xFFFFC000;
	s24 =	smov.u32 s25;
	s23 =	sadd.s32 $0x1000, s25  }
0x3c: {  	[tilespmem:s15], [sflag:$0x1] =	stream.indirect.gather [hbm4b:s1+s14], $0x80, s26, s14, $0xb8;
	[tilespmem:$0x1E400] =	vst v63  }
0x3d: {  	p0 =	sne.s32 s25, $0x9000;
	s25 =	sadd.s32 $0x13C80, s22  }
0x3e: {  	[tilespmem:s16], [sflag:$0x2] =	stream.indirect.gather [hbm4b:s1+s14], $0x80, s25, s14, $0xb8;
	[tilespmem:$0x1E400] =	vst v63  }
0x3f: {  	_ =	swait.ge [sflag:s17], $0x4000  }
0x40: {  	[sflag:s17] =	ssyncset.done $0x0  }
0x41: {  	s25 =	sadd.s32 $0x13E00, s22;
	[sflag:s17] =	ssyncadd.s32 $0xFFFFC000  }
0x42: {  	[spmem:s3] =	stream.indirect.scatter.add.f32 [tilespmem:s15], [sflag:$0x3], $0x80, s25, s14, $0xb8;
	[tilespmem:$0x1E400] =	vst v63  }
0x43: {  	_ =	swait.ge [sflag:s18], $0x4000  }
0x44: {  	[sflag:s18] =	ssyncset.done $0x0  }
0x45: {  	s25 =	sadd.s32 $0x13D00, s22;
	[sflag:s18] =	ssyncadd.s32 $0xFFFFC000  }
0x46: {  	[tilespmem:s15], [sflag:$0x1] =	stream.indirect.gather [hbm4b:s1+s14], $0x80, s25, s14, $0xb8;
	[tilespmem:$0x1E400] =	vst v63  }
0x47: {  	_ =	swait.ge [sflag:s19], $0x4000  }
0x48: {  	[sflag:s19] =	ssyncset.done $0x0  }
0x49: {  	s25 =	sadd.s32 $0x13E80, s22;
	[sflag:s19] =	ssyncadd.s32 $0xFFFFC000  }
0x4a: {  	[spmem:s3] =	stream.indirect.scatter.add.f32 [tilespmem:s16], [sflag:$0x4], $0x80, s25, s14, $0xb8;
	[tilespmem:$0x1E400] =	vst v63  }
0x4b: {  	_ =	swait.ge [sflag:s20], $0x4000  }
0x4c: {  	[sflag:s20] =	ssyncset.done $0x0  }
0x4d: {  	s25 =	sadd.s32 $0x13D80, s22;
	[sflag:s20] =	ssyncadd.s32 $0xFFFFC000  }
0x4e: {  	[tilespmem:s16], [sflag:$0x2] =	stream.indirect.gather [hbm4b:s1+s14], $0x80, s25, s14, $0xb8;
	[tilespmem:$0x1E400] =	vst v63  }
0x4f: {  	_ =	swait.ge [sflag:s17], $0x4000  }
0x50: {  	[sflag:s17] =	ssyncset.done $0x0  }
0x51: {  	s25 =	sadd.s32 $0x13F00, s22;
	[sflag:s17] =	ssyncadd.s32 $0xFFFFC000  }
0x52: {  	[spmem:s3] =	stream.indirect.scatter.add.f32 [tilespmem:s15], [sflag:$0x3], $0x80, s25, s14, $0xb8;
	[tilespmem:$0x1E400] =	vst v63  }
0x53: {  	_ =	swait.ge [sflag:s19], $0x4000  }
0x54: {  	[sflag:s19] =	ssyncset.done $0x0  }
0x55: {  	s22 =	sadd.s32 $0x13F80, s22;
	[sflag:s19] =	ssyncadd.s32 $0xFFFFC000  }
0x56: {  	[spmem:s3] =	stream.indirect.scatter.add.f32 [tilespmem:s16], [sflag:$0x4], $0x80, s22, s14, $0xb8;
	[tilespmem:$0x1E400] =	vst v63  }
.Ltmp0:
0x57: {  	_ =	swait.ge [sflag:s18], $0x4000;
	(pc) =	sbr.rel @p0 .LBB2_2-.Ltmp0, $4  }
0x58: {  	[sflag:s18] =	ssyncset.done $0x0  }
0x59: {  	[sflag:s18] =	ssyncadd.s32 $0xFFFFC000  }
0x5a: {  	_ =	swait.ge [sflag:s20], $0x4000  }
0x5b: {  	s25 =	smov.u32 s23;
	s22 =	sshra.s32 s24, $0x2;
	[sflag:s20] =	ssyncset.done $0x0  }
0x5c: {  	s23 =	sadd.s32 $0x13C00, s22;
	[sflag:s20] =	ssyncadd.s32 $0xFFFFC000  }
0x5d: {  	[tilespmem:s15], [sflag:$0x1] =	stream.indirect.gather [hbm4b:s1+s14], $0x80, s23, s14, $0xb8;
	[tilespmem:$0x1E400] =	vst v63  }
0x5e: {  	s31 =	sadd.s32 $0x13C80, s22  }
0x5f: {  	[tilespmem:s16], [sflag:$0x2] =	stream.indirect.gather [hbm4b:s1+s14], $0x80, s31, s14, $0xb8;
	[tilespmem:$0x1E400] =	vst v63  }
0x60: {  	_ =	swait.ge [sflag:s17], $0x4000  }
0x61: {  	[sflag:s17] =	ssyncset.done $0x0  }
0x62: {  	s24 =	sadd.s32 $0x13E00, s22;
	[sflag:s17] =	ssyncadd.s32 $0xFFFFC000  }
0x63: {  	[spmem:s3] =	stream.indirect.scatter.add.f32 [tilespmem:s15], [sflag:$0x3], $0x80, s24, s14, $0xb8;
	[tilespmem:$0x1E400] =	vst v63  }
0x64: {  	_ =	swait.ge [sflag:s18], $0x4000  }
0x65: {  	[sflag:s18] =	ssyncset.done $0x0  }
0x66: {  	s25 =	sadd.s32 $0x13D00, s22;
	[sflag:s18] =	ssyncadd.s32 $0xFFFFC000  }
0x67: {  	[tilespmem:s15], [sflag:$0x1] =	stream.indirect.gather [hbm4b:s1+s14], $0x80, s25, s14, $0xb8;
	[tilespmem:$0x1E400] =	vst v63  }
0x68: {  	_ =	swait.ge [sflag:s19], $0x4000  }
0x69: {  	[sflag:s19] =	ssyncset.done $0x0  }
0x6a: {  	s26 =	sadd.s32 $0x13E80, s22;
	[sflag:s19] =	ssyncadd.s32 $0xFFFFC000  }
0x6b: {  	[spmem:s3] =	stream.indirect.scatter.add.f32 [tilespmem:s16], [sflag:$0x4], $0x80, s26, s14, $0xb8;
	[tilespmem:$0x1E400] =	vst v63  }
0x6c: {  	_ =	swait.ge [sflag:s20], $0x4000  }
0x6d: {  	[sflag:s20] =	ssyncset.done $0x0  }
0x6e: {  	s28 =	sadd.s32 $0x13D80, s22;
	[sflag:s20] =	ssyncadd.s32 $0xFFFFC000  }
0x6f: {  	[tilespmem:s16], [sflag:$0x2] =	stream.indirect.gather [hbm4b:s1+s14], $0x80, s28, s14, $0xb8;
	[tilespmem:$0x1E400] =	vst v63  }
0x70: {  	_ =	swait.ge [sflag:s17], $0x4000  }
0x71: {  	[sflag:s17] =	ssyncset.done $0x0  }
0x72: {  	s29 =	sadd.s32 $0x13F00, s22;
	[sflag:s17] =	ssyncadd.s32 $0xFFFFC000  }
0x73: {  	[spmem:s3] =	stream.indirect.scatter.add.f32 [tilespmem:s15], [sflag:$0x3], $0x80, s29, s14, $0xb8;
	[tilespmem:$0x1E400] =	vst v63  }
0x74: {  	_ =	swait.ge [sflag:s19], $0x4000  }
0x75: {  	[sflag:s19] =	ssyncset.done $0x0  }
0x76: {  	s30 =	sadd.s32 $0x13F80, s22;
	[sflag:s19] =	ssyncadd.s32 $0xFFFFC000  }
0x77: {  	[spmem:s3] =	stream.indirect.scatter.add.f32 [tilespmem:s16], [sflag:$0x4], $0x80, s30, s14, $0xb8;
	[tilespmem:$0x1E400] =	vst v63  }
0x78: {  	_ =	swait.ge [sflag:s18], $0x4000  }
0x79: {  	[sflag:s18] =	ssyncset.done $0x0  }
0x7a: {  	[sflag:s18] =	ssyncadd.s32 $0xFFFFC000  }
0x7b: {  	_ =	swait.ge [sflag:s20], $0x4000  }
0x7c: {  	[sflag:s20] =	ssyncset.done $0x0  }
0x7d: {  	s31 =	simm.s32 $0x0;
	[sflag:s20] =	ssyncadd.s32 $0xFFFFC000  }
0x7e: {  	[tilespmem:s13], [sflag:$0x5] =	stream.linear.gather [hbm4b:s8+s31], $0x2800, $0x38;
	[tilespmem:$0x1E400] =	vst v63  }
0x7f: {  	_ =	swait.ge [sflag:s12], $0x2800  }
0x80: {  	[sflag:s12] =	ssyncset.done $0x0  }
0x81: {  	s23 =	simm.s32 $0x13C00;
	[sflag:s12] =	ssyncadd.s32 $0xFFFFD800  }
0x82: {  	[tilespmem:s15], [sflag:$0x1] =	stream.indirect.gather [hbm4b:s1+s14], $0x80, s23, s14, $0xb8;
	[tilespmem:$0x1E400] =	vst v63  }
0x83: {  	s24 =	simm.s32 $0x13C80  }
0x84: {  	[tilespmem:s16], [sflag:$0x2] =	stream.indirect.gather [hbm4b:s1+s14], $0x80, s24, s14, $0xb8;
	[tilespmem:$0x1E400] =	vst v63  }
0x85: {  	_ =	swait.ge [sflag:s17], $0x4000  }
0x86: {  	[sflag:s17] =	ssyncset.done $0x0  }
0x87: {  	s25 =	simm.s32 $0x13E00;
	[sflag:s17] =	ssyncadd.s32 $0xFFFFC000  }
0x88: {  	[spmem:s3] =	stream.indirect.scatter.add.f32 [tilespmem:s15], [sflag:$0x3], $0x80, s25, s14, $0xb8;
	[tilespmem:$0x1E400] =	vst v63  }
0x89: {  	_ =	swait.ge [sflag:s18], $0x4000  }
0x8a: {  	[sflag:s18] =	ssyncset.done $0x0  }
0x8b: {  	s26 =	simm.s32 $0x13D00;
	[sflag:s18] =	ssyncadd.s32 $0xFFFFC000  }
0x8c: {  	[tilespmem:s15], [sflag:$0x1] =	stream.indirect.gather [hbm4b:s1+s14], $0x80, s26, s14, $0xb8;
	[tilespmem:$0x1E400] =	vst v63  }
0x8d: {  	_ =	swait.ge [sflag:s19], $0x4000  }
0x8e: {  	[sflag:s19] =	ssyncset.done $0x0  }
0x8f: {  	s28 =	simm.s32 $0x13E80;
	[sflag:s19] =	ssyncadd.s32 $0xFFFFC000  }
0x90: {  	[spmem:s3] =	stream.indirect.scatter.add.f32 [tilespmem:s16], [sflag:$0x4], $0x80, s28, s14, $0xb8;
	[tilespmem:$0x1E400] =	vst v63  }
0x91: {  	_ =	swait.ge [sflag:s20], $0x4000  }
0x92: {  	[sflag:s20] =	ssyncset.done $0x0  }
0x93: {  	s29 =	simm.s32 $0x13D80;
	[sflag:s20] =	ssyncadd.s32 $0xFFFFC000  }
0x94: {  	[tilespmem:s16], [sflag:$0x2] =	stream.indirect.gather [hbm4b:s1+s14], $0x80, s29, s14, $0xb8;
	[tilespmem:$0x1E400] =	vst v63  }
0x95: {  	_ =	swait.ge [sflag:s17], $0x4000  }
0x96: {  	[sflag:s17] =	ssyncset.done $0x0  }
0x97: {  	s30 =	simm.s32 $0x13F00;
	[sflag:s17] =	ssyncadd.s32 $0xFFFFC000  }
0x98: {  	[spmem:s3] =	stream.indirect.scatter.add.f32 [tilespmem:s15], [sflag:$0x3], $0x80, s30, s14, $0xb8;
	[tilespmem:$0x1E400] =	vst v63  }
0x99: {  	_ =	swait.ge [sflag:s19], $0x4000  }
0x9a: {  	[sflag:s19] =	ssyncset.done $0x0  }
0x9b: {  	s31 =	simm.s32 $0x13F80;
	[sflag:s19] =	ssyncadd.s32 $0xFFFFC000  }
0x9c: {  	[spmem:s3] =	stream.indirect.scatter.add.f32 [tilespmem:s16], [sflag:$0x4], $0x80, s31, s14, $0xb8;
	[tilespmem:$0x1E400] =	vst v63  }
0x9d: {  	_ =	swait.ge [sflag:s18], $0x4000  }
0x9e: {  	[sflag:s18] =	ssyncset.done $0x0  }
0x9f: {  	[sflag:s18] =	ssyncadd.s32 $0xFFFFC000  }
0xa0: {  	_ =	swait.ge [sflag:s20], $0x4000  }
0xa1: {  	s22 =	simm.s32 $0x400;
	s25 =	simm.s32 $0x2000;
	[sflag:s20] =	ssyncset.done $0x0  }
.LBB2_4:
0xa2: {  	s26 =	sadd.s32 $0x13C00, s22  }
0xa3: {  	[sflag:s20] =	ssyncadd.s32 $0xFFFFC000;
	s24 =	smov.u32 s25;
	s23 =	sadd.s32 $0x1000, s25  }
0xa4: {  	[tilespmem:s15], [sflag:$0x1] =	stream.indirect.gather [hbm4b:s1+s14], $0x80, s26, s14, $0xb8;
	[tilespmem:$0x1E400] =	vst v63  }
0xa5: {  	p0 =	sne.s32 s25, $0x9000;
	s25 =	sadd.s32 $0x13C80, s22  }
0xa6: {  	[tilespmem:s16], [sflag:$0x2] =	stream.indirect.gather [hbm4b:s1+s14], $0x80, s25, s14, $0xb8;
	[tilespmem:$0x1E400] =	vst v63  }
0xa7: {  	_ =	swait.ge [sflag:s17], $0x4000  }
0xa8: {  	[sflag:s17] =	ssyncset.done $0x0  }
0xa9: {  	s25 =	sadd.s32 $0x13E00, s22;
	[sflag:s17] =	ssyncadd.s32 $0xFFFFC000  }
0xaa: {  	[spmem:s3] =	stream.indirect.scatter.add.f32 [tilespmem:s15], [sflag:$0x3], $0x80, s25, s14, $0xb8;
	[tilespmem:$0x1E400] =	vst v63  }
0xab: {  	_ =	swait.ge [sflag:s18], $0x4000  }
0xac: {  	[sflag:s18] =	ssyncset.done $0x0  }
0xad: {  	s25 =	sadd.s32 $0x13D00, s22;
	[sflag:s18] =	ssyncadd.s32 $0xFFFFC000  }
0xae: {  	[tilespmem:s15], [sflag:$0x1] =	stream.indirect.gather [hbm4b:s1+s14], $0x80, s25, s14, $0xb8;
	[tilespmem:$0x1E400] =	vst v63  }
0xaf: {  	_ =	swait.ge [sflag:s19], $0x4000  }
0xb0: {  	[sflag:s19] =	ssyncset.done $0x0  }
0xb1: {  	s25 =	sadd.s32 $0x13E80, s22;
	[sflag:s19] =	ssyncadd.s32 $0xFFFFC000  }
0xb2: {  	[spmem:s3] =	stream.indirect.scatter.add.f32 [tilespmem:s16], [sflag:$0x4], $0x80, s25, s14, $0xb8;
	[tilespmem:$0x1E400] =	vst v63  }
0xb3: {  	_ =	swait.ge [sflag:s20], $0x4000  }
0xb4: {  	[sflag:s20] =	ssyncset.done $0x0  }
0xb5: {  	s25 =	sadd.s32 $0x13D80, s22;
	[sflag:s20] =	ssyncadd.s32 $0xFFFFC000  }
0xb6: {  	[tilespmem:s16], [sflag:$0x2] =	stream.indirect.gather [hbm4b:s1+s14], $0x80, s25, s14, $0xb8;
	[tilespmem:$0x1E400] =	vst v63  }
0xb7: {  	_ =	swait.ge [sflag:s17], $0x4000  }
0xb8: {  	[sflag:s17] =	ssyncset.done $0x0  }
0xb9: {  	s25 =	sadd.s32 $0x13F00, s22;
	[sflag:s17] =	ssyncadd.s32 $0xFFFFC000  }
0xba: {  	[spmem:s3] =	stream.indirect.scatter.add.f32 [tilespmem:s15], [sflag:$0x3], $0x80, s25, s14, $0xb8;
	[tilespmem:$0x1E400] =	vst v63  }
0xbb: {  	_ =	swait.ge [sflag:s19], $0x4000  }
0xbc: {  	[sflag:s19] =	ssyncset.done $0x0  }
0xbd: {  	s22 =	sadd.s32 $0x13F80, s22;
	[sflag:s19] =	ssyncadd.s32 $0xFFFFC000  }
0xbe: {  	[spmem:s3] =	stream.indirect.scatter.add.f32 [tilespmem:s16], [sflag:$0x4], $0x80, s22, s14, $0xb8;
	[tilespmem:$0x1E400] =	vst v63  }
.Ltmp1:
0xbf: {  	_ =	swait.ge [sflag:s18], $0x4000;
	(pc) =	sbr.rel @p0 .LBB2_4-.Ltmp1, $4  }
0xc0: {  	[sflag:s18] =	ssyncset.done $0x0  }
0xc1: {  	[sflag:s18] =	ssyncadd.s32 $0xFFFFC000  }
0xc2: {  	_ =	swait.ge [sflag:s20], $0x4000  }
0xc3: {  	s25 =	smov.u32 s23;
	s22 =	sshra.s32 s24, $0x2;
	[sflag:s20] =	ssyncset.done $0x0  }
0xc4: {  	s23 =	sadd.s32 $0x13C00, s22;
	[sflag:s20] =	ssyncadd.s32 $0xFFFFC000  }
0xc5: {  	[tilespmem:s15], [sflag:$0x1] =	stream.indirect.gather [hbm4b:s1+s14], $0x80, s23, s14, $0xb8;
	[tilespmem:$0x1E400] =	vst v63  }
0xc6: {  	s24 =	sadd.s32 $0x13C80, s22  }
0xc7: {  	[tilespmem:s16], [sflag:$0x2] =	stream.indirect.gather [hbm4b:s1+s14], $0x80, s24, s14, $0xb8;
	[tilespmem:$0x1E400] =	vst v63  }
0xc8: {  	_ =	swait.ge [sflag:s17], $0x4000  }
0xc9: {  	[sflag:s17] =	ssyncset.done $0x0  }
0xca: {  	s25 =	sadd.s32 $0x13E00, s22;
	[sflag:s17] =	ssyncadd.s32 $0xFFFFC000  }
0xcb: {  	[spmem:s3] =	stream.indirect.scatter.add.f32 [tilespmem:s15], [sflag:$0x3], $0x80, s25, s14, $0xb8;
	[tilespmem:$0x1E400] =	vst v63  }
0xcc: {  	_ =	swait.ge [sflag:s18], $0x4000  }
0xcd: {  	[sflag:s18] =	ssyncset.done $0x0  }
0xce: {  	s26 =	sadd.s32 $0x13D00, s22;
	[sflag:s18] =	ssyncadd.s32 $0xFFFFC000  }
0xcf: {  	[tilespmem:s15], [sflag:$0x1] =	stream.indirect.gather [hbm4b:s1+s14], $0x80, s26, s14, $0xb8;
	[tilespmem:$0x1E400] =	vst v63  }
0xd0: {  	_ =	swait.ge [sflag:s19], $0x4000  }
0xd1: {  	[sflag:s19] =	ssyncset.done $0x0  }
0xd2: {  	s28 =	sadd.s32 $0x13E80, s22;
	[sflag:s19] =	ssyncadd.s32 $0xFFFFC000  }
0xd3: {  	[spmem:s3] =	stream.indirect.scatter.add.f32 [tilespmem:s16], [sflag:$0x4], $0x80, s28, s14, $0xb8;
	[tilespmem:$0x1E400] =	vst v63  }
0xd4: {  	_ =	swait.ge [sflag:s20], $0x4000  }
0xd5: {  	[sflag:s20] =	ssyncset.done $0x0  }
0xd6: {  	s29 =	sadd.s32 $0x13D80, s22;
	[sflag:s20] =	ssyncadd.s32 $0xFFFFC000  }
0xd7: {  	[tilespmem:s16], [sflag:$0x2] =	stream.indirect.gather [hbm4b:s1+s14], $0x80, s29, s14, $0xb8;
	[tilespmem:$0x1E400] =	vst v63  }
0xd8: {  	_ =	swait.ge [sflag:s17], $0x4000  }
0xd9: {  	[sflag:s17] =	ssyncset.done $0x0  }
0xda: {  	s30 =	sadd.s32 $0x13F00, s22;
	[sflag:s17] =	ssyncadd.s32 $0xFFFFC000  }
0xdb: {  	[spmem:s3] =	stream.indirect.scatter.add.f32 [tilespmem:s15], [sflag:$0x3], $0x80, s30, s14, $0xb8;
	[tilespmem:$0x1E400] =	vst v63  }
0xdc: {  	_ =	swait.ge [sflag:s19], $0x4000  }
0xdd: {  	[sflag:s19] =	ssyncset.done $0x0  }
0xde: {  	s31 =	sadd.s32 $0x13F80, s22;
	[sflag:s19] =	ssyncadd.s32 $0xFFFFC000  }
0xdf: {  	[spmem:s3] =	stream.indirect.scatter.add.f32 [tilespmem:s16], [sflag:$0x4], $0x80, s31, s14, $0xb8;
	[tilespmem:$0x1E400] =	vst v63  }
0xe0: {  	_ =	swait.ge [sflag:s18], $0x4000  }
0xe1: {  	[sflag:s18] =	ssyncset.done $0x0  }
0xe2: {  	[sflag:s18] =	ssyncadd.s32 $0xFFFFC000  }
0xe3: {  	_ =	swait.ge [sflag:s20], $0x4000  }
0xe4: {  	s21 =	sadd.s32 $0x1, s21;
	[sflag:s20] =	ssyncset.done $0x0  }
0xe5: {  	p0 =	sne.s32 s21, s10;
	[sflag:s20] =	ssyncadd.s32 $0xFFFFC000  }
.Ltmp2:
0xe6: {  	[bflag:$0x0] =	sbarrier.arrive $0xFFFF;
	(pc) =	sbr.rel @p0 .LBB2_1-.Ltmp2, $4  }
0xe7: {  	[hbm:s9], [sflag:s6] =	dma.local [spmem:s11], $0x2780  }
0xe8: {  	_ =	swait.ge [sflag:s12], $0x2780  }
0xe9: {  	[sflag:s12] =	ssyncset.done $0x0  }
0xea: {  	[sflag:s12] =	ssyncadd.s32 $0xFFFFD880  }
0xeb: {  	_ =	sfence.sel $0x180000  }
0xec: {  	[bflag:$0x0] =	sbarrier.arrive $0xFFFF  }
0xed: {  	p0 =	sne.s32 s0, $0x0;
	_ =	strace $0x9000004A  }
0xee: {  	s0 =	sadd.s32 @!p0 $0x100000, s2;
	[bflag:$0x2] =	sbarrier.arrive $0xFFFF  }
0xef: {  	[sflag:s0] =	ssyncadd.tile.s32 @!p0 $0x1;
	_ =	shalt  }
.Lfunc_end2:
_tile_overlayer_lowered:
.L_overlay_start_2:
0xf0: {  	(tag) =	ssettag $0x2  }
0xf1: {  	s0 =	rddreg [dreg:$0x0];
	s2 =	stileid.u32  }
0xf2: {  	s1 =	rddreg [dreg:$0x1];
	p0 =	sne.s32 s2, $0x0  }
0xf3: {  	s3 =	rddreg [dreg:$0x2];
	[bflag:$0x3] =	sbarrier.arrive $0xFFFF;
	s2 =	simm.s32 @!p0 $0x1C05  }
0xf4: {  	[timem:s3], [sflag:s2] =	dma.local @!p0 [hbm:s0], s1  }
0xf5: {  	s0 =	simm.s32 @!p0 $0x5  }
0xf6: {  	_ =	swait.ge @!p0 [sflag:s0], s1  }
0xf7: {  	s1 =	ssub.s32 @!p0 $0x0, s1;
	[sflag:s0] =	ssyncset.done @!p0 $0x0  }
0xf8: {  	[sflag:s0] =	ssyncadd.s32 @!p0 s1  }
0xf9: {  	[bflag:$0x3] =	sbarrier.arrive $0xFFFF  }
0xfa: {  	_ =	shalt  }

// kernel: kernel.13.cloned.1.call-start
scs
__scs_entry_jumppad:
0x0: {  	(pc) =	sbr.rel $0x88, $3  }
0x1: {  	(tag) =	ssettag $0x0;
	lr =	simm.s32 $0x1  }
0x2: {  	[smem:$0x3F93] =	sst lr;
	_ =	strace $0xD0000000  }
0x3: {  	_ = 	snop  }
0x4: {  	_ = 	snop  }
0x5: {  	_ = 	snop  }
0x6: {  	_ = 	snop  }
0x7: {  	_ = 	snop  }
__scs_overlays_trampoline_lowered:
0x8: {  	[smem:$0x3FA2] =	sst s0  }
0x9: {  	[smem:$0x3FA3] =	sst s1  }
0xa: {  	[smem:$0x3FA4] =	sst s2  }
0xb: {  	[smem:$0x3FA5] =	sst s3  }
0xc: {  	[smem:$0x3FA6] =	sst s4  }
0xd: {  	[smem:$0x3FA7] =	sst s5  }
0xe: {  	[smem:$0x3FA8] =	sst s6  }
0xf: {  	[smem:$0x3FA9] =	sst s7  }
0x10: {  	[smem:$0x3FAA] =	sst s8  }
0x11: {  	[smem:$0x3FAB] =	sst s9;
	s0 =	simm.s32 @!p0 $0x0  }
0x12: {  	s1 =	sld [smem:$0x3F91];
	s0 =	simm.s32 @p0 $0x1  }
0x13: {  	[smem:$0x3FAC] =	sst s0;
	s0 =	simm.s32 @!p1 $0x0  }
0x14: {  	s2 =	sld [smem:$0x3F90];
	s0 =	simm.s32 @p1 $0x1  }
0x15: {  	[smem:$0x3FAD] =	sst s0;
	s0 =	simm.s32 @!p2 $0x0  }
0x16: {  	s3 =	sld [smem:$0x3FDB];
	s0 =	simm.s32 @p2 $0x1  }
0x17: {  	s4 =	simm.s32 $0x1BF5;
	[smem:$0x3FAF] =	sst s0  }
0x18: {  	s0 =	sld [smem:$0x3F92];
	_ =	swait.ge [sflag:s4], $0x0  }
0x19: {  	s7 =	sld [smem:$0x3F93]  }
0x1a: {  	s8 =	sadd.s32 $0xFFFFE003, lr  }
0x1b: {  	s9 =	sadd.s32 $0xFFFFFEF7, lr;
	s5 =	simm.s32 $0xFFFFFFFF;
	p2 =	slt.u32 s8, $0xFFFFF086  }
0x1c: {  	p1 =	slt.u32 s9, $0xF7A;
	s5 =	simm.s32 @!p2 $0x0  }
0x1d: {  	s5 =	simm.s32 @p1 $0x1;
	p0 =	seq.s32 s7, s2  }
0x1e: {  	s7 =	smul.u32 @!p0 $0xF7A, s2;
	p2 =	seq.s32 @!p0 s5, $0x0  }
0x1f: {  	s9 =	smul.u32 $0xF7A, s1;
	s8 =	simm.s32 @!p0 $0x1BF5;
	p2 =	por !p2, p0  }
0x20: {  	[sflag:s8] =	ssyncset.s32 @!p0 $0xFFFFF086;
	s6 =	sadd.s32 @!p0 s3, s7;
	s7 =	simm.s32 @!p0 $0x108  }
0x21: {  	s3 =	sadd.s32 s3, s9;
	s6 =	sadd.s32 @!p0 $0x88, s6;
	s7 =	simm.s32 @p2 $0x1082  }
0x22: {  	[simem:s7], [sflag:s8] =	dma.local @!p0 [hbm:s6], $0xF7A  }
0x23: {  	s9 =	sor.u32 $0xD0000000, s2;
	s6 =	simm.s32 $0x108;
	_ =	swait.ge @!p0 [sflag:s8], $0x0  }
0x24: {  	s3 =	sadd.s32 $0x88, s3;
	s6 =	simm.s32 @!p1 $0x1082;
	[sflag:s4] =	ssyncset.s32 $0xFFFFF086  }
0x25: {  	[simem:s6], [sflag:s4] =	dma.local [hbm:s3], $0xF7A  }
0x26: {  	[smem:$0x3F93] =	sst s1;
	(tag) =	ssettag s2;
	_ =	strace s9  }
0x27: {  	s1 =	sld [smem:$0x3FA3]  }
0x28: {  	s2 =	sld [smem:$0x3FA4]  }
0x29: {  	s4 =	sld [smem:$0x3FA6]  }
0x2a: {  	p0 =	seq.s32 s5, $0x0;
	s5 =	sld [smem:$0x3FA7]  }
0x2b: {  	s6 =	sld [smem:$0x3FA8]  }
0x2c: {  	s7 =	sld [smem:$0x3FA9]  }
0x2d: {  	s3 =	simm.s32 $0x108;
	s8 =	sld [smem:$0x3FAA]  }
0x2e: {  	s3 =	simm.s32 @!p0 $0x1082;
	s9 =	sld [smem:$0x3FAB]  }
0x2f: {  	lr =	sadd.s32 s0, s3;
	s0 =	sld [smem:$0x3FA2]  }
0x30: {  	s3 =	sld [smem:$0x3FA5]  }
0x31: {  	[smem:$0x3FAE] =	sst s10  }
0x32: {  	s10 =	sld [smem:$0x3FAC];
	_ =	sdelay $0x3  }
0x33: {  	p0 =	seq.s32 s10, $0x1;
	s10 =	sld [smem:$0x3FAE];
	_ =	sdelay $0x3  }
0x34: {  	[smem:$0x3FAE] =	sst s10  }
0x35: {  	s10 =	sld [smem:$0x3FAD];
	_ =	sdelay $0x3  }
0x36: {  	p1 =	seq.s32 s10, $0x1;
	s10 =	sld [smem:$0x3FAE];
	_ =	sdelay $0x3  }
0x37: {  	[smem:$0x3FAE] =	sst s10  }
0x38: {  	s10 =	sld [smem:$0x3FAF]  }
0x39: {  	_ = 	snop;
	(pc) =	sbr.ind lr, $3  }
0x3a: {  	_ = 	snop  }
0x3b: {  	_ = 	snop  }
0x3c: {  	p2 =	seq.s32 s10, $0x1;
	s10 =	sld [smem:$0x3FAE]  }
0x3d: {  	_ =	shalt  }
0x3e: {  	_ =	shalt  }
0x3f: {  	_ =	shalt  }
0x40: {  	_ =	shalt  }
0x41: {  	_ =	shalt  }
0x42: {  	_ =	shalt  }
0x43: {  	_ =	shalt  }
0x44: {  	_ =	shalt  }
0x45: {  	_ =	shalt  }
0x46: {  	_ =	shalt  }
0x47: {  	_ =	shalt  }
0x48: {  	_ =	shalt  }
0x49: {  	_ =	shalt  }
0x4a: {  	_ =	shalt  }
0x4b: {  	_ =	shalt  }
0x4c: {  	_ =	shalt  }
0x4d: {  	_ =	shalt  }
0x4e: {  	_ =	shalt  }
0x4f: {  	_ =	shalt  }
0x50: {  	_ =	shalt  }
0x51: {  	_ =	shalt  }
0x52: {  	_ =	shalt  }
0x53: {  	_ =	shalt  }
0x54: {  	_ =	shalt  }
0x55: {  	_ =	shalt  }
0x56: {  	_ =	shalt  }
0x57: {  	_ =	shalt  }
0x58: {  	_ =	shalt  }
0x59: {  	_ =	shalt  }
0x5a: {  	_ =	shalt  }
0x5b: {  	_ =	shalt  }
0x5c: {  	_ =	shalt  }
0x5d: {  	_ =	shalt  }
0x5e: {  	_ =	shalt  }
0x5f: {  	_ =	shalt  }
0x60: {  	_ =	shalt  }
0x61: {  	_ =	shalt  }
0x62: {  	_ =	shalt  }
0x63: {  	_ =	shalt  }
0x64: {  	_ =	shalt  }
0x65: {  	_ =	shalt  }
0x66: {  	_ =	shalt  }
0x67: {  	_ =	shalt  }
0x68: {  	_ =	shalt  }
0x69: {  	_ =	shalt  }
0x6a: {  	_ =	shalt  }
0x6b: {  	_ =	shalt  }
0x6c: {  	_ =	shalt  }
0x6d: {  	_ =	shalt  }
0x6e: {  	_ =	shalt  }
0x6f: {  	_ =	shalt  }
0x70: {  	_ =	shalt  }
0x71: {  	_ =	shalt  }
0x72: {  	_ =	shalt  }
0x73: {  	_ =	shalt  }
0x74: {  	_ =	shalt  }
0x75: {  	_ =	shalt  }
0x76: {  	_ =	shalt  }
0x77: {  	_ =	shalt  }
0x78: {  	_ =	shalt  }
0x79: {  	_ =	shalt  }
0x7a: {  	_ =	shalt  }
0x7b: {  	_ =	shalt  }
0x7c: {  	_ =	shalt  }
0x7d: {  	_ =	shalt  }
0x7e: {  	_ =	shalt  }
0x7f: {  	_ =	shalt  }
0x80: {  	_ =	shalt  }
0x81: {  	_ =	shalt  }
0x82: {  	_ =	shalt  }
0x83: {  	_ =	shalt  }
0x84: {  	_ =	shalt  }
0x85: {  	_ =	shalt  }
0x86: {  	_ =	shalt  }
0x87: {  	_ =	shalt  }
.Lfunc_end0:
.L_simem_size_0:
called_computation.2_lowered:
.L_overlay_start_0:
0x88: {  	s2 =	sld [smem:$0x3FD9]  }
0x89: {  	s3 =	sld [smem:$0x3FFE];
	_ =	sdelay $0x1  }
0x8a: {  	s1 =	srdreg.scid  }
0x8b: {  	s0 =	sand.u32 $0x1, s1  }
0x8c: {  	s17 =	sshll.u32 s0, $0xA;
	s2 =	sadd.s32 s3, s2  }
0x8d: {  	s2 =	sadd.s32 s2, s17  }
0x8e: {  	[smem:$0x3FBA] =	sst s2  }
0x8f: {  	_ = 	snop  }
0x90: {  	s2 =	sld [smem:$0x3FD0];
	(tm) =	ssettm $0x1  }
0x91: {  	s18 =	sld [smem:$0x3FFB];
	_ =	sdelay $0x3  }
0x92: {  	_ =	strace s18  }
0x93: {  	s3 =	sld [smem:$0x3FFC];
	_ =	sdelay $0x3  }
0x94: {  	_ =	strace s3  }
0x95: {  	s3 =	sld [smem:$0x3FFD];
	_ =	sdelay $0x3  }
0x96: {  	_ =	strace s3  }
0x97: {  	_ =	strace $0x8FFFFFFF  }
0x98: {  	s19 =	sld [smem:$0x3FDB];
	_ =	sdelay $0x1  }
0x99: {  	s4 =	simm.s32 $_scs_section_size  }
0x9a: {  	s5 =	simm.s32 $_size__tile_overlayer_lowered;
	s6 =	simm.s32 $_tile_overlayer_lowered  }
0x9b: {  	s22 =	simm.s32 $0x1BFF;
	s21 =	sshll.u32 s6, $0x1;
	s3 =	sadd.s32 s4, s19  }
0x9c: {  	s7 =	simm.s32 $0x0;
	s20 =	sshll.u32 s5, $0x1;
	s5 =	sadd.s32 s21, s3  }
0x9d: {  	[timem:s7], [sflag:s22] =	dma.local [hbm:s5], s20  }
0x9e: {  	_ =	swait.ge [sflag:s22], s20  }
0x9f: {  	s4 =	ssub.s32 $0x0, s20;
	[sflag:s22] =	ssyncset.done $0x0  }
0xa0: {  	[sflag:s22] =	ssyncadd.s32 s4;
	_ =	sdelay $0x1  }
0xa1: {  	s23 =	simm.s32 $0x1B8B  }
0xa2: {  	_ =	swait.ge [sflag:s23], $0x1  }
0xa3: {  	[sflag:s23] =	ssyncset.done $0x0  }
0xa4: {  	s25 =	simm.s32 $0x1B8E;
	s24 =	sld [smem:$0x3FFE];
	[sflag:s23] =	ssyncadd.s32 $0xFFFFFFFF  }
0xa5: {  	s26 =	simm.s32 $execute0_lowered;
	[smem:$0x3FD2] =	sst s25  }
0xa6: {  	s5 =	sshll.u32 s26, $0x1;
	_ =	strace $0x8000004C;
	[dreg:$0x1] =	wrdreg $0xFFFFFFFF  }
0xa7: {  	s28 =	simm.s32 $_size_execute0_lowered;
	s3 =	sadd.s32 s3, s5;
	[dreg:$0x0] =	wrdreg $0x0  }
0xa8: {  	s5 =	sshll.u32 s28, $0x1;
	[dreg:$0x2] =	wrdreg s3  }
0xa9: {  	[dreg:$0x3] =	wrdreg s5  }
0xaa: {  	[dreg:$0x4] =	wrdreg $0xC0  }
0xab: {  	_ =	task [dreg:s7], $0x5FFFF  }
0xac: {  	[dreg:$0x1] =	wrdreg $0xFFFFFFFF  }
0xad: {  	[dreg:$0x0] =	wrdreg $0x60  }
0xae: {  	[dreg:$0x2] =	wrdreg s2  }
0xaf: {  	[dreg:$0x3] =	wrdreg s24  }
0xb0: {  	[dreg:$0x4] =	wrdreg $0x0  }
0xb1: {  	[dreg:$0x5] =	wrdreg $0x9  }
0xb2: {  	_ =	task.clear_ibuf [dreg:s7], $0x6FFFF;
	_ =	strace $0x9000004C  }
0xb3: {  	s29 =	simm.s32 $0x9;
	_ =	strace $0x8000004E  }
0xb4: {  	_ =	swait.ge [sflag:s29], $0x1  }
0xb5: {  	[sflag:s29] =	ssyncadd.s32 $0xFFFFFFFF  }
0xb6: {  	_ =	strace $0x9000004E  }
0xb7: {  	_ =	sfence  }
0xb8: {  	s30 =	sld [smem:$0x0];
	_ =	sdelay $0x2  }
0xb9: {  	s31 =	sshll.u32 s1, $0xD;
	s1 =	sshrl.u32 s1, $0x2  }
0xba: {  	s3 =	sand.u32 $0x4000, s31;
	s1 =	sadd.s32 s1, s30  }
0xbb: {  	s0 =	sor.u32 s3, s0;
	s1 =	sshll.u32 s1, $0x11  }
0xbc: {  	s0 =	sor.u32 s1, s0  }
0xbd: {  	s0 =	sadd.s32 $0x8F2B, s0  }
0xbe: {  	[sflag:s0] =	ssyncadd.remote.s32 $0x1  }
0xbf: {  	_ =	sfence.sel $0xFFFF  }
0xc0: {  	[dreg:$0x0] =	wrdreg $0xFFFFFFFF;
	(pc) =	sbr.abs _section_cstart, $3  }
0xc1: {  	[dreg:$0x1] =	wrdreg $0xFFFFFFFF  }
0xc2: {  	_ =	task.clear_ibuf [dreg:s7], $0x2FFFF;
	_ =	strace $0x9FFFFFFF  }
0xc3: {  	(tm) =	ssettm $0x7FFFFFFF  }
tec
execute0_lowered:
.L_overlay_start_1:
0x0: {  	(tag) =	ssettag $0x1  }
0x1: {  	s2 =	srdreg.scid;
	s1 =	rddreg [dreg:$0x0]  }
0x2: {  	s0 =	stileid.u32;
	s6 =	rddreg [dreg:$0x1]  }
0x3: {  	s3 =	rddreg [dreg:$0x2];
	s4 =	simm.s32 $0x0;
	s14 =	simm.s32 $0x80  }
0x4: {  	s15 =	simm.s32 $0x16400;
	s16 =	simm.s32 $0x1A400;
	s17 =	simm.s32 $0x1  }
0x5: {  	s18 =	simm.s32 $0x3;
	s19 =	simm.s32 $0x2;
	s20 =	simm.s32 $0x4  }
0x6: {  	s21 =	simm.s32 $0x0;
	s5 =	sand.u32 $0x1, s2;
	s8 =	smul.u32 $0x13C00, s0  }
0x7: {  	s25 =	sshll.u32 s0, $0x1;
	[smem:$0x7FF] =	sst s4;
	s28 =	smul.u32 $0x4F000, s0  }
0x8: {  	s31 =	sshll.u32 s0, $0x6;
	s2 =	sor.u32 s5, s25;
	s9 =	smul.u32 $0x13C000, s5  }
0x9: {  	s5 =	ssub.s32 $0x2, s5;
	s7 =	smul.u32 $0x5000, s2;
	s2 =	rddreg [dreg:$0x3]  }
0xa: {  	_ =	strace $0x8000004D;
	s26 =	sshrl.u32 s8, $0x3;
	s29 =	sshrl.u32 s5, $0x1  }
0xb: {  	s30 =	sshrl.u32 s28, $0x2;
	s8 =	sadd.s32 s8, s9;
	s12 =	ssub.s32 s5, s29  }
0xc: {  	s13 =	sadd.s32 s30, s3;
	s7 =	sshrl.u32 s7, $0x3;
	s8 =	sshrl.u32 s8, $0x3  }
0xd: {  	s10 =	sadd.s32 s7, s6;
	s7 =	sadd.s32 s26, s6;
	s11 =	sadd.s32 s8, s6  }
0xe: {  	s6 =	sor.u32 $0x1C05, s31;
	s5 =	sadd.s32 $0x16E00, s7;
	s7 =	sadd.s32 $0x2E00, s10  }
0xf: {  	s8 =	sadd.s32 $0x3300, s10;
	s9 =	sadd.s32 $0x3E600, s11;
	s10 =	smax.u32 s12, $0x1  }
0x10: {  	s11 =	sshrl.u32 s13, $0x3;
	s12 =	simm.s32 $0x5;
	s13 =	simm.s32 $0x13C00  }
.LBB2_1:
0x11: {  	[spmem:s11], [sflag:s6] =	dma.local [hbm:s5], $0x2780  }
0x12: {  	_ =	swait.ge [sflag:s12], $0x2780  }
0x13: {  	[sflag:s12] =	ssyncset.done $0x0  }
0x14: {  	[sflag:s12] =	ssyncadd.s32 $0xFFFFD880  }
0x15: {  	[bflag:$0x0] =	sbarrier.arrive $0xFFFF  }
0x16: {  	[tilespmem:s13], [sflag:$0x5] =	stream.linear.gather [hbm4b:s7+s4], $0x2800, $0x38;
	[tilespmem:$0x1E400] =	vst v63  }
0x17: {  	_ =	swait.ge [sflag:s12], $0x2800  }
0x18: {  	[sflag:s12] =	ssyncset.done $0x0  }
0x19: {  	s22 =	simm.s32 $0x13C00;
	[sflag:s12] =	ssyncadd.s32 $0xFFFFD800  }
0x1a: {  	[tilespmem:s15], [sflag:$0x1] =	stream.indirect.gather [hbm4b:s1+s14], $0x80, s22, s14, $0xb8;
	[tilespmem:$0x1E400] =	vst v63  }
0x1b: {  	s24 =	simm.s32 $0x13C80  }
0x1c: {  	[tilespmem:s16], [sflag:$0x2] =	stream.indirect.gather [hbm4b:s1+s14], $0x80, s24, s14, $0xb8;
	[tilespmem:$0x1E400] =	vst v63  }
0x1d: {  	_ =	swait.ge [sflag:s17], $0x4000  }
0x1e: {  	[sflag:s17] =	ssyncset.done $0x0  }
0x1f: {  	s25 =	simm.s32 $0x13E00;
	[sflag:s17] =	ssyncadd.s32 $0xFFFFC000  }
0x20: {  	[spmem:s3] =	stream.indirect.scatter.add.f32 [tilespmem:s15], [sflag:$0x3], $0x80, s25, s14, $0xb8;
	[tilespmem:$0x1E400] =	vst v63  }
0x21: {  	_ =	swait.ge [sflag:s18], $0x4000  }
0x22: {  	[sflag:s18] =	ssyncset.done $0x0  }
0x23: {  	s26 =	simm.s32 $0x13D00;
	[sflag:s18] =	ssyncadd.s32 $0xFFFFC000  }
0x24: {  	[tilespmem:s15], [sflag:$0x1] =	stream.indirect.gather [hbm4b:s1+s14], $0x80, s26, s14, $0xb8;
	[tilespmem:$0x1E400] =	vst v63  }
0x25: {  	_ =	swait.ge [sflag:s19], $0x4000  }
0x26: {  	[sflag:s19] =	ssyncset.done $0x0  }
0x27: {  	s28 =	simm.s32 $0x13E80;
	[sflag:s19] =	ssyncadd.s32 $0xFFFFC000  }
0x28: {  	[spmem:s3] =	stream.indirect.scatter.add.f32 [tilespmem:s16], [sflag:$0x4], $0x80, s28, s14, $0xb8;
	[tilespmem:$0x1E400] =	vst v63  }
0x29: {  	_ =	swait.ge [sflag:s20], $0x4000  }
0x2a: {  	[sflag:s20] =	ssyncset.done $0x0  }
0x2b: {  	s29 =	simm.s32 $0x13D80;
	[sflag:s20] =	ssyncadd.s32 $0xFFFFC000  }
0x2c: {  	[tilespmem:s16], [sflag:$0x2] =	stream.indirect.gather [hbm4b:s1+s14], $0x80, s29, s14, $0xb8;
	[tilespmem:$0x1E400] =	vst v63  }
0x2d: {  	_ =	swait.ge [sflag:s17], $0x4000  }
0x2e: {  	[sflag:s17] =	ssyncset.done $0x0  }
0x2f: {  	s30 =	simm.s32 $0x13F00;
	[sflag:s17] =	ssyncadd.s32 $0xFFFFC000  }
0x30: {  	[spmem:s3] =	stream.indirect.scatter.add.f32 [tilespmem:s15], [sflag:$0x3], $0x80, s30, s14, $0xb8;
	[tilespmem:$0x1E400] =	vst v63  }
0x31: {  	_ =	swait.ge [sflag:s19], $0x4000  }
0x32: {  	[sflag:s19] =	ssyncset.done $0x0  }
0x33: {  	s31 =	simm.s32 $0x13F80;
	[sflag:s19] =	ssyncadd.s32 $0xFFFFC000  }
0x34: {  	[spmem:s3] =	stream.indirect.scatter.add.f32 [tilespmem:s16], [sflag:$0x4], $0x80, s31, s14, $0xb8;
	[tilespmem:$0x1E400] =	vst v63  }
0x35: {  	_ =	swait.ge [sflag:s18], $0x4000  }
0x36: {  	[sflag:s18] =	ssyncset.done $0x0  }
0x37: {  	[sflag:s18] =	ssyncadd.s32 $0xFFFFC000  }
0x38: {  	_ =	swait.ge [sflag:s20], $0x4000  }
0x39: {  	s22 =	simm.s32 $0x400;
	s25 =	simm.s32 $0x2000;
	[sflag:s20] =	ssyncset.done $0x0  }
.LBB2_2:
0x3a: {  	s26 =	sadd.s32 $0x13C00, s22  }
0x3b: {  	[sflag:s20] =	ssyncadd.s32 $0xFFFFC000;
	s24 =	smov.u32 s25;
	s23 =	sadd.s32 $0x1000, s25  }
0x3c: {  	[tilespmem:s15], [sflag:$0x1] =	stream.indirect.gather [hbm4b:s1+s14], $0x80, s26, s14, $0xb8;
	[tilespmem:$0x1E400] =	vst v63  }
0x3d: {  	p0 =	sne.s32 s25, $0x9000;
	s25 =	sadd.s32 $0x13C80, s22  }
0x3e: {  	[tilespmem:s16], [sflag:$0x2] =	stream.indirect.gather [hbm4b:s1+s14], $0x80, s25, s14, $0xb8;
	[tilespmem:$0x1E400] =	vst v63  }
0x3f: {  	_ =	swait.ge [sflag:s17], $0x4000  }
0x40: {  	[sflag:s17] =	ssyncset.done $0x0  }
0x41: {  	s25 =	sadd.s32 $0x13E00, s22;
	[sflag:s17] =	ssyncadd.s32 $0xFFFFC000  }
0x42: {  	[spmem:s3] =	stream.indirect.scatter.add.f32 [tilespmem:s15], [sflag:$0x3], $0x80, s25, s14, $0xb8;
	[tilespmem:$0x1E400] =	vst v63  }
0x43: {  	_ =	swait.ge [sflag:s18], $0x4000  }
0x44: {  	[sflag:s18] =	ssyncset.done $0x0  }
0x45: {  	s25 =	sadd.s32 $0x13D00, s22;
	[sflag:s18] =	ssyncadd.s32 $0xFFFFC000  }
0x46: {  	[tilespmem:s15], [sflag:$0x1] =	stream.indirect.gather [hbm4b:s1+s14], $0x80, s25, s14, $0xb8;
	[tilespmem:$0x1E400] =	vst v63  }
0x47: {  	_ =	swait.ge [sflag:s19], $0x4000  }
0x48: {  	[sflag:s19] =	ssyncset.done $0x0  }
0x49: {  	s25 =	sadd.s32 $0x13E80, s22;
	[sflag:s19] =	ssyncadd.s32 $0xFFFFC000  }
0x4a: {  	[spmem:s3] =	stream.indirect.scatter.add.f32 [tilespmem:s16], [sflag:$0x4], $0x80, s25, s14, $0xb8;
	[tilespmem:$0x1E400] =	vst v63  }
0x4b: {  	_ =	swait.ge [sflag:s20], $0x4000  }
0x4c: {  	[sflag:s20] =	ssyncset.done $0x0  }
0x4d: {  	s25 =	sadd.s32 $0x13D80, s22;
	[sflag:s20] =	ssyncadd.s32 $0xFFFFC000  }
0x4e: {  	[tilespmem:s16], [sflag:$0x2] =	stream.indirect.gather [hbm4b:s1+s14], $0x80, s25, s14, $0xb8;
	[tilespmem:$0x1E400] =	vst v63  }
0x4f: {  	_ =	swait.ge [sflag:s17], $0x4000  }
0x50: {  	[sflag:s17] =	ssyncset.done $0x0  }
0x51: {  	s25 =	sadd.s32 $0x13F00, s22;
	[sflag:s17] =	ssyncadd.s32 $0xFFFFC000  }
0x52: {  	[spmem:s3] =	stream.indirect.scatter.add.f32 [tilespmem:s15], [sflag:$0x3], $0x80, s25, s14, $0xb8;
	[tilespmem:$0x1E400] =	vst v63  }
0x53: {  	_ =	swait.ge [sflag:s19], $0x4000  }
0x54: {  	[sflag:s19] =	ssyncset.done $0x0  }
0x55: {  	s22 =	sadd.s32 $0x13F80, s22;
	[sflag:s19] =	ssyncadd.s32 $0xFFFFC000  }
0x56: {  	[spmem:s3] =	stream.indirect.scatter.add.f32 [tilespmem:s16], [sflag:$0x4], $0x80, s22, s14, $0xb8;
	[tilespmem:$0x1E400] =	vst v63  }
.Ltmp0:
0x57: {  	_ =	swait.ge [sflag:s18], $0x4000;
	(pc) =	sbr.rel @p0 .LBB2_2-.Ltmp0, $4  }
0x58: {  	[sflag:s18] =	ssyncset.done $0x0  }
0x59: {  	[sflag:s18] =	ssyncadd.s32 $0xFFFFC000  }
0x5a: {  	_ =	swait.ge [sflag:s20], $0x4000  }
0x5b: {  	s25 =	smov.u32 s23;
	s22 =	sshra.s32 s24, $0x2;
	[sflag:s20] =	ssyncset.done $0x0  }
0x5c: {  	s23 =	sadd.s32 $0x13C00, s22;
	[sflag:s20] =	ssyncadd.s32 $0xFFFFC000  }
0x5d: {  	[tilespmem:s15], [sflag:$0x1] =	stream.indirect.gather [hbm4b:s1+s14], $0x80, s23, s14, $0xb8;
	[tilespmem:$0x1E400] =	vst v63  }
0x5e: {  	s31 =	sadd.s32 $0x13C80, s22  }
0x5f: {  	[tilespmem:s16], [sflag:$0x2] =	stream.indirect.gather [hbm4b:s1+s14], $0x80, s31, s14, $0xb8;
	[tilespmem:$0x1E400] =	vst v63  }
0x60: {  	_ =	swait.ge [sflag:s17], $0x4000  }
0x61: {  	[sflag:s17] =	ssyncset.done $0x0  }
0x62: {  	s24 =	sadd.s32 $0x13E00, s22;
	[sflag:s17] =	ssyncadd.s32 $0xFFFFC000  }
0x63: {  	[spmem:s3] =	stream.indirect.scatter.add.f32 [tilespmem:s15], [sflag:$0x3], $0x80, s24, s14, $0xb8;
	[tilespmem:$0x1E400] =	vst v63  }
0x64: {  	_ =	swait.ge [sflag:s18], $0x4000  }
0x65: {  	[sflag:s18] =	ssyncset.done $0x0  }
0x66: {  	s25 =	sadd.s32 $0x13D00, s22;
	[sflag:s18] =	ssyncadd.s32 $0xFFFFC000  }
0x67: {  	[tilespmem:s15], [sflag:$0x1] =	stream.indirect.gather [hbm4b:s1+s14], $0x80, s25, s14, $0xb8;
	[tilespmem:$0x1E400] =	vst v63  }
0x68: {  	_ =	swait.ge [sflag:s19], $0x4000  }
0x69: {  	[sflag:s19] =	ssyncset.done $0x0  }
0x6a: {  	s26 =	sadd.s32 $0x13E80, s22;
	[sflag:s19] =	ssyncadd.s32 $0xFFFFC000  }
0x6b: {  	[spmem:s3] =	stream.indirect.scatter.add.f32 [tilespmem:s16], [sflag:$0x4], $0x80, s26, s14, $0xb8;
	[tilespmem:$0x1E400] =	vst v63  }
0x6c: {  	_ =	swait.ge [sflag:s20], $0x4000  }
0x6d: {  	[sflag:s20] =	ssyncset.done $0x0  }
0x6e: {  	s28 =	sadd.s32 $0x13D80, s22;
	[sflag:s20] =	ssyncadd.s32 $0xFFFFC000  }
0x6f: {  	[tilespmem:s16], [sflag:$0x2] =	stream.indirect.gather [hbm4b:s1+s14], $0x80, s28, s14, $0xb8;
	[tilespmem:$0x1E400] =	vst v63  }
0x70: {  	_ =	swait.ge [sflag:s17], $0x4000  }
0x71: {  	[sflag:s17] =	ssyncset.done $0x0  }
0x72: {  	s29 =	sadd.s32 $0x13F00, s22;
	[sflag:s17] =	ssyncadd.s32 $0xFFFFC000  }
0x73: {  	[spmem:s3] =	stream.indirect.scatter.add.f32 [tilespmem:s15], [sflag:$0x3], $0x80, s29, s14, $0xb8;
	[tilespmem:$0x1E400] =	vst v63  }
0x74: {  	_ =	swait.ge [sflag:s19], $0x4000  }
0x75: {  	[sflag:s19] =	ssyncset.done $0x0  }
0x76: {  	s30 =	sadd.s32 $0x13F80, s22;
	[sflag:s19] =	ssyncadd.s32 $0xFFFFC000  }
0x77: {  	[spmem:s3] =	stream.indirect.scatter.add.f32 [tilespmem:s16], [sflag:$0x4], $0x80, s30, s14, $0xb8;
	[tilespmem:$0x1E400] =	vst v63  }
0x78: {  	_ =	swait.ge [sflag:s18], $0x4000  }
0x79: {  	[sflag:s18] =	ssyncset.done $0x0  }
0x7a: {  	[sflag:s18] =	ssyncadd.s32 $0xFFFFC000  }
0x7b: {  	_ =	swait.ge [sflag:s20], $0x4000  }
0x7c: {  	[sflag:s20] =	ssyncset.done $0x0  }
0x7d: {  	s31 =	simm.s32 $0x0;
	[sflag:s20] =	ssyncadd.s32 $0xFFFFC000  }
0x7e: {  	[tilespmem:s13], [sflag:$0x5] =	stream.linear.gather [hbm4b:s8+s31], $0x2800, $0x38;
	[tilespmem:$0x1E400] =	vst v63  }
0x7f: {  	_ =	swait.ge [sflag:s12], $0x2800  }
0x80: {  	[sflag:s12] =	ssyncset.done $0x0  }
0x81: {  	s23 =	simm.s32 $0x13C00;
	[sflag:s12] =	ssyncadd.s32 $0xFFFFD800  }
0x82: {  	[tilespmem:s15], [sflag:$0x1] =	stream.indirect.gather [hbm4b:s1+s14], $0x80, s23, s14, $0xb8;
	[tilespmem:$0x1E400] =	vst v63  }
0x83: {  	s24 =	simm.s32 $0x13C80  }
0x84: {  	[tilespmem:s16], [sflag:$0x2] =	stream.indirect.gather [hbm4b:s1+s14], $0x80, s24, s14, $0xb8;
	[tilespmem:$0x1E400] =	vst v63  }
0x85: {  	_ =	swait.ge [sflag:s17], $0x4000  }
0x86: {  	[sflag:s17] =	ssyncset.done $0x0  }
0x87: {  	s25 =	simm.s32 $0x13E00;
	[sflag:s17] =	ssyncadd.s32 $0xFFFFC000  }
0x88: {  	[spmem:s3] =	stream.indirect.scatter.add.f32 [tilespmem:s15], [sflag:$0x3], $0x80, s25, s14, $0xb8;
	[tilespmem:$0x1E400] =	vst v63  }
0x89: {  	_ =	swait.ge [sflag:s18], $0x4000  }
0x8a: {  	[sflag:s18] =	ssyncset.done $0x0  }
0x8b: {  	s26 =	simm.s32 $0x13D00;
	[sflag:s18] =	ssyncadd.s32 $0xFFFFC000  }
0x8c: {  	[tilespmem:s15], [sflag:$0x1] =	stream.indirect.gather [hbm4b:s1+s14], $0x80, s26, s14, $0xb8;
	[tilespmem:$0x1E400] =	vst v63  }
0x8d: {  	_ =	swait.ge [sflag:s19], $0x4000  }
0x8e: {  	[sflag:s19] =	ssyncset.done $0x0  }
0x8f: {  	s28 =	simm.s32 $0x13E80;
	[sflag:s19] =	ssyncadd.s32 $0xFFFFC000  }
0x90: {  	[spmem:s3] =	stream.indirect.scatter.add.f32 [tilespmem:s16], [sflag:$0x4], $0x80, s28, s14, $0xb8;
	[tilespmem:$0x1E400] =	vst v63  }
0x91: {  	_ =	swait.ge [sflag:s20], $0x4000  }
0x92: {  	[sflag:s20] =	ssyncset.done $0x0  }
0x93: {  	s29 =	simm.s32 $0x13D80;
	[sflag:s20] =	ssyncadd.s32 $0xFFFFC000  }
0x94: {  	[tilespmem:s16], [sflag:$0x2] =	stream.indirect.gather [hbm4b:s1+s14], $0x80, s29, s14, $0xb8;
	[tilespmem:$0x1E400] =	vst v63  }
0x95: {  	_ =	swait.ge [sflag:s17], $0x4000  }
0x96: {  	[sflag:s17] =	ssyncset.done $0x0  }
0x97: {  	s30 =	simm.s32 $0x13F00;
	[sflag:s17] =	ssyncadd.s32 $0xFFFFC000  }
0x98: {  	[spmem:s3] =	stream.indirect.scatter.add.f32 [tilespmem:s15], [sflag:$0x3], $0x80, s30, s14, $0xb8;
	[tilespmem:$0x1E400] =	vst v63  }
0x99: {  	_ =	swait.ge [sflag:s19], $0x4000  }
0x9a: {  	[sflag:s19] =	ssyncset.done $0x0  }
0x9b: {  	s31 =	simm.s32 $0x13F80;
	[sflag:s19] =	ssyncadd.s32 $0xFFFFC000  }
0x9c: {  	[spmem:s3] =	stream.indirect.scatter.add.f32 [tilespmem:s16], [sflag:$0x4], $0x80, s31, s14, $0xb8;
	[tilespmem:$0x1E400] =	vst v63  }
0x9d: {  	_ =	swait.ge [sflag:s18], $0x4000  }
0x9e: {  	[sflag:s18] =	ssyncset.done $0x0  }
0x9f: {  	[sflag:s18] =	ssyncadd.s32 $0xFFFFC000  }
0xa0: {  	_ =	swait.ge [sflag:s20], $0x4000  }
0xa1: {  	s22 =	simm.s32 $0x400;
	s25 =	simm.s32 $0x2000;
	[sflag:s20] =	ssyncset.done $0x0  }
.LBB2_4:
0xa2: {  	s26 =	sadd.s32 $0x13C00, s22  }
0xa3: {  	[sflag:s20] =	ssyncadd.s32 $0xFFFFC000;
	s24 =	smov.u32 s25;
	s23 =	sadd.s32 $0x1000, s25  }
0xa4: {  	[tilespmem:s15], [sflag:$0x1] =	stream.indirect.gather [hbm4b:s1+s14], $0x80, s26, s14, $0xb8;
	[tilespmem:$0x1E400] =	vst v63  }
0xa5: {  	p0 =	sne.s32 s25, $0x9000;
	s25 =	sadd.s32 $0x13C80, s22  }
0xa6: {  	[tilespmem:s16], [sflag:$0x2] =	stream.indirect.gather [hbm4b:s1+s14], $0x80, s25, s14, $0xb8;
	[tilespmem:$0x1E400] =	vst v63  }
0xa7: {  	_ =	swait.ge [sflag:s17], $0x4000  }
0xa8: {  	[sflag:s17] =	ssyncset.done $0x0  }
0xa9: {  	s25 =	sadd.s32 $0x13E00, s22;
	[sflag:s17] =	ssyncadd.s32 $0xFFFFC000  }
0xaa: {  	[spmem:s3] =	stream.indirect.scatter.add.f32 [tilespmem:s15], [sflag:$0x3], $0x80, s25, s14, $0xb8;
	[tilespmem:$0x1E400] =	vst v63  }
0xab: {  	_ =	swait.ge [sflag:s18], $0x4000  }
0xac: {  	[sflag:s18] =	ssyncset.done $0x0  }
0xad: {  	s25 =	sadd.s32 $0x13D00, s22;
	[sflag:s18] =	ssyncadd.s32 $0xFFFFC000  }
0xae: {  	[tilespmem:s15], [sflag:$0x1] =	stream.indirect.gather [hbm4b:s1+s14], $0x80, s25, s14, $0xb8;
	[tilespmem:$0x1E400] =	vst v63  }
0xaf: {  	_ =	swait.ge [sflag:s19], $0x4000  }
0xb0: {  	[sflag:s19] =	ssyncset.done $0x0  }
0xb1: {  	s25 =	sadd.s32 $0x13E80, s22;
	[sflag:s19] =	ssyncadd.s32 $0xFFFFC000  }
0xb2: {  	[spmem:s3] =	stream.indirect.scatter.add.f32 [tilespmem:s16], [sflag:$0x4], $0x80, s25, s14, $0xb8;
	[tilespmem:$0x1E400] =	vst v63  }
0xb3: {  	_ =	swait.ge [sflag:s20], $0x4000  }
0xb4: {  	[sflag:s20] =	ssyncset.done $0x0  }
0xb5: {  	s25 =	sadd.s32 $0x13D80, s22;
	[sflag:s20] =	ssyncadd.s32 $0xFFFFC000  }
0xb6: {  	[tilespmem:s16], [sflag:$0x2] =	stream.indirect.gather [hbm4b:s1+s14], $0x80, s25, s14, $0xb8;
	[tilespmem:$0x1E400] =	vst v63  }
0xb7: {  	_ =	swait.ge [sflag:s17], $0x4000  }
0xb8: {  	[sflag:s17] =	ssyncset.done $0x0  }
0xb9: {  	s25 =	sadd.s32 $0x13F00, s22;
	[sflag:s17] =	ssyncadd.s32 $0xFFFFC000  }
0xba: {  	[spmem:s3] =	stream.indirect.scatter.add.f32 [tilespmem:s15], [sflag:$0x3], $0x80, s25, s14, $0xb8;
	[tilespmem:$0x1E400] =	vst v63  }
0xbb: {  	_ =	swait.ge [sflag:s19], $0x4000  }
0xbc: {  	[sflag:s19] =	ssyncset.done $0x0  }
0xbd: {  	s22 =	sadd.s32 $0x13F80, s22;
	[sflag:s19] =	ssyncadd.s32 $0xFFFFC000  }
0xbe: {  	[spmem:s3] =	stream.indirect.scatter.add.f32 [tilespmem:s16], [sflag:$0x4], $0x80, s22, s14, $0xb8;
	[tilespmem:$0x1E400] =	vst v63  }
.Ltmp1:
0xbf: {  	_ =	swait.ge [sflag:s18], $0x4000;
	(pc) =	sbr.rel @p0 .LBB2_4-.Ltmp1, $4  }
0xc0: {  	[sflag:s18] =	ssyncset.done $0x0  }
0xc1: {  	[sflag:s18] =	ssyncadd.s32 $0xFFFFC000  }
0xc2: {  	_ =	swait.ge [sflag:s20], $0x4000  }
0xc3: {  	s25 =	smov.u32 s23;
	s22 =	sshra.s32 s24, $0x2;
	[sflag:s20] =	ssyncset.done $0x0  }
0xc4: {  	s23 =	sadd.s32 $0x13C00, s22;
	[sflag:s20] =	ssyncadd.s32 $0xFFFFC000  }
0xc5: {  	[tilespmem:s15], [sflag:$0x1] =	stream.indirect.gather [hbm4b:s1+s14], $0x80, s23, s14, $0xb8;
	[tilespmem:$0x1E400] =	vst v63  }
0xc6: {  	s24 =	sadd.s32 $0x13C80, s22  }
0xc7: {  	[tilespmem:s16], [sflag:$0x2] =	stream.indirect.gather [hbm4b:s1+s14], $0x80, s24, s14, $0xb8;
	[tilespmem:$0x1E400] =	vst v63  }
0xc8: {  	_ =	swait.ge [sflag:s17], $0x4000  }
0xc9: {  	[sflag:s17] =	ssyncset.done $0x0  }
0xca: {  	s25 =	sadd.s32 $0x13E00, s22;
	[sflag:s17] =	ssyncadd.s32 $0xFFFFC000  }
0xcb: {  	[spmem:s3] =	stream.indirect.scatter.add.f32 [tilespmem:s15], [sflag:$0x3], $0x80, s25, s14, $0xb8;
	[tilespmem:$0x1E400] =	vst v63  }
0xcc: {  	_ =	swait.ge [sflag:s18], $0x4000  }
0xcd: {  	[sflag:s18] =	ssyncset.done $0x0  }
0xce: {  	s26 =	sadd.s32 $0x13D00, s22;
	[sflag:s18] =	ssyncadd.s32 $0xFFFFC000  }
0xcf: {  	[tilespmem:s15], [sflag:$0x1] =	stream.indirect.gather [hbm4b:s1+s14], $0x80, s26, s14, $0xb8;
	[tilespmem:$0x1E400] =	vst v63  }
0xd0: {  	_ =	swait.ge [sflag:s19], $0x4000  }
0xd1: {  	[sflag:s19] =	ssyncset.done $0x0  }
0xd2: {  	s28 =	sadd.s32 $0x13E80, s22;
	[sflag:s19] =	ssyncadd.s32 $0xFFFFC000  }
0xd3: {  	[spmem:s3] =	stream.indirect.scatter.add.f32 [tilespmem:s16], [sflag:$0x4], $0x80, s28, s14, $0xb8;
	[tilespmem:$0x1E400] =	vst v63  }
0xd4: {  	_ =	swait.ge [sflag:s20], $0x4000  }
0xd5: {  	[sflag:s20] =	ssyncset.done $0x0  }
0xd6: {  	s29 =	sadd.s32 $0x13D80, s22;
	[sflag:s20] =	ssyncadd.s32 $0xFFFFC000  }
0xd7: {  	[tilespmem:s16], [sflag:$0x2] =	stream.indirect.gather [hbm4b:s1+s14], $0x80, s29, s14, $0xb8;
	[tilespmem:$0x1E400] =	vst v63  }
0xd8: {  	_ =	swait.ge [sflag:s17], $0x4000  }
0xd9: {  	[sflag:s17] =	ssyncset.done $0x0  }
0xda: {  	s30 =	sadd.s32 $0x13F00, s22;
	[sflag:s17] =	ssyncadd.s32 $0xFFFFC000  }
0xdb: {  	[spmem:s3] =	stream.indirect.scatter.add.f32 [tilespmem:s15], [sflag:$0x3], $0x80, s30, s14, $0xb8;
	[tilespmem:$0x1E400] =	vst v63  }
0xdc: {  	_ =	swait.ge [sflag:s19], $0x4000  }
0xdd: {  	[sflag:s19] =	ssyncset.done $0x0  }
0xde: {  	s31 =	sadd.s32 $0x13F80, s22;
	[sflag:s19] =	ssyncadd.s32 $0xFFFFC000  }
0xdf: {  	[spmem:s3] =	stream.indirect.scatter.add.f32 [tilespmem:s16], [sflag:$0x4], $0x80, s31, s14, $0xb8;
	[tilespmem:$0x1E400] =	vst v63  }
0xe0: {  	_ =	swait.ge [sflag:s18], $0x4000  }
0xe1: {  	[sflag:s18] =	ssyncset.done $0x0  }
0xe2: {  	[sflag:s18] =	ssyncadd.s32 $0xFFFFC000  }
0xe3: {  	_ =	swait.ge [sflag:s20], $0x4000  }
0xe4: {  	s21 =	sadd.s32 $0x1, s21;
	[sflag:s20] =	ssyncset.done $0x0  }
0xe5: {  	p0 =	sne.s32 s21, s10;
	[sflag:s20] =	ssyncadd.s32 $0xFFFFC000  }
.Ltmp2:
0xe6: {  	[bflag:$0x0] =	sbarrier.arrive $0xFFFF;
	(pc) =	sbr.rel @p0 .LBB2_1-.Ltmp2, $4  }
0xe7: {  	[hbm:s9], [sflag:s6] =	dma.local [spmem:s11], $0x2780  }
0xe8: {  	_ =	swait.ge [sflag:s12], $0x2780  }
0xe9: {  	[sflag:s12] =	ssyncset.done $0x0  }
0xea: {  	[sflag:s12] =	ssyncadd.s32 $0xFFFFD880  }
0xeb: {  	_ =	sfence.sel $0x180000  }
0xec: {  	[bflag:$0x0] =	sbarrier.arrive $0xFFFF  }
0xed: {  	p0 =	sne.s32 s0, $0x0;
	_ =	strace $0x9000004D  }
0xee: {  	s0 =	sadd.s32 @!p0 $0x100000, s2;
	[bflag:$0x2] =	sbarrier.arrive $0xFFFF  }
0xef: {  	[sflag:s0] =	ssyncadd.tile.s32 @!p0 $0x1;
	_ =	shalt  }
.Lfunc_end2:
_tile_overlayer_lowered:
.L_overlay_start_2:
0xf0: {  	(tag) =	ssettag $0x2  }
0xf1: {  	s0 =	rddreg [dreg:$0x0];
	s2 =	stileid.u32  }
0xf2: {  	s1 =	rddreg [dreg:$0x1];
	p0 =	sne.s32 s2, $0x0  }
0xf3: {  	s3 =	rddreg [dreg:$0x2];
	[bflag:$0x3] =	sbarrier.arrive $0xFFFF;
	s2 =	simm.s32 @!p0 $0x1C05  }
0xf4: {  	[timem:s3], [sflag:s2] =	dma.local @!p0 [hbm:s0], s1  }
0xf5: {  	s0 =	simm.s32 @!p0 $0x5  }
0xf6: {  	_ =	swait.ge @!p0 [sflag:s0], s1  }
0xf7: {  	s1 =	ssub.s32 @!p0 $0x0, s1;
	[sflag:s0] =	ssyncset.done @!p0 $0x0  }
0xf8: {  	[sflag:s0] =	ssyncadd.s32 @!p0 s1  }
0xf9: {  	[bflag:$0x3] =	sbarrier.arrive $0xFFFF  }
0xfa: {  	_ =	shalt  }

// kernel: kernel.7.cloned.1.call-start
scs
__scs_entry_jumppad:
0x0: {  	(pc) =	sbr.rel $0x88, $3  }
0x1: {  	(tag) =	ssettag $0x0;
	lr =	simm.s32 $0x1  }
0x2: {  	[smem:$0x3F93] =	sst lr;
	_ =	strace $0xD0000000  }
0x3: {  	_ = 	snop  }
0x4: {  	_ = 	snop  }
0x5: {  	_ = 	snop  }
0x6: {  	_ = 	snop  }
0x7: {  	_ = 	snop  }
__scs_overlays_trampoline_lowered:
0x8: {  	[smem:$0x3FA2] =	sst s0  }
0x9: {  	[smem:$0x3FA3] =	sst s1  }
0xa: {  	[smem:$0x3FA4] =	sst s2  }
0xb: {  	[smem:$0x3FA5] =	sst s3  }
0xc: {  	[smem:$0x3FA6] =	sst s4  }
0xd: {  	[smem:$0x3FA7] =	sst s5  }
0xe: {  	[smem:$0x3FA8] =	sst s6  }
0xf: {  	[smem:$0x3FA9] =	sst s7  }
0x10: {  	[smem:$0x3FAA] =	sst s8  }
0x11: {  	[smem:$0x3FAB] =	sst s9;
	s0 =	simm.s32 @!p0 $0x0  }
0x12: {  	s1 =	sld [smem:$0x3F91];
	s0 =	simm.s32 @p0 $0x1  }
0x13: {  	[smem:$0x3FAC] =	sst s0;
	s0 =	simm.s32 @!p1 $0x0  }
0x14: {  	s2 =	sld [smem:$0x3F90];
	s0 =	simm.s32 @p1 $0x1  }
0x15: {  	[smem:$0x3FAD] =	sst s0;
	s0 =	simm.s32 @!p2 $0x0  }
0x16: {  	s3 =	sld [smem:$0x3FDB];
	s0 =	simm.s32 @p2 $0x1  }
0x17: {  	s4 =	simm.s32 $0x1BF5;
	[smem:$0x3FAF] =	sst s0  }
0x18: {  	s0 =	sld [smem:$0x3F92];
	_ =	swait.ge [sflag:s4], $0x0  }
0x19: {  	s7 =	sld [smem:$0x3F93]  }
0x1a: {  	s8 =	sadd.s32 $0xFFFFE003, lr  }
0x1b: {  	s9 =	sadd.s32 $0xFFFFFEF7, lr;
	s5 =	simm.s32 $0xFFFFFFFF;
	p2 =	slt.u32 s8, $0xFFFFF086  }
0x1c: {  	p1 =	slt.u32 s9, $0xF7A;
	s5 =	simm.s32 @!p2 $0x0  }
0x1d: {  	s5 =	simm.s32 @p1 $0x1;
	p0 =	seq.s32 s7, s2  }
0x1e: {  	s7 =	smul.u32 @!p0 $0xF7A, s2;
	p2 =	seq.s32 @!p0 s5, $0x0  }
0x1f: {  	s9 =	smul.u32 $0xF7A, s1;
	s8 =	simm.s32 @!p0 $0x1BF5;
	p2 =	por !p2, p0  }
0x20: {  	[sflag:s8] =	ssyncset.s32 @!p0 $0xFFFFF086;
	s6 =	sadd.s32 @!p0 s3, s7;
	s7 =	simm.s32 @!p0 $0x108  }
0x21: {  	s3 =	sadd.s32 s3, s9;
	s6 =	sadd.s32 @!p0 $0x88, s6;
	s7 =	simm.s32 @p2 $0x1082  }
0x22: {  	[simem:s7], [sflag:s8] =	dma.local @!p0 [hbm:s6], $0xF7A  }
0x23: {  	s9 =	sor.u32 $0xD0000000, s2;
	s6 =	simm.s32 $0x108;
	_ =	swait.ge @!p0 [sflag:s8], $0x0  }
0x24: {  	s3 =	sadd.s32 $0x88, s3;
	s6 =	simm.s32 @!p1 $0x1082;
	[sflag:s4] =	ssyncset.s32 $0xFFFFF086  }
0x25: {  	[simem:s6], [sflag:s4] =	dma.local [hbm:s3], $0xF7A  }
0x26: {  	[smem:$0x3F93] =	sst s1;
	(tag) =	ssettag s2;
	_ =	strace s9  }
0x27: {  	s1 =	sld [smem:$0x3FA3]  }
0x28: {  	s2 =	sld [smem:$0x3FA4]  }
0x29: {  	s4 =	sld [smem:$0x3FA6]  }
0x2a: {  	p0 =	seq.s32 s5, $0x0;
	s5 =	sld [smem:$0x3FA7]  }
0x2b: {  	s6 =	sld [smem:$0x3FA8]  }
0x2c: {  	s7 =	sld [smem:$0x3FA9]  }
0x2d: {  	s3 =	simm.s32 $0x108;
	s8 =	sld [smem:$0x3FAA]  }
0x2e: {  	s3 =	simm.s32 @!p0 $0x1082;
	s9 =	sld [smem:$0x3FAB]  }
0x2f: {  	lr =	sadd.s32 s0, s3;
	s0 =	sld [smem:$0x3FA2]  }
0x30: {  	s3 =	sld [smem:$0x3FA5]  }
0x31: {  	[smem:$0x3FAE] =	sst s10  }
0x32: {  	s10 =	sld [smem:$0x3FAC];
	_ =	sdelay $0x3  }
0x33: {  	p0 =	seq.s32 s10, $0x1;
	s10 =	sld [smem:$0x3FAE];
	_ =	sdelay $0x3  }
0x34: {  	[smem:$0x3FAE] =	sst s10  }
0x35: {  	s10 =	sld [smem:$0x3FAD];
	_ =	sdelay $0x3  }
0x36: {  	p1 =	seq.s32 s10, $0x1;
	s10 =	sld [smem:$0x3FAE];
	_ =	sdelay $0x3  }
0x37: {  	[smem:$0x3FAE] =	sst s10  }
0x38: {  	s10 =	sld [smem:$0x3FAF]  }
0x39: {  	_ = 	snop;
	(pc) =	sbr.ind lr, $3  }
0x3a: {  	_ = 	snop  }
0x3b: {  	_ = 	snop  }
0x3c: {  	p2 =	seq.s32 s10, $0x1;
	s10 =	sld [smem:$0x3FAE]  }
0x3d: {  	_ =	shalt  }
0x3e: {  	_ =	shalt  }
0x3f: {  	_ =	shalt  }
0x40: {  	_ =	shalt  }
0x41: {  	_ =	shalt  }
0x42: {  	_ =	shalt  }
0x43: {  	_ =	shalt  }
0x44: {  	_ =	shalt  }
0x45: {  	_ =	shalt  }
0x46: {  	_ =	shalt  }
0x47: {  	_ =	shalt  }
0x48: {  	_ =	shalt  }
0x49: {  	_ =	shalt  }
0x4a: {  	_ =	shalt  }
0x4b: {  	_ =	shalt  }
0x4c: {  	_ =	shalt  }
0x4d: {  	_ =	shalt  }
0x4e: {  	_ =	shalt  }
0x4f: {  	_ =	shalt  }
0x50: {  	_ =	shalt  }
0x51: {  	_ =	shalt  }
0x52: {  	_ =	shalt  }
0x53: {  	_ =	shalt  }
0x54: {  	_ =	shalt  }
0x55: {  	_ =	shalt  }
0x56: {  	_ =	shalt  }
0x57: {  	_ =	shalt  }
0x58: {  	_ =	shalt  }
0x59: {  	_ =	shalt  }
0x5a: {  	_ =	shalt  }
0x5b: {  	_ =	shalt  }
0x5c: {  	_ =	shalt  }
0x5d: {  	_ =	shalt  }
0x5e: {  	_ =	shalt  }
0x5f: {  	_ =	shalt  }
0x60: {  	_ =	shalt  }
0x61: {  	_ =	shalt  }
0x62: {  	_ =	shalt  }
0x63: {  	_ =	shalt  }
0x64: {  	_ =	shalt  }
0x65: {  	_ =	shalt  }
0x66: {  	_ =	shalt  }
0x67: {  	_ =	shalt  }
0x68: {  	_ =	shalt  }
0x69: {  	_ =	shalt  }
0x6a: {  	_ =	shalt  }
0x6b: {  	_ =	shalt  }
0x6c: {  	_ =	shalt  }
0x6d: {  	_ =	shalt  }
0x6e: {  	_ =	shalt  }
0x6f: {  	_ =	shalt  }
0x70: {  	_ =	shalt  }
0x71: {  	_ =	shalt  }
0x72: {  	_ =	shalt  }
0x73: {  	_ =	shalt  }
0x74: {  	_ =	shalt  }
0x75: {  	_ =	shalt  }
0x76: {  	_ =	shalt  }
0x77: {  	_ =	shalt  }
0x78: {  	_ =	shalt  }
0x79: {  	_ =	shalt  }
0x7a: {  	_ =	shalt  }
0x7b: {  	_ =	shalt  }
0x7c: {  	_ =	shalt  }
0x7d: {  	_ =	shalt  }
0x7e: {  	_ =	shalt  }
0x7f: {  	_ =	shalt  }
0x80: {  	_ =	shalt  }
0x81: {  	_ =	shalt  }
0x82: {  	_ =	shalt  }
0x83: {  	_ =	shalt  }
0x84: {  	_ =	shalt  }
0x85: {  	_ =	shalt  }
0x86: {  	_ =	shalt  }
0x87: {  	_ =	shalt  }
.Lfunc_end0:
.L_simem_size_0:
called_computation_lowered:
.L_overlay_start_0:
0x88: {  	s2 =	sld [smem:$0x3FD9]  }
0x89: {  	s3 =	sld [smem:$0x3FFE];
	_ =	sdelay $0x1  }
0x8a: {  	s1 =	srdreg.scid  }
0x8b: {  	s0 =	sand.u32 $0x1, s1  }
0x8c: {  	s17 =	sshll.u32 s0, $0xA;
	s2 =	sadd.s32 s3, s2  }
0x8d: {  	s2 =	sadd.s32 s2, s17  }
0x8e: {  	[smem:$0x3FBA] =	sst s2  }
0x8f: {  	_ = 	snop  }
0x90: {  	s2 =	sld [smem:$0x3FD0];
	(tm) =	ssettm $0x1  }
0x91: {  	s18 =	sld [smem:$0x3FFB];
	_ =	sdelay $0x3  }
0x92: {  	_ =	strace s18  }
0x93: {  	s3 =	sld [smem:$0x3FFC];
	_ =	sdelay $0x3  }
0x94: {  	_ =	strace s3  }
0x95: {  	s3 =	sld [smem:$0x3FFD];
	_ =	sdelay $0x3  }
0x96: {  	_ =	strace s3  }
0x97: {  	_ =	strace $0x8FFFFFFF  }
0x98: {  	s19 =	sld [smem:$0x3FDB];
	_ =	sdelay $0x1  }
0x99: {  	s4 =	simm.s32 $_scs_section_size  }
0x9a: {  	s5 =	simm.s32 $_size__tile_overlayer_lowered;
	s6 =	simm.s32 $_tile_overlayer_lowered  }
0x9b: {  	s22 =	simm.s32 $0x1BFF;
	s21 =	sshll.u32 s6, $0x1;
	s3 =	sadd.s32 s4, s19  }
0x9c: {  	s7 =	simm.s32 $0x0;
	s20 =	sshll.u32 s5, $0x1;
	s5 =	sadd.s32 s21, s3  }
0x9d: {  	[timem:s7], [sflag:s22] =	dma.local [hbm:s5], s20  }
0x9e: {  	_ =	swait.ge [sflag:s22], s20  }
0x9f: {  	s4 =	ssub.s32 $0x0, s20;
	[sflag:s22] =	ssyncset.done $0x0  }
0xa0: {  	[sflag:s22] =	ssyncadd.s32 s4;
	_ =	sdelay $0x1  }
0xa1: {  	s23 =	simm.s32 $0x1B8B  }
0xa2: {  	_ =	swait.ge [sflag:s23], $0x1  }
0xa3: {  	[sflag:s23] =	ssyncset.done $0x0  }
0xa4: {  	s25 =	simm.s32 $0x1B8E;
	s24 =	sld [smem:$0x3FFE];
	[sflag:s23] =	ssyncadd.s32 $0xFFFFFFFF  }
0xa5: {  	s26 =	simm.s32 $execute0_lowered;
	[smem:$0x3FD2] =	sst s25  }
0xa6: {  	s5 =	sshll.u32 s26, $0x1;
	_ =	strace $0x80000046;
	[dreg:$0x1] =	wrdreg $0xFFFFFFFF  }
0xa7: {  	s28 =	simm.s32 $_size_execute0_lowered;
	s3 =	sadd.s32 s3, s5;
	[dreg:$0x0] =	wrdreg $0x0  }
0xa8: {  	s5 =	sshll.u32 s28, $0x1;
	[dreg:$0x2] =	wrdreg s3  }
0xa9: {  	[dreg:$0x3] =	wrdreg s5  }
0xaa: {  	[dreg:$0x4] =	wrdreg $0xC0  }
0xab: {  	_ =	task [dreg:s7], $0x5FFFF  }
0xac: {  	[dreg:$0x1] =	wrdreg $0xFFFFFFFF  }
0xad: {  	[dreg:$0x0] =	wrdreg $0x60  }
0xae: {  	[dreg:$0x2] =	wrdreg s24  }
0xaf: {  	[dreg:$0x3] =	wrdreg s2  }
0xb0: {  	[dreg:$0x4] =	wrdreg $0x9  }
0xb1: {  	_ =	task.clear_ibuf [dreg:s7], $0x5FFFF;
	_ =	strace $0x90000046  }
0xb2: {  	s29 =	simm.s32 $0x9;
	_ =	strace $0x80000048  }
0xb3: {  	_ =	swait.ge [sflag:s29], $0x1  }
0xb4: {  	[sflag:s29] =	ssyncadd.s32 $0xFFFFFFFF  }
0xb5: {  	_ =	strace $0x90000048  }
0xb6: {  	_ =	sfence  }
0xb7: {  	s30 =	sld [smem:$0x0];
	_ =	sdelay $0x2  }
0xb8: {  	s31 =	sshll.u32 s1, $0xD;
	s1 =	sshrl.u32 s1, $0x2  }
0xb9: {  	s3 =	sand.u32 $0x4000, s31;
	s1 =	sadd.s32 s1, s30  }
0xba: {  	s0 =	sor.u32 s3, s0;
	s1 =	sshll.u32 s1, $0x11  }
0xbb: {  	s0 =	sor.u32 s1, s0  }
0xbc: {  	s0 =	sadd.s32 $0x8F2B, s0  }
0xbd: {  	[sflag:s0] =	ssyncadd.remote.s32 $0x1  }
0xbe: {  	_ =	sfence.sel $0xFFFF  }
0xbf: {  	[dreg:$0x0] =	wrdreg $0xFFFFFFFF;
	(pc) =	sbr.abs _section_cstart, $3  }
0xc0: {  	[dreg:$0x1] =	wrdreg $0xFFFFFFFF  }
0xc1: {  	_ =	task.clear_ibuf [dreg:s7], $0x2FFFF;
	_ =	strace $0x9FFFFFFF  }
0xc2: {  	(tm) =	ssettm $0x7FFFFFFF  }
0xc3: {  	_ =	shalt  }
tec
execute0_lowered:
.L_overlay_start_1:
0x0: {  	(tag) =	ssettag $0x1  }
0x1: {  	s3 =	rddreg [dreg:$0x0]  }
0x2: {  	s4 =	rddreg [dreg:$0x1]  }
0x3: {  	s0 =	rddreg [dreg:$0x2];
	s5 =	srdreg.scid  }
0x4: {  	s1 =	stileid.u32;
	s2 =	simm.s32 $0x0;
	s11 =	simm.s32 $0x0  }
0x5: {  	s5 =	sand.u32 $0x1, s5;
	s6 =	smul.u32 $0xA000, s1;
	[smem:$0x7FF] =	sst s2  }
0x6: {  	s8 =	sshrl.u32 s1, $0x2;
	s9 =	sshll.u32 s1, $0x8;
	s7 =	smul.u32 $0x5000, s5  }
0x7: {  	s10 =	sshll.u32 s5, $0x7;
	_ =	strace $0x80000047;
	s5 =	ssub.s32 $0x2, s5  }
0x8: {  	s8 =	smul.u32 $0x13C00, s8;
	s9 =	sor.u32 s10, s9;
	s30 =	sshrl.u32 s5, $0x1  }
0x9: {  	s10 =	simm.s32 $0x2;
	s6 =	sadd.s32 s7, s6;
	s29 =	sand.u32 $0x380, s9  }
0xa: {  	s5 =	ssub.s32 s5, s30;
	s9 =	simm.s32 $0x400;
	s7 =	sor.u32 s8, s29  }
0xb: {  	s6 =	sshrl.u32 s6, $0x3;
	s8 =	simm.s32 $0x80;
	s31 =	sshrl.u32 s7, $0x3  }
0xc: {  	s6 =	sadd.s32 s6, s3;
	s7 =	simm.s32 $0x1;
	s3 =	sadd.s32 s4, s31  }
0xd: {  	v0 =	vimm.f32 $0.0e+00;
	v1 =	vimm.f32 $1.000000000e+00;
	s4 =	smax.u32 s5, $0x1;
	s5 =	sadd.s32 $0x2E00, s6;
	s6 =	simm.s32 $0x2780  }
.LBB2_1:
0xe: {  	s12 =	simm.s32 $0x0  }
.LBB2_2:
0xf: {  	p0 =	sne.s32 s12, $0x9DC0  }
.Ltmp0:
0x10: {  	_ = 	snop;
	(pc) =	sbr.rel @p0 .LBB2_2-.Ltmp0, $3  }
0x11: {  	_ =	sdelay $0x1  }
0x12: {  	s13 =	sshra.s32 s12, $0x2  }
0x13: {  	s12 =	sadd.s32 $0x40, s12;
	[tilespmem:s13+$0x0] =	vst v0  }
0x14: {  	s12 =	simm.s32 $0x0  }
.LBB2_4:
0x15: {  	s13 =	sadd.s32 s12, s5  }
0x16: {  	[tilespmem:s6], [sflag:$0x1] =	stream.linear.gather [hbm4b:s13+s2], $0x400, $0x38;
	[tilespmem:$0x2B80] =	vst v63  }
0x17: {  	_ =	swait.ge [sflag:s7], $0x400  }
0x18: {  	[sflag:s7] =	ssyncset.done $0x0  }
0x19: {  	[sflag:s7] =	ssyncadd.s32 $0xFFFFFC00  }
0x1a: {  	v2 =	vld [tilespmem:$0x2980];
	_ =	sdelay $0x7  }
0x1b: {  	[tilespmem:v2+s2+$0x0] =	vst.idx.add.f32.msk $0xffff, v1  }
0x1c: {  	v2 =	vld [tilespmem:$0x2990];
	_ =	sdelay $0x7  }
0x1d: {  	[tilespmem:v2+s2+$0x0] =	vst.idx.add.f32.msk $0xffff, v1  }
0x1e: {  	v2 =	vld [tilespmem:$0x29A0];
	_ =	sdelay $0x7  }
0x1f: {  	[tilespmem:v2+s2+$0x0] =	vst.idx.add.f32.msk $0xffff, v1  }
0x20: {  	v2 =	vld [tilespmem:$0x29B0];
	_ =	sdelay $0x7  }
0x21: {  	[tilespmem:v2+s2+$0x0] =	vst.idx.add.f32.msk $0xffff, v1  }
0x22: {  	v2 =	vld [tilespmem:$0x29C0];
	_ =	sdelay $0x7  }
0x23: {  	[tilespmem:v2+s2+$0x0] =	vst.idx.add.f32.msk $0xffff, v1  }
0x24: {  	v2 =	vld [tilespmem:$0x29D0];
	_ =	sdelay $0x7  }
0x25: {  	[tilespmem:v2+s2+$0x0] =	vst.idx.add.f32.msk $0xffff, v1  }
0x26: {  	v2 =	vld [tilespmem:$0x29E0];
	_ =	sdelay $0x7  }
0x27: {  	[tilespmem:v2+s2+$0x0] =	vst.idx.add.f32.msk $0xffff, v1  }
0x28: {  	v2 =	vld [tilespmem:$0x29F0];
	_ =	sdelay $0x7  }
0x29: {  	[tilespmem:v2+s2+$0x0] =	vst.idx.add.f32.msk $0xffff, v1  }
0x2a: {  	v2 =	vld [tilespmem:$0x2A00];
	_ =	sdelay $0x7  }
0x2b: {  	[tilespmem:v2+s2+$0x0] =	vst.idx.add.f32.msk $0xffff, v1  }
0x2c: {  	v2 =	vld [tilespmem:$0x2A10];
	_ =	sdelay $0x7  }
0x2d: {  	[tilespmem:v2+s2+$0x0] =	vst.idx.add.f32.msk $0xffff, v1  }
0x2e: {  	v2 =	vld [tilespmem:$0x2A20];
	_ =	sdelay $0x7  }
0x2f: {  	[tilespmem:v2+s2+$0x0] =	vst.idx.add.f32.msk $0xffff, v1  }
0x30: {  	v2 =	vld [tilespmem:$0x2A30];
	_ =	sdelay $0x7  }
0x31: {  	[tilespmem:v2+s2+$0x0] =	vst.idx.add.f32.msk $0xffff, v1  }
0x32: {  	v2 =	vld [tilespmem:$0x2A40];
	_ =	sdelay $0x7  }
0x33: {  	[tilespmem:v2+s2+$0x0] =	vst.idx.add.f32.msk $0xffff, v1  }
0x34: {  	v2 =	vld [tilespmem:$0x2A50];
	_ =	sdelay $0x7  }
0x35: {  	[tilespmem:v2+s2+$0x0] =	vst.idx.add.f32.msk $0xffff, v1  }
0x36: {  	v2 =	vld [tilespmem:$0x2A60];
	_ =	sdelay $0x7  }
0x37: {  	[tilespmem:v2+s2+$0x0] =	vst.idx.add.f32.msk $0xffff, v1  }
0x38: {  	v2 =	vld [tilespmem:$0x2A70];
	_ =	sdelay $0x7  }
0x39: {  	[tilespmem:v2+s2+$0x0] =	vst.idx.add.f32.msk $0xffff, v1  }
0x3a: {  	v2 =	vld [tilespmem:$0x2A80];
	_ =	sdelay $0x7  }
0x3b: {  	[tilespmem:v2+s2+$0x0] =	vst.idx.add.f32.msk $0xffff, v1  }
0x3c: {  	v2 =	vld [tilespmem:$0x2A90];
	_ =	sdelay $0x7  }
0x3d: {  	[tilespmem:v2+s2+$0x0] =	vst.idx.add.f32.msk $0xffff, v1  }
0x3e: {  	v2 =	vld [tilespmem:$0x2AA0];
	_ =	sdelay $0x7  }
0x3f: {  	[tilespmem:v2+s2+$0x0] =	vst.idx.add.f32.msk $0xffff, v1  }
0x40: {  	v2 =	vld [tilespmem:$0x2AB0];
	_ =	sdelay $0x7  }
0x41: {  	[tilespmem:v2+s2+$0x0] =	vst.idx.add.f32.msk $0xffff, v1  }
0x42: {  	v2 =	vld [tilespmem:$0x2AC0];
	_ =	sdelay $0x7  }
0x43: {  	[tilespmem:v2+s2+$0x0] =	vst.idx.add.f32.msk $0xffff, v1  }
0x44: {  	v2 =	vld [tilespmem:$0x2AD0];
	_ =	sdelay $0x7  }
0x45: {  	[tilespmem:v2+s2+$0x0] =	vst.idx.add.f32.msk $0xffff, v1  }
0x46: {  	v2 =	vld [tilespmem:$0x2AE0];
	_ =	sdelay $0x7  }
0x47: {  	[tilespmem:v2+s2+$0x0] =	vst.idx.add.f32.msk $0xffff, v1  }
0x48: {  	v2 =	vld [tilespmem:$0x2AF0];
	_ =	sdelay $0x7  }
0x49: {  	[tilespmem:v2+s2+$0x0] =	vst.idx.add.f32.msk $0xffff, v1  }
0x4a: {  	v2 =	vld [tilespmem:$0x2B00];
	_ =	sdelay $0x7  }
0x4b: {  	[tilespmem:v2+s2+$0x0] =	vst.idx.add.f32.msk $0xffff, v1  }
0x4c: {  	v2 =	vld [tilespmem:$0x2B10];
	_ =	sdelay $0x7  }
0x4d: {  	[tilespmem:v2+s2+$0x0] =	vst.idx.add.f32.msk $0xffff, v1  }
0x4e: {  	v2 =	vld [tilespmem:$0x2B20];
	_ =	sdelay $0x7  }
0x4f: {  	[tilespmem:v2+s2+$0x0] =	vst.idx.add.f32.msk $0xffff, v1  }
0x50: {  	v2 =	vld [tilespmem:$0x2B30];
	_ =	sdelay $0x7  }
0x51: {  	[tilespmem:v2+s2+$0x0] =	vst.idx.add.f32.msk $0xffff, v1  }
0x52: {  	v2 =	vld [tilespmem:$0x2B40];
	_ =	sdelay $0x7  }
0x53: {  	[tilespmem:v2+s2+$0x0] =	vst.idx.add.f32.msk $0xffff, v1  }
0x54: {  	v2 =	vld [tilespmem:$0x2B50];
	_ =	sdelay $0x7  }
0x55: {  	[tilespmem:v2+s2+$0x0] =	vst.idx.add.f32.msk $0xffff, v1  }
0x56: {  	v2 =	vld [tilespmem:$0x2B60];
	_ =	sdelay $0x7  }
0x57: {  	[tilespmem:v2+s2+$0x0] =	vst.idx.add.f32.msk $0xffff, v1  }
0x58: {  	v2 =	vld [tilespmem:$0x2B70];
	_ =	sdelay $0x2  }
0x59: {  	p0 =	sne.s32 s12, $0x980  }
.Ltmp1:
0x5a: {  	_ = 	snop;
	(pc) =	sbr.rel @p0 .LBB2_4-.Ltmp1, $2  }
0x5b: {  	_ =	sdelay $0x2  }
0x5c: {  	s12 =	sadd.s32 $0x80, s12;
	[tilespmem:v2+s2+$0x0] =	vst.idx.add.f32.msk $0xffff, v1  }
0x5d: {  	s11 =	sadd.s32 $0x1, s11  }
0x5e: {  	p0 =	sne.s32 s11, s4  }
.Ltmp2:
0x5f: {  	_ = 	snop;
	(pc) =	sbr.rel @p0 .LBB2_1-.Ltmp2, $4  }
0x60: {  	[hbm4b:s3+s8] =	stream.strided.scatter [tilespmem:s2], [sflag:$0x2], $0x2780, s9, s8, $0x38;
	[tilespmem:$0x2B80] =	vst v63  }
0x61: {  	_ =	swait.ge [sflag:s10], $0x2780  }
0x62: {  	[sflag:s10] =	ssyncset.done $0x0  }
0x63: {  	[sflag:s10] =	ssyncadd.s32 $0xFFFFD880  }
0x64: {  	_ =	sfence.sel $0x180000  }
0x65: {  	[bflag:$0x0] =	sbarrier.arrive $0xFFFF  }
0x66: {  	p0 =	sne.s32 s1, $0x0;
	_ =	strace $0x90000047  }
0x67: {  	s0 =	sadd.s32 @!p0 $0x100000, s0;
	[bflag:$0x2] =	sbarrier.arrive $0xFFFF  }
0x68: {  	[sflag:s0] =	ssyncadd.tile.s32 @!p0 $0x1;
	_ =	shalt  }
.Lfunc_end2:
_tile_overlayer_lowered:
.L_overlay_start_2:
0x69: {  	(tag) =	ssettag $0x2  }
0x6a: {  	s0 =	rddreg [dreg:$0x0];
	s2 =	stileid.u32  }
0x6b: {  	s1 =	rddreg [dreg:$0x1];
	p0 =	sne.s32 s2, $0x0  }
0x6c: {  	s3 =	rddreg [dreg:$0x2];
	[bflag:$0x3] =	sbarrier.arrive $0xFFFF;
	s2 =	simm.s32 @!p0 $0x1C02  }
0x6d: {  	[timem:s3], [sflag:s2] =	dma.local @!p0 [hbm:s0], s1  }
0x6e: {  	s0 =	simm.s32 @!p0 $0x2  }
0x6f: {  	_ =	swait.ge @!p0 [sflag:s0], s1  }
0x70: {  	s1 =	ssub.s32 @!p0 $0x0, s1;
	[sflag:s0] =	ssyncset.done @!p0 $0x0  }
0x71: {  	[sflag:s0] =	ssyncadd.s32 @!p0 s1  }
0x72: {  	[bflag:$0x3] =	sbarrier.arrive $0xFFFF  }
0x73: {  	_ =	shalt  }

</sc_bundles>
